<compile_context>
chip_gen: v7x
topology: tpu7x:2x2x1
jax: 0.10.2.dev20260603
libtpu: 0.0.44.dev20260713+nightly
codegen_flags: <defaults>
</compile_context>

<pallas_src>
import functools

import jax
import jax.numpy as jnp
from jax import lax
from jax.experimental import pallas as pl
from jax.experimental.pallas import tpu as pltpu
from jax.experimental.pallas import tpu_sc as plsc

D = 768
B = 4 * 8192
NC = 2
NS = 16
NW = NC * NS
B_PER_W = B // NW
CHUNK = 32
N_CHUNKS = B_PER_W // CHUNK
NBUF = 5


def _make_emb():
    mesh = plsc.VectorSubcoreMesh(core_axis_name="c", subcore_axis_name="s")

    @functools.partial(
        pl.kernel,
        mesh=mesh,
        out_type=jax.ShapeDtypeStruct((B, D), jnp.float32),
        scratch_types=(
            [pltpu.VMEM((N_CHUNKS, CHUNK), jnp.int32)]
            + [pltpu.VMEM((CHUNK, D), jnp.float32)] * NBUF
            + [pltpu.SemaphoreType.DMA] * (2 * NBUF)
        ),
    )
    def emb(table_hbm, idx_hbm, out_hbm, idx_v, *rest):
        bufs = rest[:NBUF]
        gsems = rest[NBUF:2 * NBUF]
        wsems = rest[2 * NBUF:]
        wid = lax.axis_index("s") * NC + lax.axis_index("c")
        base = wid * B_PER_W
        pltpu.sync_copy(idx_hbm.at[wid], idx_v)
        gcop = [None] * NBUF
        wcop = [None] * NBUF
        for b in range(NBUF - 1):
            gcop[b] = pltpu.async_copy(table_hbm.at[idx_v.at[b]], bufs[b], gsems[b])
        for j in range(N_CHUNKS):
            b = j % NBUF
            gcop[b].wait()
            wcop[b] = pltpu.async_copy(
                bufs[b], out_hbm.at[pl.ds(base + j * CHUNK, CHUNK)], wsems[b])
            pj = j + NBUF - 1
            if pj < N_CHUNKS:
                pb = pj % NBUF
                if pj >= NBUF:
                    wcop[pb].wait()
                gcop[pb] = pltpu.async_copy(
                    table_hbm.at[idx_v.at[pj]], bufs[pb], gsems[pb])
        for j in range(max(0, N_CHUNKS - NBUF), N_CHUNKS):
            wcop[j % NBUF].wait()

    return emb


_emb = _make_emb()


@jax.jit
def kernel(x, table):
    ids = x.astype(jnp.int32).reshape(NW, N_CHUNKS, CHUNK)
    out = _emb(table, ids)
    return out.reshape(x.shape[0], x.shape[1], D)

# --- scband reference (transcript-rebuilt; emitter-appended) ---
"""Pipeline reference for scband-token-embedding-41987600285884 (READ-ONLY COPY).

The authoritative reference and input builder live on the scoring server;
editing this copy changes nothing except your own understanding.
"""

import jax, jax.numpy as jnp
import numpy as np

VOCAB_SIZE = 100000
D_MODEL = 768
PAD_TOKEN_ID = 0

def setup_inputs(seed: int = 0) -> dict:
    key = jax.random.key(seed)
    k1, k2 = jax.random.split(key)
    x = jax.random.randint(k1, (4, 8192), 0, VOCAB_SIZE, dtype=jnp.int64 if jax.config.jax_enable_x64 else jnp.int32)
    table = jax.random.normal(k2, (VOCAB_SIZE, D_MODEL), dtype=jnp.float32)
    # padding_idx row is zero, matching nn.Embedding(padding_idx=...)
    table = table.at[PAD_TOKEN_ID].set(0.0)
    return {"x": x, "table": table}

def reference(x, table):
    # nn.Embedding lookup: gather rows of the table by token id
    return jnp.take(table, x, axis=0)

if __name__ == "__main__":
    import jax
    _d = setup_inputs()
    print(jax.jit(kernel)(*tuple(_d.values())))

</pallas_src>

<mosaic_0001>
#map = affine_map<(d0, d1) -> (0, 0)>
#map1 = affine_map<(d0, d1) -> (0, 0, 0)>
module attributes {stable_mosaic.version = 14 : i64} {
  func.func @emb(%arg0: i32, %arg1: i32, %arg2: memref<100000x768xf32, #tpu.memory_space<hbm>>, %arg3: memref<32x32x32xi32, #tpu.memory_space<hbm>>, %arg4: memref<32768x768xf32, #tpu.memory_space<hbm>>, %arg5: memref<32x32xi32, #tpu.memory_space<vmem>>, %arg6: memref<32x768xf32, #tpu.memory_space<vmem>>, %arg7: memref<32x768xf32, #tpu.memory_space<vmem>>, %arg8: memref<32x768xf32, #tpu.memory_space<vmem>>, %arg9: memref<32x768xf32, #tpu.memory_space<vmem>>, %arg10: memref<32x768xf32, #tpu.memory_space<vmem>>, %arg11: memref<!tpu.dma_semaphore, #tpu.memory_space<semaphore_mem>>, %arg12: memref<!tpu.dma_semaphore, #tpu.memory_space<semaphore_mem>>, %arg13: memref<!tpu.dma_semaphore, #tpu.memory_space<semaphore_mem>>, %arg14: memref<!tpu.dma_semaphore, #tpu.memory_space<semaphore_mem>>, %arg15: memref<!tpu.dma_semaphore, #tpu.memory_space<semaphore_mem>>, %arg16: memref<!tpu.dma_semaphore, #tpu.memory_space<semaphore_mem>>, %arg17: memref<!tpu.dma_semaphore, #tpu.memory_space<semaphore_mem>>, %arg18: memref<!tpu.dma_semaphore, #tpu.memory_space<semaphore_mem>>, %arg19: memref<!tpu.dma_semaphore, #tpu.memory_space<semaphore_mem>>, %arg20: memref<!tpu.dma_semaphore, #tpu.memory_space<semaphore_mem>>) attributes {dimension_semantics = [#tpu.dimension_semantics<core_parallel>, #tpu.dimension_semantics<subcore_parallel>], iteration_bounds = array<i64: 2, 16>, scalar_prefetch = 0 : i64, scratch_operands = 16 : i64, tpu.core_type = #tpu.core_type<sc_vector_subcore>, window_params = [{transform_indices = #map}, {transform_indices = #map1}, {transform_indices = #map}]} {
    %mul3A = arith.constant 2 : i32
    %mul3A_0 = arith.muli %arg1, %mul3A : i32
    %add3A = arith.addi %mul3A_0, %arg0 : i32
    %mul3A_1 = arith.constant 1024 : i32
    %mul3A_2 = arith.muli %add3A, %mul3A_1 : i32
    "tpu.region"() ({
      %run_scoped3A = tpu.sem_alloc : memref<!tpu.dma_semaphore, #tpu.memory_space<semaphore_mem>>
      %dma_start3A_769 = arith.constant 0 : i32
      %dma_start3A_770 = arith.constant 0 : i32
      %dma_start3A_771 = tpu.memref_slice %arg3[%add3A, %dma_start3A_769, %dma_start3A_770] : memref<32x32x32xi32, #tpu.memory_space<hbm>> -> memref<1x32x32xi32, #tpu.memory_space<hbm>>
      %dma_start3A_772 = tpu.memref_squeeze %dma_start3A_771 : memref<1x32x32xi32, #tpu.memory_space<hbm>> -> memref<32x32xi32, #tpu.memory_space<hbm>>
      %dma_start3A_773 = arith.constant 0 : i32
      %dma_start3A_774 = arith.constant 0 : i32
      %dma_start3A_775 = tpu.memref_slice %arg3[%add3A, %dma_start3A_773, %dma_start3A_774] : memref<32x32x32xi32, #tpu.memory_space<hbm>> -> memref<1x32x32xi32, #tpu.memory_space<hbm>>
      %dma_start3A_776 = tpu.memref_squeeze %dma_start3A_775 : memref<1x32x32xi32, #tpu.memory_space<hbm>> -> memref<32x32xi32, #tpu.memory_space<hbm>>
      tpu.enqueue_dma source(%dma_start3A_776 : memref<32x32xi32, #tpu.memory_space<hbm>>) target(%arg5 : memref<32x32xi32, #tpu.memory_space<vmem>>) target_semaphore(%run_scoped3A : memref<!tpu.dma_semaphore, #tpu.memory_space<semaphore_mem>>)
      %dma_wait3A_777 = arith.constant 0 : i32
      %dma_wait3A_778 = arith.constant 0 : i32
      %dma_wait3A_779 = tpu.memref_slice %arg3[%add3A, %dma_wait3A_777, %dma_wait3A_778] : memref<32x32x32xi32, #tpu.memory_space<hbm>> -> memref<1x32x32xi32, #tpu.memory_space<hbm>>
      %dma_wait3A_780 = tpu.memref_squeeze %dma_wait3A_779 : memref<1x32x32xi32, #tpu.memory_space<hbm>> -> memref<32x32xi32, #tpu.memory_space<hbm>>
      %dma_wait3A_781 = arith.constant 0 : i32
      %dma_wait3A_782 = arith.constant 0 : i32
      %dma_wait3A_783 = tpu.memref_slice %arg3[%add3A, %dma_wait3A_781, %dma_wait3A_782] : memref<32x32x32xi32, #tpu.memory_space<hbm>> -> memref<1x32x32xi32, #tpu.memory_space<hbm>>
      %dma_wait3A_784 = tpu.memref_squeeze %dma_wait3A_783 : memref<1x32x32xi32, #tpu.memory_space<hbm>> -> memref<32x32xi32, #tpu.memory_space<hbm>>
      tpu.wait_dma2 semaphore(%run_scoped3A : memref<!tpu.dma_semaphore, #tpu.memory_space<semaphore_mem>>) src(%dma_wait3A_784 : memref<32x32xi32, #tpu.memory_space<hbm>>) dst(%arg5 : memref<32x32xi32, #tpu.memory_space<vmem>>)
      tpu.yield
    }) : () -> ()
    %dma_start3A = arith.constant 0 : i32
    %dma_start3A_3 = arith.constant 0 : i32
    %dma_start3A_4 = tpu.memref_slice %arg5[%dma_start3A, %dma_start3A_3] : memref<32x32xi32, #tpu.memory_space<vmem>> -> memref<1x32xi32, #tpu.memory_space<vmem>>
    %dma_start3A_5 = tpu.memref_squeeze %dma_start3A_4 : memref<1x32xi32, #tpu.memory_space<vmem>> -> memref<32xi32, #tpu.memory_space<vmem>>
    %dma_start3A_6 = arith.constant 0 : i32
    %dma_start3A_7 = arith.constant 0 : i32
    %dma_start3A_8 = tpu.memref_slice %arg2[%dma_start3A_6, %dma_start3A_7] : memref<100000x768xf32, #tpu.memory_space<hbm>> -> memref<100000x768xf32, #tpu.memory_space<hbm>>
    tpu.enqueue_indirect_dma source(%dma_start3A_8 : memref<100000x768xf32, #tpu.memory_space<hbm>>) target(%arg6 : memref<32x768xf32, #tpu.memory_space<vmem>>) offsets(%dma_start3A_5 : memref<32xi32, #tpu.memory_space<vmem>>) semaphore(%arg11 : memref<!tpu.dma_semaphore, #tpu.memory_space<semaphore_mem>>)
    %dma_start3A_9 = arith.constant 1 : i32
    %dma_start3A_10 = arith.constant 0 : i32
    %dma_start3A_11 = tpu.memref_slice %arg5[%dma_start3A_9, %dma_start3A_10] : memref<32x32xi32, #tpu.memory_space<vmem>> -> memref<1x32xi32, #tpu.memory_space<vmem>>
    %dma_start3A_12 = tpu.memref_squeeze %dma_start3A_11 : memref<1x32xi32, #tpu.memory_space<vmem>> -> memref<32xi32, #tpu.memory_space<vmem>>
    %dma_start3A_13 = arith.constant 0 : i32
    %dma_start3A_14 = arith.constant 0 : i32
    %dma_start3A_15 = tpu.memref_slice %arg2[%dma_start3A_13, %dma_start3A_14] : memref<100000x768xf32, #tpu.memory_space<hbm>> -> memref<100000x768xf32, #tpu.memory_space<hbm>>
    tpu.enqueue_indirect_dma source(%dma_start3A_15 : memref<100000x768xf32, #tpu.memory_space<hbm>>) target(%arg7 : memref<32x768xf32, #tpu.memory_space<vmem>>) offsets(%dma_start3A_12 : memref<32xi32, #tpu.memory_space<vmem>>) semaphore(%arg12 : memref<!tpu.dma_semaphore, #tpu.memory_space<semaphore_mem>>)
    %dma_start3A_16 = arith.constant 2 : i32
    %dma_start3A_17 = arith.constant 0 : i32
    %dma_start3A_18 = tpu.memref_slice %arg5[%dma_start3A_16, %dma_start3A_17] : memref<32x32xi32, #tpu.memory_space<vmem>> -> memref<1x32xi32, #tpu.memory_space<vmem>>
    %dma_start3A_19 = tpu.memref_squeeze %dma_start3A_18 : memref<1x32xi32, #tpu.memory_space<vmem>> -> memref<32xi32, #tpu.memory_space<vmem>>
    %dma_start3A_20 = arith.constant 0 : i32
    %dma_start3A_21 = arith.constant 0 : i32
    %dma_start3A_22 = tpu.memref_slice %arg2[%dma_start3A_20, %dma_start3A_21] : memref<100000x768xf32, #tpu.memory_space<hbm>> -> memref<100000x768xf32, #tpu.memory_space<hbm>>
    tpu.enqueue_indirect_dma source(%dma_start3A_22 : memref<100000x768xf32, #tpu.memory_space<hbm>>) target(%arg8 : memref<32x768xf32, #tpu.memory_space<vmem>>) offsets(%dma_start3A_19 : memref<32xi32, #tpu.memory_space<vmem>>) semaphore(%arg13 : memref<!tpu.dma_semaphore, #tpu.memory_space<semaphore_mem>>)
    %dma_start3A_23 = arith.constant 3 : i32
    %dma_start3A_24 = arith.constant 0 : i32
    %dma_start3A_25 = tpu.memref_slice %arg5[%dma_start3A_23, %dma_start3A_24] : memref<32x32xi32, #tpu.memory_space<vmem>> -> memref<1x32xi32, #tpu.memory_space<vmem>>
    %dma_start3A_26 = tpu.memref_squeeze %dma_start3A_25 : memref<1x32xi32, #tpu.memory_space<vmem>> -> memref<32xi32, #tpu.memory_space<vmem>>
    %dma_start3A_27 = arith.constant 0 : i32
    %dma_start3A_28 = arith.constant 0 : i32
    %dma_start3A_29 = tpu.memref_slice %arg2[%dma_start3A_27, %dma_start3A_28] : memref<100000x768xf32, #tpu.memory_space<hbm>> -> memref<100000x768xf32, #tpu.memory_space<hbm>>
    tpu.enqueue_indirect_dma source(%dma_start3A_29 : memref<100000x768xf32, #tpu.memory_space<hbm>>) target(%arg9 : memref<32x768xf32, #tpu.memory_space<vmem>>) offsets(%dma_start3A_26 : memref<32xi32, #tpu.memory_space<vmem>>) semaphore(%arg14 : memref<!tpu.dma_semaphore, #tpu.memory_space<semaphore_mem>>)
    %dma_wait3A = arith.constant 0 : i32
    %dma_wait3A_30 = arith.constant 0 : i32
    %dma_wait3A_31 = tpu.memref_slice %arg5[%dma_wait3A, %dma_wait3A_30] : memref<32x32xi32, #tpu.memory_space<vmem>> -> memref<1x32xi32, #tpu.memory_space<vmem>>
    %dma_wait3A_32 = tpu.memref_squeeze %dma_wait3A_31 : memref<1x32xi32, #tpu.memory_space<vmem>> -> memref<32xi32, #tpu.memory_space<vmem>>
    %dma_wait3A_33 = arith.constant 0 : i32
    %dma_wait3A_34 = arith.constant 0 : i32
    %dma_wait3A_35 = tpu.memref_slice %arg2[%dma_wait3A_33, %dma_wait3A_34] : memref<100000x768xf32, #tpu.memory_space<hbm>> -> memref<100000x768xf32, #tpu.memory_space<hbm>>
    tpu.wait_indirect_dma semaphore(%arg11 : memref<!tpu.dma_semaphore, #tpu.memory_space<semaphore_mem>>) src(%dma_wait3A_35 : memref<100000x768xf32, #tpu.memory_space<hbm>>) dst(%arg6 : memref<32x768xf32, #tpu.memory_space<vmem>>)
    %add3A_36 = arith.constant 0 : i32
    %add3A_37 = arith.addi %mul3A_2, %add3A_36 : i32
    %dma_start3A_38 = arith.constant 0 : i32
    %dma_start3A_39 = tpu.memref_slice %arg4[%add3A_37, %dma_start3A_38] : memref<32768x768xf32, #tpu.memory_space<hbm>> -> memref<32x768xf32, #tpu.memory_space<hbm>>
    %dma_start3A_40 = arith.constant 0 : i32
    %dma_start3A_41 = tpu.memref_slice %arg4[%add3A_37, %dma_start3A_40] : memref<32768x768xf32, #tpu.memory_space<hbm>> -> memref<32x768xf32, #tpu.memory_space<hbm>>
    tpu.enqueue_dma source(%arg6 : memref<32x768xf32, #tpu.memory_space<vmem>>) target(%dma_start3A_41 : memref<32x768xf32, #tpu.memory_space<hbm>>) target_semaphore(%arg16 : memref<!tpu.dma_semaphore, #tpu.memory_space<semaphore_mem>>)
    %dma_start3A_42 = arith.constant 4 : i32
    %dma_start3A_43 = arith.constant 0 : i32
    %dma_start3A_44 = tpu.memref_slice %arg5[%dma_start3A_42, %dma_start3A_43] : memref<32x32xi32, #tpu.memory_space<vmem>> -> memref<1x32xi32, #tpu.memory_space<vmem>>
    %dma_start3A_45 = tpu.memref_squeeze %dma_start3A_44 : memref<1x32xi32, #tpu.memory_space<vmem>> -> memref<32xi32, #tpu.memory_space<vmem>>
    %dma_start3A_46 = arith.constant 0 : i32
    %dma_start3A_47 = arith.constant 0 : i32
    %dma_start3A_48 = tpu.memref_slice %arg2[%dma_start3A_46, %dma_start3A_47] : memref<100000x768xf32, #tpu.memory_space<hbm>> -> memref<100000x768xf32, #tpu.memory_space<hbm>>
    tpu.enqueue_indirect_dma source(%dma_start3A_48 : memref<100000x768xf32, #tpu.memory_space<hbm>>) target(%arg10 : memref<32x768xf32, #tpu.memory_space<vmem>>) offsets(%dma_start3A_45 : memref<32xi32, #tpu.memory_space<vmem>>) semaphore(%arg15 : memref<!tpu.dma_semaphore, #tpu.memory_space<semaphore_mem>>)
    %dma_wait3A_49 = arith.constant 1 : i32
    %dma_wait3A_50 = arith.constant 0 : i32
    %dma_wait3A_51 = tpu.memref_slice %arg5[%dma_wait3A_49, %dma_wait3A_50] : memref<32x32xi32, #tpu.memory_space<vmem>> -> memref<1x32xi32, #tpu.memory_space<vmem>>
    %dma_wait3A_52 = tpu.memref_squeeze %dma_wait3A_51 : memref<1x32xi32, #tpu.memory_space<vmem>> -> memref<32xi32, #tpu.memory_space<vmem>>
    %dma_wait3A_53 = arith.constant 0 : i32
    %dma_wait3A_54 = arith.constant 0 : i32
    %dma_wait3A_55 = tpu.memref_slice %arg2[%dma_wait3A_53, %dma_wait3A_54] : memref<100000x768xf32, #tpu.memory_space<hbm>> -> memref<100000x768xf32, #tpu.memory_space<hbm>>
    tpu.wait_indirect_dma semaphore(%arg12 : memref<!tpu.dma_semaphore, #tpu.memory_space<semaphore_mem>>) src(%dma_wait3A_55 : memref<100000x768xf32, #tpu.memory_space<hbm>>) dst(%arg7 : memref<32x768xf32, #tpu.memory_space<vmem>>)
    %add3A_56 = arith.constant 32 : i32
    %add3A_57 = arith.addi %mul3A_2, %add3A_56 : i32
    %dma_start3A_58 = arith.constant 0 : i32
    %dma_start3A_59 = tpu.memref_slice %arg4[%add3A_57, %dma_start3A_58] : memref<32768x768xf32, #tpu.memory_space<hbm>> -> memref<32x768xf32, #tpu.memory_space<hbm>>
    %dma_start3A_60 = arith.constant 0 : i32
    %dma_start3A_61 = tpu.memref_slice %arg4[%add3A_57, %dma_start3A_60] : memref<32768x768xf32, #tpu.memory_space<hbm>> -> memref<32x768xf32, #tpu.memory_space<hbm>>
    tpu.enqueue_dma source(%arg7 : memref<32x768xf32, #tpu.memory_space<vmem>>) target(%dma_start3A_61 : memref<32x768xf32, #tpu.memory_space<hbm>>) target_semaphore(%arg17 : memref<!tpu.dma_semaphore, #tpu.memory_space<semaphore_mem>>)
    %dma_wait3A_62 = arith.constant 0 : i32
    %dma_wait3A_63 = tpu.memref_slice %arg4[%add3A_37, %dma_wait3A_62] : memref<32768x768xf32, #tpu.memory_space<hbm>> -> memref<32x768xf32, #tpu.memory_space<hbm>>
    %dma_wait3A_64 = arith.constant 0 : i32
    %dma_wait3A_65 = tpu.memref_slice %arg4[%add3A_37, %dma_wait3A_64] : memref<32768x768xf32, #tpu.memory_space<hbm>> -> memref<32x768xf32, #tpu.memory_space<hbm>>
    tpu.wait_dma2 semaphore(%arg16 : memref<!tpu.dma_semaphore, #tpu.memory_space<semaphore_mem>>) src(%arg6 : memref<32x768xf32, #tpu.memory_space<vmem>>) dst(%dma_wait3A_65 : memref<32x768xf32, #tpu.memory_space<hbm>>)
    %dma_start3A_66 = arith.constant 5 : i32
    %dma_start3A_67 = arith.constant 0 : i32
    %dma_start3A_68 = tpu.memref_slice %arg5[%dma_start3A_66, %dma_start3A_67] : memref<32x32xi32, #tpu.memory_space<vmem>> -> memref<1x32xi32, #tpu.memory_space<vmem>>
    %dma_start3A_69 = tpu.memref_squeeze %dma_start3A_68 : memref<1x32xi32, #tpu.memory_space<vmem>> -> memref<32xi32, #tpu.memory_space<vmem>>
    %dma_start3A_70 = arith.constant 0 : i32
    %dma_start3A_71 = arith.constant 0 : i32
    %dma_start3A_72 = tpu.memref_slice %arg2[%dma_start3A_70, %dma_start3A_71] : memref<100000x768xf32, #tpu.memory_space<hbm>> -> memref<100000x768xf32, #tpu.memory_space<hbm>>
    tpu.enqueue_indirect_dma source(%dma_start3A_72 : memref<100000x768xf32, #tpu.memory_space<hbm>>) target(%arg6 : memref<32x768xf32, #tpu.memory_space<vmem>>) offsets(%dma_start3A_69 : memref<32xi32, #tpu.memory_space<vmem>>) semaphore(%arg11 : memref<!tpu.dma_semaphore, #tpu.memory_space<semaphore_mem>>)
    %dma_wait3A_73 = arith.constant 2 : i32
    %dma_wait3A_74 = arith.constant 0 : i32
    %dma_wait3A_75 = tpu.memref_slice %arg5[%dma_wait3A_73, %dma_wait3A_74] : memref<32x32xi32, #tpu.memory_space<vmem>> -> memref<1x32xi32, #tpu.memory_space<vmem>>
    %dma_wait3A_76 = tpu.memref_squeeze %dma_wait3A_75 : memref<1x32xi32, #tpu.memory_space<vmem>> -> memref<32xi32, #tpu.memory_space<vmem>>
    %dma_wait3A_77 = arith.constant 0 : i32
    %dma_wait3A_78 = arith.constant 0 : i32
    %dma_wait3A_79 = tpu.memref_slice %arg2[%dma_wait3A_77, %dma_wait3A_78] : memref<100000x768xf32, #tpu.memory_space<hbm>> -> memref<100000x768xf32, #tpu.memory_space<hbm>>
    tpu.wait_indirect_dma semaphore(%arg13 : memref<!tpu.dma_semaphore, #tpu.memory_space<semaphore_mem>>) src(%dma_wait3A_79 : memref<100000x768xf32, #tpu.memory_space<hbm>>) dst(%arg8 : memref<32x768xf32, #tpu.memory_space<vmem>>)
    %add3A_80 = arith.constant 64 : i32
    %add3A_81 = arith.addi %mul3A_2, %add3A_80 : i32
    %dma_start3A_82 = arith.constant 0 : i32
    %dma_start3A_83 = tpu.memref_slice %arg4[%add3A_81, %dma_start3A_82] : memref<32768x768xf32, #tpu.memory_space<hbm>> -> memref<32x768xf32, #tpu.memory_space<hbm>>
    %dma_start3A_84 = arith.constant 0 : i32
    %dma_start3A_85 = tpu.memref_slice %arg4[%add3A_81, %dma_start3A_84] : memref<32768x768xf32, #tpu.memory_space<hbm>> -> memref<32x768xf32, #tpu.memory_space<hbm>>
    tpu.enqueue_dma source(%arg8 : memref<32x768xf32, #tpu.memory_space<vmem>>) target(%dma_start3A_85 : memref<32x768xf32, #tpu.memory_space<hbm>>) target_semaphore(%arg18 : memref<!tpu.dma_semaphore, #tpu.memory_space<semaphore_mem>>)
    %dma_wait3A_86 = arith.constant 0 : i32
    %dma_wait3A_87 = tpu.memref_slice %arg4[%add3A_57, %dma_wait3A_86] : memref<32768x768xf32, #tpu.memory_space<hbm>> -> memref<32x768xf32, #tpu.memory_space<hbm>>
    %dma_wait3A_88 = arith.constant 0 : i32
    %dma_wait3A_89 = tpu.memref_slice %arg4[%add3A_57, %dma_wait3A_88] : memref<32768x768xf32, #tpu.memory_space<hbm>> -> memref<32x768xf32, #tpu.memory_space<hbm>>
    tpu.wait_dma2 semaphore(%arg17 : memref<!tpu.dma_semaphore, #tpu.memory_space<semaphore_mem>>) src(%arg7 : memref<32x768xf32, #tpu.memory_space<vmem>>) dst(%dma_wait3A_89 : memref<32x768xf32, #tpu.memory_space<hbm>>)
    %dma_start3A_90 = arith.constant 6 : i32
    %dma_start3A_91 = arith.constant 0 : i32
    %dma_start3A_92 = tpu.memref_slice %arg5[%dma_start3A_90, %dma_start3A_91] : memref<32x32xi32, #tpu.memory_space<vmem>> -> memref<1x32xi32, #tpu.memory_space<vmem>>
    %dma_start3A_93 = tpu.memref_squeeze %dma_start3A_92 : memref<1x32xi32, #tpu.memory_space<vmem>> -> memref<32xi32, #tpu.memory_space<vmem>>
    %dma_start3A_94 = arith.constant 0 : i32
    %dma_start3A_95 = arith.constant 0 : i32
    %dma_start3A_96 = tpu.memref_slice %arg2[%dma_start3A_94, %dma_start3A_95] : memref<100000x768xf32, #tpu.memory_space<hbm>> -> memref<100000x768xf32, #tpu.memory_space<hbm>>
    tpu.enqueue_indirect_dma source(%dma_start3A_96 : memref<100000x768xf32, #tpu.memory_space<hbm>>) target(%arg7 : memref<32x768xf32, #tpu.memory_space<vmem>>) offsets(%dma_start3A_93 : memref<32xi32, #tpu.memory_space<vmem>>) semaphore(%arg12 : memref<!tpu.dma_semaphore, #tpu.memory_space<semaphore_mem>>)
    %dma_wait3A_97 = arith.constant 3 : i32
    %dma_wait3A_98 = arith.constant 0 : i32
    %dma_wait3A_99 = tpu.memref_slice %arg5[%dma_wait3A_97, %dma_wait3A_98] : memref<32x32xi32, #tpu.memory_space<vmem>> -> memref<1x32xi32, #tpu.memory_space<vmem>>
    %dma_wait3A_100 = tpu.memref_squeeze %dma_wait3A_99 : memref<1x32xi32, #tpu.memory_space<vmem>> -> memref<32xi32, #tpu.memory_space<vmem>>
    %dma_wait3A_101 = arith.constant 0 : i32
    %dma_wait3A_102 = arith.constant 0 : i32
    %dma_wait3A_103 = tpu.memref_slice %arg2[%dma_wait3A_101, %dma_wait3A_102] : memref<100000x768xf32, #tpu.memory_space<hbm>> -> memref<100000x768xf32, #tpu.memory_space<hbm>>
    tpu.wait_indirect_dma semaphore(%arg14 : memref<!tpu.dma_semaphore, #tpu.memory_space<semaphore_mem>>) src(%dma_wait3A_103 : memref<100000x768xf32, #tpu.memory_space<hbm>>) dst(%arg9 : memref<32x768xf32, #tpu.memory_space<vmem>>)
    %add3A_104 = arith.constant 96 : i32
    %add3A_105 = arith.addi %mul3A_2, %add3A_104 : i32
    %dma_start3A_106 = arith.constant 0 : i32
    %dma_start3A_107 = tpu.memref_slice %arg4[%add3A_105, %dma_start3A_106] : memref<32768x768xf32, #tpu.memory_space<hbm>> -> memref<32x768xf32, #tpu.memory_space<hbm>>
    %dma_start3A_108 = arith.constant 0 : i32
    %dma_start3A_109 = tpu.memref_slice %arg4[%add3A_105, %dma_start3A_108] : memref<32768x768xf32, #tpu.memory_space<hbm>> -> memref<32x768xf32, #tpu.memory_space<hbm>>
    tpu.enqueue_dma source(%arg9 : memref<32x768xf32, #tpu.memory_space<vmem>>) target(%dma_start3A_109 : memref<32x768xf32, #tpu.memory_space<hbm>>) target_semaphore(%arg19 : memref<!tpu.dma_semaphore, #tpu.memory_space<semaphore_mem>>)
    %dma_wait3A_110 = arith.constant 0 : i32
    %dma_wait3A_111 = tpu.memref_slice %arg4[%add3A_81, %dma_wait3A_110] : memref<32768x768xf32, #tpu.memory_space<hbm>> -> memref<32x768xf32, #tpu.memory_space<hbm>>
    %dma_wait3A_112 = arith.constant 0 : i32
    %dma_wait3A_113 = tpu.memref_slice %arg4[%add3A_81, %dma_wait3A_112] : memref<32768x768xf32, #tpu.memory_space<hbm>> -> memref<32x768xf32, #tpu.memory_space<hbm>>
    tpu.wait_dma2 semaphore(%arg18 : memref<!tpu.dma_semaphore, #tpu.memory_space<semaphore_mem>>) src(%arg8 : memref<32x768xf32, #tpu.memory_space<vmem>>) dst(%dma_wait3A_113 : memref<32x768xf32, #tpu.memory_space<hbm>>)
    %dma_start3A_114 = arith.constant 7 : i32
    %dma_start3A_115 = arith.constant 0 : i32
    %dma_start3A_116 = tpu.memref_slice %arg5[%dma_start3A_114, %dma_start3A_115] : memref<32x32xi32, #tpu.memory_space<vmem>> -> memref<1x32xi32, #tpu.memory_space<vmem>>
    %dma_start3A_117 = tpu.memref_squeeze %dma_start3A_116 : memref<1x32xi32, #tpu.memory_space<vmem>> -> memref<32xi32, #tpu.memory_space<vmem>>
    %dma_start3A_118 = arith.constant 0 : i32
    %dma_start3A_119 = arith.constant 0 : i32
    %dma_start3A_120 = tpu.memref_slice %arg2[%dma_start3A_118, %dma_start3A_119] : memref<100000x768xf32, #tpu.memory_space<hbm>> -> memref<100000x768xf32, #tpu.memory_space<hbm>>
    tpu.enqueue_indirect_dma source(%dma_start3A_120 : memref<100000x768xf32, #tpu.memory_space<hbm>>) target(%arg8 : memref<32x768xf32, #tpu.memory_space<vmem>>) offsets(%dma_start3A_117 : memref<32xi32, #tpu.memory_space<vmem>>) semaphore(%arg13 : memref<!tpu.dma_semaphore, #tpu.memory_space<semaphore_mem>>)
    %dma_wait3A_121 = arith.constant 4 : i32
    %dma_wait3A_122 = arith.constant 0 : i32
    %dma_wait3A_123 = tpu.memref_slice %arg5[%dma_wait3A_121, %dma_wait3A_122] : memref<32x32xi32, #tpu.memory_space<vmem>> -> memref<1x32xi32, #tpu.memory_space<vmem>>
    %dma_wait3A_124 = tpu.memref_squeeze %dma_wait3A_123 : memref<1x32xi32, #tpu.memory_space<vmem>> -> memref<32xi32, #tpu.memory_space<vmem>>
    %dma_wait3A_125 = arith.constant 0 : i32
    %dma_wait3A_126 = arith.constant 0 : i32
    %dma_wait3A_127 = tpu.memref_slice %arg2[%dma_wait3A_125, %dma_wait3A_126] : memref<100000x768xf32, #tpu.memory_space<hbm>> -> memref<100000x768xf32, #tpu.memory_space<hbm>>
    tpu.wait_indirect_dma semaphore(%arg15 : memref<!tpu.dma_semaphore, #tpu.memory_space<semaphore_mem>>) src(%dma_wait3A_127 : memref<100000x768xf32, #tpu.memory_space<hbm>>) dst(%arg10 : memref<32x768xf32, #tpu.memory_space<vmem>>)
    %add3A_128 = arith.constant 128 : i32
    %add3A_129 = arith.addi %mul3A_2, %add3A_128 : i32
    %dma_start3A_130 = arith.constant 0 : i32
    %dma_start3A_131 = tpu.memref_slice %arg4[%add3A_129, %dma_start3A_130] : memref<32768x768xf32, #tpu.memory_space<hbm>> -> memref<32x768xf32, #tpu.memory_space<hbm>>
    %dma_start3A_132 = arith.constant 0 : i32
    %dma_start3A_133 = tpu.memref_slice %arg4[%add3A_129, %dma_start3A_132] : memref<32768x768xf32, #tpu.memory_space<hbm>> -> memref<32x768xf32, #tpu.memory_space<hbm>>
    tpu.enqueue_dma source(%arg10 : memref<32x768xf32, #tpu.memory_space<vmem>>) target(%dma_start3A_133 : memref<32x768xf32, #tpu.memory_space<hbm>>) target_semaphore(%arg20 : memref<!tpu.dma_semaphore, #tpu.memory_space<semaphore_mem>>)
    %dma_wait3A_134 = arith.constant 0 : i32
    %dma_wait3A_135 = tpu.memref_slice %arg4[%add3A_105, %dma_wait3A_134] : memref<32768x768xf32, #tpu.memory_space<hbm>> -> memref<32x768xf32, #tpu.memory_space<hbm>>
    %dma_wait3A_136 = arith.constant 0 : i32
    %dma_wait3A_137 = tpu.memref_slice %arg4[%add3A_105, %dma_wait3A_136] : memref<32768x768xf32, #tpu.memory_space<hbm>> -> memref<32x768xf32, #tpu.memory_space<hbm>>
    tpu.wait_dma2 semaphore(%arg19 : memref<!tpu.dma_semaphore, #tpu.memory_space<semaphore_mem>>) src(%arg9 : memref<32x768xf32, #tpu.memory_space<vmem>>) dst(%dma_wait3A_137 : memref<32x768xf32, #tpu.memory_space<hbm>>)
    %dma_start3A_138 = arith.constant 8 : i32
    %dma_start3A_139 = arith.constant 0 : i32
    %dma_start3A_140 = tpu.memref_slice %arg5[%dma_start3A_138, %dma_start3A_139] : memref<32x32xi32, #tpu.memory_space<vmem>> -> memref<1x32xi32, #tpu.memory_space<vmem>>
    %dma_start3A_141 = tpu.memref_squeeze %dma_start3A_140 : memref<1x32xi32, #tpu.memory_space<vmem>> -> memref<32xi32, #tpu.memory_space<vmem>>
    %dma_start3A_142 = arith.constant 0 : i32
    %dma_start3A_143 = arith.constant 0 : i32
    %dma_start3A_144 = tpu.memref_slice %arg2[%dma_start3A_142, %dma_start3A_143] : memref<100000x768xf32, #tpu.memory_space<hbm>> -> memref<100000x768xf32, #tpu.memory_space<hbm>>
    tpu.enqueue_indirect_dma source(%dma_start3A_144 : memref<100000x768xf32, #tpu.memory_space<hbm>>) target(%arg9 : memref<32x768xf32, #tpu.memory_space<vmem>>) offsets(%dma_start3A_141 : memref<32xi32, #tpu.memory_space<vmem>>) semaphore(%arg14 : memref<!tpu.dma_semaphore, #tpu.memory_space<semaphore_mem>>)
    %dma_wait3A_145 = arith.constant 5 : i32
    %dma_wait3A_146 = arith.constant 0 : i32
    %dma_wait3A_147 = tpu.memref_slice %arg5[%dma_wait3A_145, %dma_wait3A_146] : memref<32x32xi32, #tpu.memory_space<vmem>> -> memref<1x32xi32, #tpu.memory_space<vmem>>
    %dma_wait3A_148 = tpu.memref_squeeze %dma_wait3A_147 : memref<1x32xi32, #tpu.memory_space<vmem>> -> memref<32xi32, #tpu.memory_space<vmem>>
    %dma_wait3A_149 = arith.constant 0 : i32
    %dma_wait3A_150 = arith.constant 0 : i32
    %dma_wait3A_151 = tpu.memref_slice %arg2[%dma_wait3A_149, %dma_wait3A_150] : memref<100000x768xf32, #tpu.memory_space<hbm>> -> memref<100000x768xf32, #tpu.memory_space<hbm>>
    tpu.wait_indirect_dma semaphore(%arg11 : memref<!tpu.dma_semaphore, #tpu.memory_space<semaphore_mem>>) src(%dma_wait3A_151 : memref<100000x768xf32, #tpu.memory_space<hbm>>) dst(%arg6 : memref<32x768xf32, #tpu.memory_space<vmem>>)
    %add3A_152 = arith.constant 160 : i32
    %add3A_153 = arith.addi %mul3A_2, %add3A_152 : i32
    %dma_start3A_154 = arith.constant 0 : i32
    %dma_start3A_155 = tpu.memref_slice %arg4[%add3A_153, %dma_start3A_154] : memref<32768x768xf32, #tpu.memory_space<hbm>> -> memref<32x768xf32, #tpu.memory_space<hbm>>
    %dma_start3A_156 = arith.constant 0 : i32
    %dma_start3A_157 = tpu.memref_slice %arg4[%add3A_153, %dma_start3A_156] : memref<32768x768xf32, #tpu.memory_space<hbm>> -> memref<32x768xf32, #tpu.memory_space<hbm>>
    tpu.enqueue_dma source(%arg6 : memref<32x768xf32, #tpu.memory_space<vmem>>) target(%dma_start3A_157 : memref<32x768xf32, #tpu.memory_space<hbm>>) target_semaphore(%arg16 : memref<!tpu.dma_semaphore, #tpu.memory_space<semaphore_mem>>)
    %dma_wait3A_158 = arith.constant 0 : i32
    %dma_wait3A_159 = tpu.memref_slice %arg4[%add3A_129, %dma_wait3A_158] : memref<32768x768xf32, #tpu.memory_space<hbm>> -> memref<32x768xf32, #tpu.memory_space<hbm>>
    %dma_wait3A_160 = arith.constant 0 : i32
    %dma_wait3A_161 = tpu.memref_slice %arg4[%add3A_129, %dma_wait3A_160] : memref<32768x768xf32, #tpu.memory_space<hbm>> -> memref<32x768xf32, #tpu.memory_space<hbm>>
    tpu.wait_dma2 semaphore(%arg20 : memref<!tpu.dma_semaphore, #tpu.memory_space<semaphore_mem>>) src(%arg10 : memref<32x768xf32, #tpu.memory_space<vmem>>) dst(%dma_wait3A_161 : memref<32x768xf32, #tpu.memory_space<hbm>>)
    %dma_start3A_162 = arith.constant 9 : i32
    %dma_start3A_163 = arith.constant 0 : i32
    %dma_start3A_164 = tpu.memref_slice %arg5[%dma_start3A_162, %dma_start3A_163] : memref<32x32xi32, #tpu.memory_space<vmem>> -> memref<1x32xi32, #tpu.memory_space<vmem>>
    %dma_start3A_165 = tpu.memref_squeeze %dma_start3A_164 : memref<1x32xi32, #tpu.memory_space<vmem>> -> memref<32xi32, #tpu.memory_space<vmem>>
    %dma_start3A_166 = arith.constant 0 : i32
    %dma_start3A_167 = arith.constant 0 : i32
    %dma_start3A_168 = tpu.memref_slice %arg2[%dma_start3A_166, %dma_start3A_167] : memref<100000x768xf32, #tpu.memory_space<hbm>> -> memref<100000x768xf32, #tpu.memory_space<hbm>>
    tpu.enqueue_indirect_dma source(%dma_start3A_168 : memref<100000x768xf32, #tpu.memory_space<hbm>>) target(%arg10 : memref<32x768xf32, #tpu.memory_space<vmem>>) offsets(%dma_start3A_165 : memref<32xi32, #tpu.memory_space<vmem>>) semaphore(%arg15 : memref<!tpu.dma_semaphore, #tpu.memory_space<semaphore_mem>>)
    %dma_wait3A_169 = arith.constant 6 : i32
    %dma_wait3A_170 = arith.constant 0 : i32
    %dma_wait3A_171 = tpu.memref_slice %arg5[%dma_wait3A_169, %dma_wait3A_170] : memref<32x32xi32, #tpu.memory_space<vmem>> -> memref<1x32xi32, #tpu.memory_space<vmem>>
    %dma_wait3A_172 = tpu.memref_squeeze %dma_wait3A_171 : memref<1x32xi32, #tpu.memory_space<vmem>> -> memref<32xi32, #tpu.memory_space<vmem>>
    %dma_wait3A_173 = arith.constant 0 : i32
    %dma_wait3A_174 = arith.constant 0 : i32
    %dma_wait3A_175 = tpu.memref_slice %arg2[%dma_wait3A_173, %dma_wait3A_174] : memref<100000x768xf32, #tpu.memory_space<hbm>> -> memref<100000x768xf32, #tpu.memory_space<hbm>>
    tpu.wait_indirect_dma semaphore(%arg12 : memref<!tpu.dma_semaphore, #tpu.memory_space<semaphore_mem>>) src(%dma_wait3A_175 : memref<100000x768xf32, #tpu.memory_space<hbm>>) dst(%arg7 : memref<32x768xf32, #tpu.memory_space<vmem>>)
    %add3A_176 = arith.constant 192 : i32
    %add3A_177 = arith.addi %mul3A_2, %add3A_176 : i32
    %dma_start3A_178 = arith.constant 0 : i32
    %dma_start3A_179 = tpu.memref_slice %arg4[%add3A_177, %dma_start3A_178] : memref<32768x768xf32, #tpu.memory_space<hbm>> -> memref<32x768xf32, #tpu.memory_space<hbm>>
    %dma_start3A_180 = arith.constant 0 : i32
    %dma_start3A_181 = tpu.memref_slice %arg4[%add3A_177, %dma_start3A_180] : memref<32768x768xf32, #tpu.memory_space<hbm>> -> memref<32x768xf32, #tpu.memory_space<hbm>>
    tpu.enqueue_dma source(%arg7 : memref<32x768xf32, #tpu.memory_space<vmem>>) target(%dma_start3A_181 : memref<32x768xf32, #tpu.memory_space<hbm>>) target_semaphore(%arg17 : memref<!tpu.dma_semaphore, #tpu.memory_space<semaphore_mem>>)
    %dma_wait3A_182 = arith.constant 0 : i32
    %dma_wait3A_183 = tpu.memref_slice %arg4[%add3A_153, %dma_wait3A_182] : memref<32768x768xf32, #tpu.memory_space<hbm>> -> memref<32x768xf32, #tpu.memory_space<hbm>>
    %dma_wait3A_184 = arith.constant 0 : i32
    %dma_wait3A_185 = tpu.memref_slice %arg4[%add3A_153, %dma_wait3A_184] : memref<32768x768xf32, #tpu.memory_space<hbm>> -> memref<32x768xf32, #tpu.memory_space<hbm>>
    tpu.wait_dma2 semaphore(%arg16 : memref<!tpu.dma_semaphore, #tpu.memory_space<semaphore_mem>>) src(%arg6 : memref<32x768xf32, #tpu.memory_space<vmem>>) dst(%dma_wait3A_185 : memref<32x768xf32, #tpu.memory_space<hbm>>)
    %dma_start3A_186 = arith.constant 10 : i32
    %dma_start3A_187 = arith.constant 0 : i32
    %dma_start3A_188 = tpu.memref_slice %arg5[%dma_start3A_186, %dma_start3A_187] : memref<32x32xi32, #tpu.memory_space<vmem>> -> memref<1x32xi32, #tpu.memory_space<vmem>>
    %dma_start3A_189 = tpu.memref_squeeze %dma_start3A_188 : memref<1x32xi32, #tpu.memory_space<vmem>> -> memref<32xi32, #tpu.memory_space<vmem>>
    %dma_start3A_190 = arith.constant 0 : i32
    %dma_start3A_191 = arith.constant 0 : i32
    %dma_start3A_192 = tpu.memref_slice %arg2[%dma_start3A_190, %dma_start3A_191] : memref<100000x768xf32, #tpu.memory_space<hbm>> -> memref<100000x768xf32, #tpu.memory_space<hbm>>
    tpu.enqueue_indirect_dma source(%dma_start3A_192 : memref<100000x768xf32, #tpu.memory_space<hbm>>) target(%arg6 : memref<32x768xf32, #tpu.memory_space<vmem>>) offsets(%dma_start3A_189 : memref<32xi32, #tpu.memory_space<vmem>>) semaphore(%arg11 : memref<!tpu.dma_semaphore, #tpu.memory_space<semaphore_mem>>)
    %dma_wait3A_193 = arith.constant 7 : i32
    %dma_wait3A_194 = arith.constant 0 : i32
    %dma_wait3A_195 = tpu.memref_slice %arg5[%dma_wait3A_193, %dma_wait3A_194] : memref<32x32xi32, #tpu.memory_space<vmem>> -> memref<1x32xi32, #tpu.memory_space<vmem>>
    %dma_wait3A_196 = tpu.memref_squeeze %dma_wait3A_195 : memref<1x32xi32, #tpu.memory_space<vmem>> -> memref<32xi32, #tpu.memory_space<vmem>>
    %dma_wait3A_197 = arith.constant 0 : i32
    %dma_wait3A_198 = arith.constant 0 : i32
    %dma_wait3A_199 = tpu.memref_slice %arg2[%dma_wait3A_197, %dma_wait3A_198] : memref<100000x768xf32, #tpu.memory_space<hbm>> -> memref<100000x768xf32, #tpu.memory_space<hbm>>
    tpu.wait_indirect_dma semaphore(%arg13 : memref<!tpu.dma_semaphore, #tpu.memory_space<semaphore_mem>>) src(%dma_wait3A_199 : memref<100000x768xf32, #tpu.memory_space<hbm>>) dst(%arg8 : memref<32x768xf32, #tpu.memory_space<vmem>>)
    %add3A_200 = arith.constant 224 : i32
    %add3A_201 = arith.addi %mul3A_2, %add3A_200 : i32
    %dma_start3A_202 = arith.constant 0 : i32
    %dma_start3A_203 = tpu.memref_slice %arg4[%add3A_201, %dma_start3A_202] : memref<32768x768xf32, #tpu.memory_space<hbm>> -> memref<32x768xf32, #tpu.memory_space<hbm>>
    %dma_start3A_204 = arith.constant 0 : i32
    %dma_start3A_205 = tpu.memref_slice %arg4[%add3A_201, %dma_start3A_204] : memref<32768x768xf32, #tpu.memory_space<hbm>> -> memref<32x768xf32, #tpu.memory_space<hbm>>
    tpu.enqueue_dma source(%arg8 : memref<32x768xf32, #tpu.memory_space<vmem>>) target(%dma_start3A_205 : memref<32x768xf32, #tpu.memory_space<hbm>>) target_semaphore(%arg18 : memref<!tpu.dma_semaphore, #tpu.memory_space<semaphore_mem>>)
    %dma_wait3A_206 = arith.constant 0 : i32
    %dma_wait3A_207 = tpu.memref_slice %arg4[%add3A_177, %dma_wait3A_206] : memref<32768x768xf32, #tpu.memory_space<hbm>> -> memref<32x768xf32, #tpu.memory_space<hbm>>
    %dma_wait3A_208 = arith.constant 0 : i32
    %dma_wait3A_209 = tpu.memref_slice %arg4[%add3A_177, %dma_wait3A_208] : memref<32768x768xf32, #tpu.memory_space<hbm>> -> memref<32x768xf32, #tpu.memory_space<hbm>>
    tpu.wait_dma2 semaphore(%arg17 : memref<!tpu.dma_semaphore, #tpu.memory_space<semaphore_mem>>) src(%arg7 : memref<32x768xf32, #tpu.memory_space<vmem>>) dst(%dma_wait3A_209 : memref<32x768xf32, #tpu.memory_space<hbm>>)
    %dma_start3A_210 = arith.constant 11 : i32
    %dma_start3A_211 = arith.constant 0 : i32
    %dma_start3A_212 = tpu.memref_slice %arg5[%dma_start3A_210, %dma_start3A_211] : memref<32x32xi32, #tpu.memory_space<vmem>> -> memref<1x32xi32, #tpu.memory_space<vmem>>
    %dma_start3A_213 = tpu.memref_squeeze %dma_start3A_212 : memref<1x32xi32, #tpu.memory_space<vmem>> -> memref<32xi32, #tpu.memory_space<vmem>>
    %dma_start3A_214 = arith.constant 0 : i32
    %dma_start3A_215 = arith.constant 0 : i32
    %dma_start3A_216 = tpu.memref_slice %arg2[%dma_start3A_214, %dma_start3A_215] : memref<100000x768xf32, #tpu.memory_space<hbm>> -> memref<100000x768xf32, #tpu.memory_space<hbm>>
    tpu.enqueue_indirect_dma source(%dma_start3A_216 : memref<100000x768xf32, #tpu.memory_space<hbm>>) target(%arg7 : memref<32x768xf32, #tpu.memory_space<vmem>>) offsets(%dma_start3A_213 : memref<32xi32, #tpu.memory_space<vmem>>) semaphore(%arg12 : memref<!tpu.dma_semaphore, #tpu.memory_space<semaphore_mem>>)
    %dma_wait3A_217 = arith.constant 8 : i32
    %dma_wait3A_218 = arith.constant 0 : i32
    %dma_wait3A_219 = tpu.memref_slice %arg5[%dma_wait3A_217, %dma_wait3A_218] : memref<32x32xi32, #tpu.memory_space<vmem>> -> memref<1x32xi32, #tpu.memory_space<vmem>>
    %dma_wait3A_220 = tpu.memref_squeeze %dma_wait3A_219 : memref<1x32xi32, #tpu.memory_space<vmem>> -> memref<32xi32, #tpu.memory_space<vmem>>
    %dma_wait3A_221 = arith.constant 0 : i32
    %dma_wait3A_222 = arith.constant 0 : i32
    %dma_wait3A_223 = tpu.memref_slice %arg2[%dma_wait3A_221, %dma_wait3A_222] : memref<100000x768xf32, #tpu.memory_space<hbm>> -> memref<100000x768xf32, #tpu.memory_space<hbm>>
    tpu.wait_indirect_dma semaphore(%arg14 : memref<!tpu.dma_semaphore, #tpu.memory_space<semaphore_mem>>) src(%dma_wait3A_223 : memref<100000x768xf32, #tpu.memory_space<hbm>>) dst(%arg9 : memref<32x768xf32, #tpu.memory_space<vmem>>)
    %add3A_224 = arith.constant 256 : i32
    %add3A_225 = arith.addi %mul3A_2, %add3A_224 : i32
    %dma_start3A_226 = arith.constant 0 : i32
    %dma_start3A_227 = tpu.memref_slice %arg4[%add3A_225, %dma_start3A_226] : memref<32768x768xf32, #tpu.memory_space<hbm>> -> memref<32x768xf32, #tpu.memory_space<hbm>>
    %dma_start3A_228 = arith.constant 0 : i32
    %dma_start3A_229 = tpu.memref_slice %arg4[%add3A_225, %dma_start3A_228] : memref<32768x768xf32, #tpu.memory_space<hbm>> -> memref<32x768xf32, #tpu.memory_space<hbm>>
    tpu.enqueue_dma source(%arg9 : memref<32x768xf32, #tpu.memory_space<vmem>>) target(%dma_start3A_229 : memref<32x768xf32, #tpu.memory_space<hbm>>) target_semaphore(%arg19 : memref<!tpu.dma_semaphore, #tpu.memory_space<semaphore_mem>>)
    %dma_wait3A_230 = arith.constant 0 : i32
    %dma_wait3A_231 = tpu.memref_slice %arg4[%add3A_201, %dma_wait3A_230] : memref<32768x768xf32, #tpu.memory_space<hbm>> -> memref<32x768xf32, #tpu.memory_space<hbm>>
    %dma_wait3A_232 = arith.constant 0 : i32
    %dma_wait3A_233 = tpu.memref_slice %arg4[%add3A_201, %dma_wait3A_232] : memref<32768x768xf32, #tpu.memory_space<hbm>> -> memref<32x768xf32, #tpu.memory_space<hbm>>
    tpu.wait_dma2 semaphore(%arg18 : memref<!tpu.dma_semaphore, #tpu.memory_space<semaphore_mem>>) src(%arg8 : memref<32x768xf32, #tpu.memory_space<vmem>>) dst(%dma_wait3A_233 : memref<32x768xf32, #tpu.memory_space<hbm>>)
    %dma_start3A_234 = arith.constant 12 : i32
    %dma_start3A_235 = arith.constant 0 : i32
    %dma_start3A_236 = tpu.memref_slice %arg5[%dma_start3A_234, %dma_start3A_235] : memref<32x32xi32, #tpu.memory_space<vmem>> -> memref<1x32xi32, #tpu.memory_space<vmem>>
    %dma_start3A_237 = tpu.memref_squeeze %dma_start3A_236 : memref<1x32xi32, #tpu.memory_space<vmem>> -> memref<32xi32, #tpu.memory_space<vmem>>
    %dma_start3A_238 = arith.constant 0 : i32
    %dma_start3A_239 = arith.constant 0 : i32
    %dma_start3A_240 = tpu.memref_slice %arg2[%dma_start3A_238, %dma_start3A_239] : memref<100000x768xf32, #tpu.memory_space<hbm>> -> memref<100000x768xf32, #tpu.memory_space<hbm>>
    tpu.enqueue_indirect_dma source(%dma_start3A_240 : memref<100000x768xf32, #tpu.memory_space<hbm>>) target(%arg8 : memref<32x768xf32, #tpu.memory_space<vmem>>) offsets(%dma_start3A_237 : memref<32xi32, #tpu.memory_space<vmem>>) semaphore(%arg13 : memref<!tpu.dma_semaphore, #tpu.memory_space<semaphore_mem>>)
    %dma_wait3A_241 = arith.constant 9 : i32
    %dma_wait3A_242 = arith.constant 0 : i32
    %dma_wait3A_243 = tpu.memref_slice %arg5[%dma_wait3A_241, %dma_wait3A_242] : memref<32x32xi32, #tpu.memory_space<vmem>> -> memref<1x32xi32, #tpu.memory_space<vmem>>
    %dma_wait3A_244 = tpu.memref_squeeze %dma_wait3A_243 : memref<1x32xi32, #tpu.memory_space<vmem>> -> memref<32xi32, #tpu.memory_space<vmem>>
    %dma_wait3A_245 = arith.constant 0 : i32
    %dma_wait3A_246 = arith.constant 0 : i32
    %dma_wait3A_247 = tpu.memref_slice %arg2[%dma_wait3A_245, %dma_wait3A_246] : memref<100000x768xf32, #tpu.memory_space<hbm>> -> memref<100000x768xf32, #tpu.memory_space<hbm>>
    tpu.wait_indirect_dma semaphore(%arg15 : memref<!tpu.dma_semaphore, #tpu.memory_space<semaphore_mem>>) src(%dma_wait3A_247 : memref<100000x768xf32, #tpu.memory_space<hbm>>) dst(%arg10 : memref<32x768xf32, #tpu.memory_space<vmem>>)
    %add3A_248 = arith.constant 288 : i32
    %add3A_249 = arith.addi %mul3A_2, %add3A_248 : i32
    %dma_start3A_250 = arith.constant 0 : i32
    %dma_start3A_251 = tpu.memref_slice %arg4[%add3A_249, %dma_start3A_250] : memref<32768x768xf32, #tpu.memory_space<hbm>> -> memref<32x768xf32, #tpu.memory_space<hbm>>
    %dma_start3A_252 = arith.constant 0 : i32
    %dma_start3A_253 = tpu.memref_slice %arg4[%add3A_249, %dma_start3A_252] : memref<32768x768xf32, #tpu.memory_space<hbm>> -> memref<32x768xf32, #tpu.memory_space<hbm>>
    tpu.enqueue_dma source(%arg10 : memref<32x768xf32, #tpu.memory_space<vmem>>) target(%dma_start3A_253 : memref<32x768xf32, #tpu.memory_space<hbm>>) target_semaphore(%arg20 : memref<!tpu.dma_semaphore, #tpu.memory_space<semaphore_mem>>)
    %dma_wait3A_254 = arith.constant 0 : i32
    %dma_wait3A_255 = tpu.memref_slice %arg4[%add3A_225, %dma_wait3A_254] : memref<32768x768xf32, #tpu.memory_space<hbm>> -> memref<32x768xf32, #tpu.memory_space<hbm>>
    %dma_wait3A_256 = arith.constant 0 : i32
    %dma_wait3A_257 = tpu.memref_slice %arg4[%add3A_225, %dma_wait3A_256] : memref<32768x768xf32, #tpu.memory_space<hbm>> -> memref<32x768xf32, #tpu.memory_space<hbm>>
    tpu.wait_dma2 semaphore(%arg19 : memref<!tpu.dma_semaphore, #tpu.memory_space<semaphore_mem>>) src(%arg9 : memref<32x768xf32, #tpu.memory_space<vmem>>) dst(%dma_wait3A_257 : memref<32x768xf32, #tpu.memory_space<hbm>>)
    %dma_start3A_258 = arith.constant 13 : i32
    %dma_start3A_259 = arith.constant 0 : i32
    %dma_start3A_260 = tpu.memref_slice %arg5[%dma_start3A_258, %dma_start3A_259] : memref<32x32xi32, #tpu.memory_space<vmem>> -> memref<1x32xi32, #tpu.memory_space<vmem>>
    %dma_start3A_261 = tpu.memref_squeeze %dma_start3A_260 : memref<1x32xi32, #tpu.memory_space<vmem>> -> memref<32xi32, #tpu.memory_space<vmem>>
    %dma_start3A_262 = arith.constant 0 : i32
    %dma_start3A_263 = arith.constant 0 : i32
    %dma_start3A_264 = tpu.memref_slice %arg2[%dma_start3A_262, %dma_start3A_263] : memref<100000x768xf32, #tpu.memory_space<hbm>> -> memref<100000x768xf32, #tpu.memory_space<hbm>>
    tpu.enqueue_indirect_dma source(%dma_start3A_264 : memref<100000x768xf32, #tpu.memory_space<hbm>>) target(%arg9 : memref<32x768xf32, #tpu.memory_space<vmem>>) offsets(%dma_start3A_261 : memref<32xi32, #tpu.memory_space<vmem>>) semaphore(%arg14 : memref<!tpu.dma_semaphore, #tpu.memory_space<semaphore_mem>>)
    %dma_wait3A_265 = arith.constant 10 : i32
    %dma_wait3A_266 = arith.constant 0 : i32
    %dma_wait3A_267 = tpu.memref_slice %arg5[%dma_wait3A_265, %dma_wait3A_266] : memref<32x32xi32, #tpu.memory_space<vmem>> -> memref<1x32xi32, #tpu.memory_space<vmem>>
    %dma_wait3A_268 = tpu.memref_squeeze %dma_wait3A_267 : memref<1x32xi32, #tpu.memory_space<vmem>> -> memref<32xi32, #tpu.memory_space<vmem>>
    %dma_wait3A_269 = arith.constant 0 : i32
    %dma_wait3A_270 = arith.constant 0 : i32
    %dma_wait3A_271 = tpu.memref_slice %arg2[%dma_wait3A_269, %dma_wait3A_270] : memref<100000x768xf32, #tpu.memory_space<hbm>> -> memref<100000x768xf32, #tpu.memory_space<hbm>>
    tpu.wait_indirect_dma semaphore(%arg11 : memref<!tpu.dma_semaphore, #tpu.memory_space<semaphore_mem>>) src(%dma_wait3A_271 : memref<100000x768xf32, #tpu.memory_space<hbm>>) dst(%arg6 : memref<32x768xf32, #tpu.memory_space<vmem>>)
    %add3A_272 = arith.constant 320 : i32
    %add3A_273 = arith.addi %mul3A_2, %add3A_272 : i32
    %dma_start3A_274 = arith.constant 0 : i32
    %dma_start3A_275 = tpu.memref_slice %arg4[%add3A_273, %dma_start3A_274] : memref<32768x768xf32, #tpu.memory_space<hbm>> -> memref<32x768xf32, #tpu.memory_space<hbm>>
    %dma_start3A_276 = arith.constant 0 : i32
    %dma_start3A_277 = tpu.memref_slice %arg4[%add3A_273, %dma_start3A_276] : memref<32768x768xf32, #tpu.memory_space<hbm>> -> memref<32x768xf32, #tpu.memory_space<hbm>>
    tpu.enqueue_dma source(%arg6 : memref<32x768xf32, #tpu.memory_space<vmem>>) target(%dma_start3A_277 : memref<32x768xf32, #tpu.memory_space<hbm>>) target_semaphore(%arg16 : memref<!tpu.dma_semaphore, #tpu.memory_space<semaphore_mem>>)
    %dma_wait3A_278 = arith.constant 0 : i32
    %dma_wait3A_279 = tpu.memref_slice %arg4[%add3A_249, %dma_wait3A_278] : memref<32768x768xf32, #tpu.memory_space<hbm>> -> memref<32x768xf32, #tpu.memory_space<hbm>>
    %dma_wait3A_280 = arith.constant 0 : i32
    %dma_wait3A_281 = tpu.memref_slice %arg4[%add3A_249, %dma_wait3A_280] : memref<32768x768xf32, #tpu.memory_space<hbm>> -> memref<32x768xf32, #tpu.memory_space<hbm>>
    tpu.wait_dma2 semaphore(%arg20 : memref<!tpu.dma_semaphore, #tpu.memory_space<semaphore_mem>>) src(%arg10 : memref<32x768xf32, #tpu.memory_space<vmem>>) dst(%dma_wait3A_281 : memref<32x768xf32, #tpu.memory_space<hbm>>)
    %dma_start3A_282 = arith.constant 14 : i32
    %dma_start3A_283 = arith.constant 0 : i32
    %dma_start3A_284 = tpu.memref_slice %arg5[%dma_start3A_282, %dma_start3A_283] : memref<32x32xi32, #tpu.memory_space<vmem>> -> memref<1x32xi32, #tpu.memory_space<vmem>>
    %dma_start3A_285 = tpu.memref_squeeze %dma_start3A_284 : memref<1x32xi32, #tpu.memory_space<vmem>> -> memref<32xi32, #tpu.memory_space<vmem>>
    %dma_start3A_286 = arith.constant 0 : i32
    %dma_start3A_287 = arith.constant 0 : i32
    %dma_start3A_288 = tpu.memref_slice %arg2[%dma_start3A_286, %dma_start3A_287] : memref<100000x768xf32, #tpu.memory_space<hbm>> -> memref<100000x768xf32, #tpu.memory_space<hbm>>
    tpu.enqueue_indirect_dma source(%dma_start3A_288 : memref<100000x768xf32, #tpu.memory_space<hbm>>) target(%arg10 : memref<32x768xf32, #tpu.memory_space<vmem>>) offsets(%dma_start3A_285 : memref<32xi32, #tpu.memory_space<vmem>>) semaphore(%arg15 : memref<!tpu.dma_semaphore, #tpu.memory_space<semaphore_mem>>)
    %dma_wait3A_289 = arith.constant 11 : i32
    %dma_wait3A_290 = arith.constant 0 : i32
    %dma_wait3A_291 = tpu.memref_slice %arg5[%dma_wait3A_289, %dma_wait3A_290] : memref<32x32xi32, #tpu.memory_space<vmem>> -> memref<1x32xi32, #tpu.memory_space<vmem>>
    %dma_wait3A_292 = tpu.memref_squeeze %dma_wait3A_291 : memref<1x32xi32, #tpu.memory_space<vmem>> -> memref<32xi32, #tpu.memory_space<vmem>>
    %dma_wait3A_293 = arith.constant 0 : i32
    %dma_wait3A_294 = arith.constant 0 : i32
    %dma_wait3A_295 = tpu.memref_slice %arg2[%dma_wait3A_293, %dma_wait3A_294] : memref<100000x768xf32, #tpu.memory_space<hbm>> -> memref<100000x768xf32, #tpu.memory_space<hbm>>
    tpu.wait_indirect_dma semaphore(%arg12 : memref<!tpu.dma_semaphore, #tpu.memory_space<semaphore_mem>>) src(%dma_wait3A_295 : memref<100000x768xf32, #tpu.memory_space<hbm>>) dst(%arg7 : memref<32x768xf32, #tpu.memory_space<vmem>>)
    %add3A_296 = arith.constant 352 : i32
    %add3A_297 = arith.addi %mul3A_2, %add3A_296 : i32
    %dma_start3A_298 = arith.constant 0 : i32
    %dma_start3A_299 = tpu.memref_slice %arg4[%add3A_297, %dma_start3A_298] : memref<32768x768xf32, #tpu.memory_space<hbm>> -> memref<32x768xf32, #tpu.memory_space<hbm>>
    %dma_start3A_300 = arith.constant 0 : i32
    %dma_start3A_301 = tpu.memref_slice %arg4[%add3A_297, %dma_start3A_300] : memref<32768x768xf32, #tpu.memory_space<hbm>> -> memref<32x768xf32, #tpu.memory_space<hbm>>
    tpu.enqueue_dma source(%arg7 : memref<32x768xf32, #tpu.memory_space<vmem>>) target(%dma_start3A_301 : memref<32x768xf32, #tpu.memory_space<hbm>>) target_semaphore(%arg17 : memref<!tpu.dma_semaphore, #tpu.memory_space<semaphore_mem>>)
    %dma_wait3A_302 = arith.constant 0 : i32
    %dma_wait3A_303 = tpu.memref_slice %arg4[%add3A_273, %dma_wait3A_302] : memref<32768x768xf32, #tpu.memory_space<hbm>> -> memref<32x768xf32, #tpu.memory_space<hbm>>
    %dma_wait3A_304 = arith.constant 0 : i32
    %dma_wait3A_305 = tpu.memref_slice %arg4[%add3A_273, %dma_wait3A_304] : memref<32768x768xf32, #tpu.memory_space<hbm>> -> memref<32x768xf32, #tpu.memory_space<hbm>>
    tpu.wait_dma2 semaphore(%arg16 : memref<!tpu.dma_semaphore, #tpu.memory_space<semaphore_mem>>) src(%arg6 : memref<32x768xf32, #tpu.memory_space<vmem>>) dst(%dma_wait3A_305 : memref<32x768xf32, #tpu.memory_space<hbm>>)
    %dma_start3A_306 = arith.constant 15 : i32
    %dma_start3A_307 = arith.constant 0 : i32
    %dma_start3A_308 = tpu.memref_slice %arg5[%dma_start3A_306, %dma_start3A_307] : memref<32x32xi32, #tpu.memory_space<vmem>> -> memref<1x32xi32, #tpu.memory_space<vmem>>
    %dma_start3A_309 = tpu.memref_squeeze %dma_start3A_308 : memref<1x32xi32, #tpu.memory_space<vmem>> -> memref<32xi32, #tpu.memory_space<vmem>>
    %dma_start3A_310 = arith.constant 0 : i32
    %dma_start3A_311 = arith.constant 0 : i32
    %dma_start3A_312 = tpu.memref_slice %arg2[%dma_start3A_310, %dma_start3A_311] : memref<100000x768xf32, #tpu.memory_space<hbm>> -> memref<100000x768xf32, #tpu.memory_space<hbm>>
    tpu.enqueue_indirect_dma source(%dma_start3A_312 : memref<100000x768xf32, #tpu.memory_space<hbm>>) target(%arg6 : memref<32x768xf32, #tpu.memory_space<vmem>>) offsets(%dma_start3A_309 : memref<32xi32, #tpu.memory_space<vmem>>) semaphore(%arg11 : memref<!tpu.dma_semaphore, #tpu.memory_space<semaphore_mem>>)
    %dma_wait3A_313 = arith.constant 12 : i32
    %dma_wait3A_314 = arith.constant 0 : i32
    %dma_wait3A_315 = tpu.memref_slice %arg5[%dma_wait3A_313, %dma_wait3A_314] : memref<32x32xi32, #tpu.memory_space<vmem>> -> memref<1x32xi32, #tpu.memory_space<vmem>>
    %dma_wait3A_316 = tpu.memref_squeeze %dma_wait3A_315 : memref<1x32xi32, #tpu.memory_space<vmem>> -> memref<32xi32, #tpu.memory_space<vmem>>
    %dma_wait3A_317 = arith.constant 0 : i32
    %dma_wait3A_318 = arith.constant 0 : i32
    %dma_wait3A_319 = tpu.memref_slice %arg2[%dma_wait3A_317, %dma_wait3A_318] : memref<100000x768xf32, #tpu.memory_space<hbm>> -> memref<100000x768xf32, #tpu.memory_space<hbm>>
    tpu.wait_indirect_dma semaphore(%arg13 : memref<!tpu.dma_semaphore, #tpu.memory_space<semaphore_mem>>) src(%dma_wait3A_319 : memref<100000x768xf32, #tpu.memory_space<hbm>>) dst(%arg8 : memref<32x768xf32, #tpu.memory_space<vmem>>)
    %add3A_320 = arith.constant 384 : i32
    %add3A_321 = arith.addi %mul3A_2, %add3A_320 : i32
    %dma_start3A_322 = arith.constant 0 : i32
    %dma_start3A_323 = tpu.memref_slice %arg4[%add3A_321, %dma_start3A_322] : memref<32768x768xf32, #tpu.memory_space<hbm>> -> memref<32x768xf32, #tpu.memory_space<hbm>>
    %dma_start3A_324 = arith.constant 0 : i32
    %dma_start3A_325 = tpu.memref_slice %arg4[%add3A_321, %dma_start3A_324] : memref<32768x768xf32, #tpu.memory_space<hbm>> -> memref<32x768xf32, #tpu.memory_space<hbm>>
    tpu.enqueue_dma source(%arg8 : memref<32x768xf32, #tpu.memory_space<vmem>>) target(%dma_start3A_325 : memref<32x768xf32, #tpu.memory_space<hbm>>) target_semaphore(%arg18 : memref<!tpu.dma_semaphore, #tpu.memory_space<semaphore_mem>>)
    %dma_wait3A_326 = arith.constant 0 : i32
    %dma_wait3A_327 = tpu.memref_slice %arg4[%add3A_297, %dma_wait3A_326] : memref<32768x768xf32, #tpu.memory_space<hbm>> -> memref<32x768xf32, #tpu.memory_space<hbm>>
    %dma_wait3A_328 = arith.constant 0 : i32
    %dma_wait3A_329 = tpu.memref_slice %arg4[%add3A_297, %dma_wait3A_328] : memref<32768x768xf32, #tpu.memory_space<hbm>> -> memref<32x768xf32, #tpu.memory_space<hbm>>
    tpu.wait_dma2 semaphore(%arg17 : memref<!tpu.dma_semaphore, #tpu.memory_space<semaphore_mem>>) src(%arg7 : memref<32x768xf32, #tpu.memory_space<vmem>>) dst(%dma_wait3A_329 : memref<32x768xf32, #tpu.memory_space<hbm>>)
    %dma_start3A_330 = arith.constant 16 : i32
    %dma_start3A_331 = arith.constant 0 : i32
    %dma_start3A_332 = tpu.memref_slice %arg5[%dma_start3A_330, %dma_start3A_331] : memref<32x32xi32, #tpu.memory_space<vmem>> -> memref<1x32xi32, #tpu.memory_space<vmem>>
    %dma_start3A_333 = tpu.memref_squeeze %dma_start3A_332 : memref<1x32xi32, #tpu.memory_space<vmem>> -> memref<32xi32, #tpu.memory_space<vmem>>
    %dma_start3A_334 = arith.constant 0 : i32
    %dma_start3A_335 = arith.constant 0 : i32
    %dma_start3A_336 = tpu.memref_slice %arg2[%dma_start3A_334, %dma_start3A_335] : memref<100000x768xf32, #tpu.memory_space<hbm>> -> memref<100000x768xf32, #tpu.memory_space<hbm>>
    tpu.enqueue_indirect_dma source(%dma_start3A_336 : memref<100000x768xf32, #tpu.memory_space<hbm>>) target(%arg7 : memref<32x768xf32, #tpu.memory_space<vmem>>) offsets(%dma_start3A_333 : memref<32xi32, #tpu.memory_space<vmem>>) semaphore(%arg12 : memref<!tpu.dma_semaphore, #tpu.memory_space<semaphore_mem>>)
    %dma_wait3A_337 = arith.constant 13 : i32
    %dma_wait3A_338 = arith.constant 0 : i32
    %dma_wait3A_339 = tpu.memref_slice %arg5[%dma_wait3A_337, %dma_wait3A_338] : memref<32x32xi32, #tpu.memory_space<vmem>> -> memref<1x32xi32, #tpu.memory_space<vmem>>
    %dma_wait3A_340 = tpu.memref_squeeze %dma_wait3A_339 : memref<1x32xi32, #tpu.memory_space<vmem>> -> memref<32xi32, #tpu.memory_space<vmem>>
    %dma_wait3A_341 = arith.constant 0 : i32
    %dma_wait3A_342 = arith.constant 0 : i32
    %dma_wait3A_343 = tpu.memref_slice %arg2[%dma_wait3A_341, %dma_wait3A_342] : memref<100000x768xf32, #tpu.memory_space<hbm>> -> memref<100000x768xf32, #tpu.memory_space<hbm>>
    tpu.wait_indirect_dma semaphore(%arg14 : memref<!tpu.dma_semaphore, #tpu.memory_space<semaphore_mem>>) src(%dma_wait3A_343 : memref<100000x768xf32, #tpu.memory_space<hbm>>) dst(%arg9 : memref<32x768xf32, #tpu.memory_space<vmem>>)
    %add3A_344 = arith.constant 416 : i32
    %add3A_345 = arith.addi %mul3A_2, %add3A_344 : i32
    %dma_start3A_346 = arith.constant 0 : i32
    %dma_start3A_347 = tpu.memref_slice %arg4[%add3A_345, %dma_start3A_346] : memref<32768x768xf32, #tpu.memory_space<hbm>> -> memref<32x768xf32, #tpu.memory_space<hbm>>
    %dma_start3A_348 = arith.constant 0 : i32
    %dma_start3A_349 = tpu.memref_slice %arg4[%add3A_345, %dma_start3A_348] : memref<32768x768xf32, #tpu.memory_space<hbm>> -> memref<32x768xf32, #tpu.memory_space<hbm>>
    tpu.enqueue_dma source(%arg9 : memref<32x768xf32, #tpu.memory_space<vmem>>) target(%dma_start3A_349 : memref<32x768xf32, #tpu.memory_space<hbm>>) target_semaphore(%arg19 : memref<!tpu.dma_semaphore, #tpu.memory_space<semaphore_mem>>)
    %dma_wait3A_350 = arith.constant 0 : i32
    %dma_wait3A_351 = tpu.memref_slice %arg4[%add3A_321, %dma_wait3A_350] : memref<32768x768xf32, #tpu.memory_space<hbm>> -> memref<32x768xf32, #tpu.memory_space<hbm>>
    %dma_wait3A_352 = arith.constant 0 : i32
    %dma_wait3A_353 = tpu.memref_slice %arg4[%add3A_321, %dma_wait3A_352] : memref<32768x768xf32, #tpu.memory_space<hbm>> -> memref<32x768xf32, #tpu.memory_space<hbm>>
    tpu.wait_dma2 semaphore(%arg18 : memref<!tpu.dma_semaphore, #tpu.memory_space<semaphore_mem>>) src(%arg8 : memref<32x768xf32, #tpu.memory_space<vmem>>) dst(%dma_wait3A_353 : memref<32x768xf32, #tpu.memory_space<hbm>>)
    %dma_start3A_354 = arith.constant 17 : i32
    %dma_start3A_355 = arith.constant 0 : i32
    %dma_start3A_356 = tpu.memref_slice %arg5[%dma_start3A_354, %dma_start3A_355] : memref<32x32xi32, #tpu.memory_space<vmem>> -> memref<1x32xi32, #tpu.memory_space<vmem>>
    %dma_start3A_357 = tpu.memref_squeeze %dma_start3A_356 : memref<1x32xi32, #tpu.memory_space<vmem>> -> memref<32xi32, #tpu.memory_space<vmem>>
    %dma_start3A_358 = arith.constant 0 : i32
    %dma_start3A_359 = arith.constant 0 : i32
    %dma_start3A_360 = tpu.memref_slice %arg2[%dma_start3A_358, %dma_start3A_359] : memref<100000x768xf32, #tpu.memory_space<hbm>> -> memref<100000x768xf32, #tpu.memory_space<hbm>>
    tpu.enqueue_indirect_dma source(%dma_start3A_360 : memref<100000x768xf32, #tpu.memory_space<hbm>>) target(%arg8 : memref<32x768xf32, #tpu.memory_space<vmem>>) offsets(%dma_start3A_357 : memref<32xi32, #tpu.memory_space<vmem>>) semaphore(%arg13 : memref<!tpu.dma_semaphore, #tpu.memory_space<semaphore_mem>>)
    %dma_wait3A_361 = arith.constant 14 : i32
    %dma_wait3A_362 = arith.constant 0 : i32
    %dma_wait3A_363 = tpu.memref_slice %arg5[%dma_wait3A_361, %dma_wait3A_362] : memref<32x32xi32, #tpu.memory_space<vmem>> -> memref<1x32xi32, #tpu.memory_space<vmem>>
    %dma_wait3A_364 = tpu.memref_squeeze %dma_wait3A_363 : memref<1x32xi32, #tpu.memory_space<vmem>> -> memref<32xi32, #tpu.memory_space<vmem>>
    %dma_wait3A_365 = arith.constant 0 : i32
    %dma_wait3A_366 = arith.constant 0 : i32
    %dma_wait3A_367 = tpu.memref_slice %arg2[%dma_wait3A_365, %dma_wait3A_366] : memref<100000x768xf32, #tpu.memory_space<hbm>> -> memref<100000x768xf32, #tpu.memory_space<hbm>>
    tpu.wait_indirect_dma semaphore(%arg15 : memref<!tpu.dma_semaphore, #tpu.memory_space<semaphore_mem>>) src(%dma_wait3A_367 : memref<100000x768xf32, #tpu.memory_space<hbm>>) dst(%arg10 : memref<32x768xf32, #tpu.memory_space<vmem>>)
    %add3A_368 = arith.constant 448 : i32
    %add3A_369 = arith.addi %mul3A_2, %add3A_368 : i32
    %dma_start3A_370 = arith.constant 0 : i32
    %dma_start3A_371 = tpu.memref_slice %arg4[%add3A_369, %dma_start3A_370] : memref<32768x768xf32, #tpu.memory_space<hbm>> -> memref<32x768xf32, #tpu.memory_space<hbm>>
    %dma_start3A_372 = arith.constant 0 : i32
    %dma_start3A_373 = tpu.memref_slice %arg4[%add3A_369, %dma_start3A_372] : memref<32768x768xf32, #tpu.memory_space<hbm>> -> memref<32x768xf32, #tpu.memory_space<hbm>>
    tpu.enqueue_dma source(%arg10 : memref<32x768xf32, #tpu.memory_space<vmem>>) target(%dma_start3A_373 : memref<32x768xf32, #tpu.memory_space<hbm>>) target_semaphore(%arg20 : memref<!tpu.dma_semaphore, #tpu.memory_space<semaphore_mem>>)
    %dma_wait3A_374 = arith.constant 0 : i32
    %dma_wait3A_375 = tpu.memref_slice %arg4[%add3A_345, %dma_wait3A_374] : memref<32768x768xf32, #tpu.memory_space<hbm>> -> memref<32x768xf32, #tpu.memory_space<hbm>>
    %dma_wait3A_376 = arith.constant 0 : i32
    %dma_wait3A_377 = tpu.memref_slice %arg4[%add3A_345, %dma_wait3A_376] : memref<32768x768xf32, #tpu.memory_space<hbm>> -> memref<32x768xf32, #tpu.memory_space<hbm>>
    tpu.wait_dma2 semaphore(%arg19 : memref<!tpu.dma_semaphore, #tpu.memory_space<semaphore_mem>>) src(%arg9 : memref<32x768xf32, #tpu.memory_space<vmem>>) dst(%dma_wait3A_377 : memref<32x768xf32, #tpu.memory_space<hbm>>)
    %dma_start3A_378 = arith.constant 18 : i32
    %dma_start3A_379 = arith.constant 0 : i32
    %dma_start3A_380 = tpu.memref_slice %arg5[%dma_start3A_378, %dma_start3A_379] : memref<32x32xi32, #tpu.memory_space<vmem>> -> memref<1x32xi32, #tpu.memory_space<vmem>>
    %dma_start3A_381 = tpu.memref_squeeze %dma_start3A_380 : memref<1x32xi32, #tpu.memory_space<vmem>> -> memref<32xi32, #tpu.memory_space<vmem>>
    %dma_start3A_382 = arith.constant 0 : i32
    %dma_start3A_383 = arith.constant 0 : i32
    %dma_start3A_384 = tpu.memref_slice %arg2[%dma_start3A_382, %dma_start3A_383] : memref<100000x768xf32, #tpu.memory_space<hbm>> -> memref<100000x768xf32, #tpu.memory_space<hbm>>
    tpu.enqueue_indirect_dma source(%dma_start3A_384 : memref<100000x768xf32, #tpu.memory_space<hbm>>) target(%arg9 : memref<32x768xf32, #tpu.memory_space<vmem>>) offsets(%dma_start3A_381 : memref<32xi32, #tpu.memory_space<vmem>>) semaphore(%arg14 : memref<!tpu.dma_semaphore, #tpu.memory_space<semaphore_mem>>)
    %dma_wait3A_385 = arith.constant 15 : i32
    %dma_wait3A_386 = arith.constant 0 : i32
    %dma_wait3A_387 = tpu.memref_slice %arg5[%dma_wait3A_385, %dma_wait3A_386] : memref<32x32xi32, #tpu.memory_space<vmem>> -> memref<1x32xi32, #tpu.memory_space<vmem>>
    %dma_wait3A_388 = tpu.memref_squeeze %dma_wait3A_387 : memref<1x32xi32, #tpu.memory_space<vmem>> -> memref<32xi32, #tpu.memory_space<vmem>>
    %dma_wait3A_389 = arith.constant 0 : i32
    %dma_wait3A_390 = arith.constant 0 : i32
    %dma_wait3A_391 = tpu.memref_slice %arg2[%dma_wait3A_389, %dma_wait3A_390] : memref<100000x768xf32, #tpu.memory_space<hbm>> -> memref<100000x768xf32, #tpu.memory_space<hbm>>
    tpu.wait_indirect_dma semaphore(%arg11 : memref<!tpu.dma_semaphore, #tpu.memory_space<semaphore_mem>>) src(%dma_wait3A_391 : memref<100000x768xf32, #tpu.memory_space<hbm>>) dst(%arg6 : memref<32x768xf32, #tpu.memory_space<vmem>>)
    %add3A_392 = arith.constant 480 : i32
    %add3A_393 = arith.addi %mul3A_2, %add3A_392 : i32
    %dma_start3A_394 = arith.constant 0 : i32
    %dma_start3A_395 = tpu.memref_slice %arg4[%add3A_393, %dma_start3A_394] : memref<32768x768xf32, #tpu.memory_space<hbm>> -> memref<32x768xf32, #tpu.memory_space<hbm>>
    %dma_start3A_396 = arith.constant 0 : i32
    %dma_start3A_397 = tpu.memref_slice %arg4[%add3A_393, %dma_start3A_396] : memref<32768x768xf32, #tpu.memory_space<hbm>> -> memref<32x768xf32, #tpu.memory_space<hbm>>
    tpu.enqueue_dma source(%arg6 : memref<32x768xf32, #tpu.memory_space<vmem>>) target(%dma_start3A_397 : memref<32x768xf32, #tpu.memory_space<hbm>>) target_semaphore(%arg16 : memref<!tpu.dma_semaphore, #tpu.memory_space<semaphore_mem>>)
    %dma_wait3A_398 = arith.constant 0 : i32
    %dma_wait3A_399 = tpu.memref_slice %arg4[%add3A_369, %dma_wait3A_398] : memref<32768x768xf32, #tpu.memory_space<hbm>> -> memref<32x768xf32, #tpu.memory_space<hbm>>
    %dma_wait3A_400 = arith.constant 0 : i32
    %dma_wait3A_401 = tpu.memref_slice %arg4[%add3A_369, %dma_wait3A_400] : memref<32768x768xf32, #tpu.memory_space<hbm>> -> memref<32x768xf32, #tpu.memory_space<hbm>>
    tpu.wait_dma2 semaphore(%arg20 : memref<!tpu.dma_semaphore, #tpu.memory_space<semaphore_mem>>) src(%arg10 : memref<32x768xf32, #tpu.memory_space<vmem>>) dst(%dma_wait3A_401 : memref<32x768xf32, #tpu.memory_space<hbm>>)
    %dma_start3A_402 = arith.constant 19 : i32
    %dma_start3A_403 = arith.constant 0 : i32
    %dma_start3A_404 = tpu.memref_slice %arg5[%dma_start3A_402, %dma_start3A_403] : memref<32x32xi32, #tpu.memory_space<vmem>> -> memref<1x32xi32, #tpu.memory_space<vmem>>
    %dma_start3A_405 = tpu.memref_squeeze %dma_start3A_404 : memref<1x32xi32, #tpu.memory_space<vmem>> -> memref<32xi32, #tpu.memory_space<vmem>>
    %dma_start3A_406 = arith.constant 0 : i32
    %dma_start3A_407 = arith.constant 0 : i32
    %dma_start3A_408 = tpu.memref_slice %arg2[%dma_start3A_406, %dma_start3A_407] : memref<100000x768xf32, #tpu.memory_space<hbm>> -> memref<100000x768xf32, #tpu.memory_space<hbm>>
    tpu.enqueue_indirect_dma source(%dma_start3A_408 : memref<100000x768xf32, #tpu.memory_space<hbm>>) target(%arg10 : memref<32x768xf32, #tpu.memory_space<vmem>>) offsets(%dma_start3A_405 : memref<32xi32, #tpu.memory_space<vmem>>) semaphore(%arg15 : memref<!tpu.dma_semaphore, #tpu.memory_space<semaphore_mem>>)
    %dma_wait3A_409 = arith.constant 16 : i32
    %dma_wait3A_410 = arith.constant 0 : i32
    %dma_wait3A_411 = tpu.memref_slice %arg5[%dma_wait3A_409, %dma_wait3A_410] : memref<32x32xi32, #tpu.memory_space<vmem>> -> memref<1x32xi32, #tpu.memory_space<vmem>>
    %dma_wait3A_412 = tpu.memref_squeeze %dma_wait3A_411 : memref<1x32xi32, #tpu.memory_space<vmem>> -> memref<32xi32, #tpu.memory_space<vmem>>
    %dma_wait3A_413 = arith.constant 0 : i32
    %dma_wait3A_414 = arith.constant 0 : i32
    %dma_wait3A_415 = tpu.memref_slice %arg2[%dma_wait3A_413, %dma_wait3A_414] : memref<100000x768xf32, #tpu.memory_space<hbm>> -> memref<100000x768xf32, #tpu.memory_space<hbm>>
    tpu.wait_indirect_dma semaphore(%arg12 : memref<!tpu.dma_semaphore, #tpu.memory_space<semaphore_mem>>) src(%dma_wait3A_415 : memref<100000x768xf32, #tpu.memory_space<hbm>>) dst(%arg7 : memref<32x768xf32, #tpu.memory_space<vmem>>)
    %add3A_416 = arith.constant 512 : i32
    %add3A_417 = arith.addi %mul3A_2, %add3A_416 : i32
    %dma_start3A_418 = arith.constant 0 : i32
    %dma_start3A_419 = tpu.memref_slice %arg4[%add3A_417, %dma_start3A_418] : memref<32768x768xf32, #tpu.memory_space<hbm>> -> memref<32x768xf32, #tpu.memory_space<hbm>>
    %dma_start3A_420 = arith.constant 0 : i32
    %dma_start3A_421 = tpu.memref_slice %arg4[%add3A_417, %dma_start3A_420] : memref<32768x768xf32, #tpu.memory_space<hbm>> -> memref<32x768xf32, #tpu.memory_space<hbm>>
    tpu.enqueue_dma source(%arg7 : memref<32x768xf32, #tpu.memory_space<vmem>>) target(%dma_start3A_421 : memref<32x768xf32, #tpu.memory_space<hbm>>) target_semaphore(%arg17 : memref<!tpu.dma_semaphore, #tpu.memory_space<semaphore_mem>>)
    %dma_wait3A_422 = arith.constant 0 : i32
    %dma_wait3A_423 = tpu.memref_slice %arg4[%add3A_393, %dma_wait3A_422] : memref<32768x768xf32, #tpu.memory_space<hbm>> -> memref<32x768xf32, #tpu.memory_space<hbm>>
    %dma_wait3A_424 = arith.constant 0 : i32
    %dma_wait3A_425 = tpu.memref_slice %arg4[%add3A_393, %dma_wait3A_424] : memref<32768x768xf32, #tpu.memory_space<hbm>> -> memref<32x768xf32, #tpu.memory_space<hbm>>
    tpu.wait_dma2 semaphore(%arg16 : memref<!tpu.dma_semaphore, #tpu.memory_space<semaphore_mem>>) src(%arg6 : memref<32x768xf32, #tpu.memory_space<vmem>>) dst(%dma_wait3A_425 : memref<32x768xf32, #tpu.memory_space<hbm>>)
    %dma_start3A_426 = arith.constant 20 : i32
    %dma_start3A_427 = arith.constant 0 : i32
    %dma_start3A_428 = tpu.memref_slice %arg5[%dma_start3A_426, %dma_start3A_427] : memref<32x32xi32, #tpu.memory_space<vmem>> -> memref<1x32xi32, #tpu.memory_space<vmem>>
    %dma_start3A_429 = tpu.memref_squeeze %dma_start3A_428 : memref<1x32xi32, #tpu.memory_space<vmem>> -> memref<32xi32, #tpu.memory_space<vmem>>
    %dma_start3A_430 = arith.constant 0 : i32
    %dma_start3A_431 = arith.constant 0 : i32
    %dma_start3A_432 = tpu.memref_slice %arg2[%dma_start3A_430, %dma_start3A_431] : memref<100000x768xf32, #tpu.memory_space<hbm>> -> memref<100000x768xf32, #tpu.memory_space<hbm>>
    tpu.enqueue_indirect_dma source(%dma_start3A_432 : memref<100000x768xf32, #tpu.memory_space<hbm>>) target(%arg6 : memref<32x768xf32, #tpu.memory_space<vmem>>) offsets(%dma_start3A_429 : memref<32xi32, #tpu.memory_space<vmem>>) semaphore(%arg11 : memref<!tpu.dma_semaphore, #tpu.memory_space<semaphore_mem>>)
    %dma_wait3A_433 = arith.constant 17 : i32
    %dma_wait3A_434 = arith.constant 0 : i32
    %dma_wait3A_435 = tpu.memref_slice %arg5[%dma_wait3A_433, %dma_wait3A_434] : memref<32x32xi32, #tpu.memory_space<vmem>> -> memref<1x32xi32, #tpu.memory_space<vmem>>
    %dma_wait3A_436 = tpu.memref_squeeze %dma_wait3A_435 : memref<1x32xi32, #tpu.memory_space<vmem>> -> memref<32xi32, #tpu.memory_space<vmem>>
    %dma_wait3A_437 = arith.constant 0 : i32
    %dma_wait3A_438 = arith.constant 0 : i32
    %dma_wait3A_439 = tpu.memref_slice %arg2[%dma_wait3A_437, %dma_wait3A_438] : memref<100000x768xf32, #tpu.memory_space<hbm>> -> memref<100000x768xf32, #tpu.memory_space<hbm>>
    tpu.wait_indirect_dma semaphore(%arg13 : memref<!tpu.dma_semaphore, #tpu.memory_space<semaphore_mem>>) src(%dma_wait3A_439 : memref<100000x768xf32, #tpu.memory_space<hbm>>) dst(%arg8 : memref<32x768xf32, #tpu.memory_space<vmem>>)
    %add3A_440 = arith.constant 544 : i32
    %add3A_441 = arith.addi %mul3A_2, %add3A_440 : i32
    %dma_start3A_442 = arith.constant 0 : i32
    %dma_start3A_443 = tpu.memref_slice %arg4[%add3A_441, %dma_start3A_442] : memref<32768x768xf32, #tpu.memory_space<hbm>> -> memref<32x768xf32, #tpu.memory_space<hbm>>
    %dma_start3A_444 = arith.constant 0 : i32
    %dma_start3A_445 = tpu.memref_slice %arg4[%add3A_441, %dma_start3A_444] : memref<32768x768xf32, #tpu.memory_space<hbm>> -> memref<32x768xf32, #tpu.memory_space<hbm>>
    tpu.enqueue_dma source(%arg8 : memref<32x768xf32, #tpu.memory_space<vmem>>) target(%dma_start3A_445 : memref<32x768xf32, #tpu.memory_space<hbm>>) target_semaphore(%arg18 : memref<!tpu.dma_semaphore, #tpu.memory_space<semaphore_mem>>)
    %dma_wait3A_446 = arith.constant 0 : i32
    %dma_wait3A_447 = tpu.memref_slice %arg4[%add3A_417, %dma_wait3A_446] : memref<32768x768xf32, #tpu.memory_space<hbm>> -> memref<32x768xf32, #tpu.memory_space<hbm>>
    %dma_wait3A_448 = arith.constant 0 : i32
    %dma_wait3A_449 = tpu.memref_slice %arg4[%add3A_417, %dma_wait3A_448] : memref<32768x768xf32, #tpu.memory_space<hbm>> -> memref<32x768xf32, #tpu.memory_space<hbm>>
    tpu.wait_dma2 semaphore(%arg17 : memref<!tpu.dma_semaphore, #tpu.memory_space<semaphore_mem>>) src(%arg7 : memref<32x768xf32, #tpu.memory_space<vmem>>) dst(%dma_wait3A_449 : memref<32x768xf32, #tpu.memory_space<hbm>>)
    %dma_start3A_450 = arith.constant 21 : i32
    %dma_start3A_451 = arith.constant 0 : i32
    %dma_start3A_452 = tpu.memref_slice %arg5[%dma_start3A_450, %dma_start3A_451] : memref<32x32xi32, #tpu.memory_space<vmem>> -> memref<1x32xi32, #tpu.memory_space<vmem>>
    %dma_start3A_453 = tpu.memref_squeeze %dma_start3A_452 : memref<1x32xi32, #tpu.memory_space<vmem>> -> memref<32xi32, #tpu.memory_space<vmem>>
    %dma_start3A_454 = arith.constant 0 : i32
    %dma_start3A_455 = arith.constant 0 : i32
    %dma_start3A_456 = tpu.memref_slice %arg2[%dma_start3A_454, %dma_start3A_455] : memref<100000x768xf32, #tpu.memory_space<hbm>> -> memref<100000x768xf32, #tpu.memory_space<hbm>>
    tpu.enqueue_indirect_dma source(%dma_start3A_456 : memref<100000x768xf32, #tpu.memory_space<hbm>>) target(%arg7 : memref<32x768xf32, #tpu.memory_space<vmem>>) offsets(%dma_start3A_453 : memref<32xi32, #tpu.memory_space<vmem>>) semaphore(%arg12 : memref<!tpu.dma_semaphore, #tpu.memory_space<semaphore_mem>>)
    %dma_wait3A_457 = arith.constant 18 : i32
    %dma_wait3A_458 = arith.constant 0 : i32
    %dma_wait3A_459 = tpu.memref_slice %arg5[%dma_wait3A_457, %dma_wait3A_458] : memref<32x32xi32, #tpu.memory_space<vmem>> -> memref<1x32xi32, #tpu.memory_space<vmem>>
    %dma_wait3A_460 = tpu.memref_squeeze %dma_wait3A_459 : memref<1x32xi32, #tpu.memory_space<vmem>> -> memref<32xi32, #tpu.memory_space<vmem>>
    %dma_wait3A_461 = arith.constant 0 : i32
    %dma_wait3A_462 = arith.constant 0 : i32
    %dma_wait3A_463 = tpu.memref_slice %arg2[%dma_wait3A_461, %dma_wait3A_462] : memref<100000x768xf32, #tpu.memory_space<hbm>> -> memref<100000x768xf32, #tpu.memory_space<hbm>>
    tpu.wait_indirect_dma semaphore(%arg14 : memref<!tpu.dma_semaphore, #tpu.memory_space<semaphore_mem>>) src(%dma_wait3A_463 : memref<100000x768xf32, #tpu.memory_space<hbm>>) dst(%arg9 : memref<32x768xf32, #tpu.memory_space<vmem>>)
    %add3A_464 = arith.constant 576 : i32
    %add3A_465 = arith.addi %mul3A_2, %add3A_464 : i32
    %dma_start3A_466 = arith.constant 0 : i32
    %dma_start3A_467 = tpu.memref_slice %arg4[%add3A_465, %dma_start3A_466] : memref<32768x768xf32, #tpu.memory_space<hbm>> -> memref<32x768xf32, #tpu.memory_space<hbm>>
    %dma_start3A_468 = arith.constant 0 : i32
    %dma_start3A_469 = tpu.memref_slice %arg4[%add3A_465, %dma_start3A_468] : memref<32768x768xf32, #tpu.memory_space<hbm>> -> memref<32x768xf32, #tpu.memory_space<hbm>>
    tpu.enqueue_dma source(%arg9 : memref<32x768xf32, #tpu.memory_space<vmem>>) target(%dma_start3A_469 : memref<32x768xf32, #tpu.memory_space<hbm>>) target_semaphore(%arg19 : memref<!tpu.dma_semaphore, #tpu.memory_space<semaphore_mem>>)
    %dma_wait3A_470 = arith.constant 0 : i32
    %dma_wait3A_471 = tpu.memref_slice %arg4[%add3A_441, %dma_wait3A_470] : memref<32768x768xf32, #tpu.memory_space<hbm>> -> memref<32x768xf32, #tpu.memory_space<hbm>>
    %dma_wait3A_472 = arith.constant 0 : i32
    %dma_wait3A_473 = tpu.memref_slice %arg4[%add3A_441, %dma_wait3A_472] : memref<32768x768xf32, #tpu.memory_space<hbm>> -> memref<32x768xf32, #tpu.memory_space<hbm>>
    tpu.wait_dma2 semaphore(%arg18 : memref<!tpu.dma_semaphore, #tpu.memory_space<semaphore_mem>>) src(%arg8 : memref<32x768xf32, #tpu.memory_space<vmem>>) dst(%dma_wait3A_473 : memref<32x768xf32, #tpu.memory_space<hbm>>)
    %dma_start3A_474 = arith.constant 22 : i32
    %dma_start3A_475 = arith.constant 0 : i32
    %dma_start3A_476 = tpu.memref_slice %arg5[%dma_start3A_474, %dma_start3A_475] : memref<32x32xi32, #tpu.memory_space<vmem>> -> memref<1x32xi32, #tpu.memory_space<vmem>>
    %dma_start3A_477 = tpu.memref_squeeze %dma_start3A_476 : memref<1x32xi32, #tpu.memory_space<vmem>> -> memref<32xi32, #tpu.memory_space<vmem>>
    %dma_start3A_478 = arith.constant 0 : i32
    %dma_start3A_479 = arith.constant 0 : i32
    %dma_start3A_480 = tpu.memref_slice %arg2[%dma_start3A_478, %dma_start3A_479] : memref<100000x768xf32, #tpu.memory_space<hbm>> -> memref<100000x768xf32, #tpu.memory_space<hbm>>
    tpu.enqueue_indirect_dma source(%dma_start3A_480 : memref<100000x768xf32, #tpu.memory_space<hbm>>) target(%arg8 : memref<32x768xf32, #tpu.memory_space<vmem>>) offsets(%dma_start3A_477 : memref<32xi32, #tpu.memory_space<vmem>>) semaphore(%arg13 : memref<!tpu.dma_semaphore, #tpu.memory_space<semaphore_mem>>)
    %dma_wait3A_481 = arith.constant 19 : i32
    %dma_wait3A_482 = arith.constant 0 : i32
    %dma_wait3A_483 = tpu.memref_slice %arg5[%dma_wait3A_481, %dma_wait3A_482] : memref<32x32xi32, #tpu.memory_space<vmem>> -> memref<1x32xi32, #tpu.memory_space<vmem>>
    %dma_wait3A_484 = tpu.memref_squeeze %dma_wait3A_483 : memref<1x32xi32, #tpu.memory_space<vmem>> -> memref<32xi32, #tpu.memory_space<vmem>>
    %dma_wait3A_485 = arith.constant 0 : i32
    %dma_wait3A_486 = arith.constant 0 : i32
    %dma_wait3A_487 = tpu.memref_slice %arg2[%dma_wait3A_485, %dma_wait3A_486] : memref<100000x768xf32, #tpu.memory_space<hbm>> -> memref<100000x768xf32, #tpu.memory_space<hbm>>
    tpu.wait_indirect_dma semaphore(%arg15 : memref<!tpu.dma_semaphore, #tpu.memory_space<semaphore_mem>>) src(%dma_wait3A_487 : memref<100000x768xf32, #tpu.memory_space<hbm>>) dst(%arg10 : memref<32x768xf32, #tpu.memory_space<vmem>>)
    %add3A_488 = arith.constant 608 : i32
    %add3A_489 = arith.addi %mul3A_2, %add3A_488 : i32
    %dma_start3A_490 = arith.constant 0 : i32
    %dma_start3A_491 = tpu.memref_slice %arg4[%add3A_489, %dma_start3A_490] : memref<32768x768xf32, #tpu.memory_space<hbm>> -> memref<32x768xf32, #tpu.memory_space<hbm>>
    %dma_start3A_492 = arith.constant 0 : i32
    %dma_start3A_493 = tpu.memref_slice %arg4[%add3A_489, %dma_start3A_492] : memref<32768x768xf32, #tpu.memory_space<hbm>> -> memref<32x768xf32, #tpu.memory_space<hbm>>
    tpu.enqueue_dma source(%arg10 : memref<32x768xf32, #tpu.memory_space<vmem>>) target(%dma_start3A_493 : memref<32x768xf32, #tpu.memory_space<hbm>>) target_semaphore(%arg20 : memref<!tpu.dma_semaphore, #tpu.memory_space<semaphore_mem>>)
    %dma_wait3A_494 = arith.constant 0 : i32
    %dma_wait3A_495 = tpu.memref_slice %arg4[%add3A_465, %dma_wait3A_494] : memref<32768x768xf32, #tpu.memory_space<hbm>> -> memref<32x768xf32, #tpu.memory_space<hbm>>
    %dma_wait3A_496 = arith.constant 0 : i32
    %dma_wait3A_497 = tpu.memref_slice %arg4[%add3A_465, %dma_wait3A_496] : memref<32768x768xf32, #tpu.memory_space<hbm>> -> memref<32x768xf32, #tpu.memory_space<hbm>>
    tpu.wait_dma2 semaphore(%arg19 : memref<!tpu.dma_semaphore, #tpu.memory_space<semaphore_mem>>) src(%arg9 : memref<32x768xf32, #tpu.memory_space<vmem>>) dst(%dma_wait3A_497 : memref<32x768xf32, #tpu.memory_space<hbm>>)
    %dma_start3A_498 = arith.constant 23 : i32
    %dma_start3A_499 = arith.constant 0 : i32
    %dma_start3A_500 = tpu.memref_slice %arg5[%dma_start3A_498, %dma_start3A_499] : memref<32x32xi32, #tpu.memory_space<vmem>> -> memref<1x32xi32, #tpu.memory_space<vmem>>
    %dma_start3A_501 = tpu.memref_squeeze %dma_start3A_500 : memref<1x32xi32, #tpu.memory_space<vmem>> -> memref<32xi32, #tpu.memory_space<vmem>>
    %dma_start3A_502 = arith.constant 0 : i32
    %dma_start3A_503 = arith.constant 0 : i32
    %dma_start3A_504 = tpu.memref_slice %arg2[%dma_start3A_502, %dma_start3A_503] : memref<100000x768xf32, #tpu.memory_space<hbm>> -> memref<100000x768xf32, #tpu.memory_space<hbm>>
    tpu.enqueue_indirect_dma source(%dma_start3A_504 : memref<100000x768xf32, #tpu.memory_space<hbm>>) target(%arg9 : memref<32x768xf32, #tpu.memory_space<vmem>>) offsets(%dma_start3A_501 : memref<32xi32, #tpu.memory_space<vmem>>) semaphore(%arg14 : memref<!tpu.dma_semaphore, #tpu.memory_space<semaphore_mem>>)
    %dma_wait3A_505 = arith.constant 20 : i32
    %dma_wait3A_506 = arith.constant 0 : i32
    %dma_wait3A_507 = tpu.memref_slice %arg5[%dma_wait3A_505, %dma_wait3A_506] : memref<32x32xi32, #tpu.memory_space<vmem>> -> memref<1x32xi32, #tpu.memory_space<vmem>>
    %dma_wait3A_508 = tpu.memref_squeeze %dma_wait3A_507 : memref<1x32xi32, #tpu.memory_space<vmem>> -> memref<32xi32, #tpu.memory_space<vmem>>
    %dma_wait3A_509 = arith.constant 0 : i32
    %dma_wait3A_510 = arith.constant 0 : i32
    %dma_wait3A_511 = tpu.memref_slice %arg2[%dma_wait3A_509, %dma_wait3A_510] : memref<100000x768xf32, #tpu.memory_space<hbm>> -> memref<100000x768xf32, #tpu.memory_space<hbm>>
    tpu.wait_indirect_dma semaphore(%arg11 : memref<!tpu.dma_semaphore, #tpu.memory_space<semaphore_mem>>) src(%dma_wait3A_511 : memref<100000x768xf32, #tpu.memory_space<hbm>>) dst(%arg6 : memref<32x768xf32, #tpu.memory_space<vmem>>)
    %add3A_512 = arith.constant 640 : i32
    %add3A_513 = arith.addi %mul3A_2, %add3A_512 : i32
    %dma_start3A_514 = arith.constant 0 : i32
    %dma_start3A_515 = tpu.memref_slice %arg4[%add3A_513, %dma_start3A_514] : memref<32768x768xf32, #tpu.memory_space<hbm>> -> memref<32x768xf32, #tpu.memory_space<hbm>>
    %dma_start3A_516 = arith.constant 0 : i32
    %dma_start3A_517 = tpu.memref_slice %arg4[%add3A_513, %dma_start3A_516] : memref<32768x768xf32, #tpu.memory_space<hbm>> -> memref<32x768xf32, #tpu.memory_space<hbm>>
    tpu.enqueue_dma source(%arg6 : memref<32x768xf32, #tpu.memory_space<vmem>>) target(%dma_start3A_517 : memref<32x768xf32, #tpu.memory_space<hbm>>) target_semaphore(%arg16 : memref<!tpu.dma_semaphore, #tpu.memory_space<semaphore_mem>>)
    %dma_wait3A_518 = arith.constant 0 : i32
    %dma_wait3A_519 = tpu.memref_slice %arg4[%add3A_489, %dma_wait3A_518] : memref<32768x768xf32, #tpu.memory_space<hbm>> -> memref<32x768xf32, #tpu.memory_space<hbm>>
    %dma_wait3A_520 = arith.constant 0 : i32
    %dma_wait3A_521 = tpu.memref_slice %arg4[%add3A_489, %dma_wait3A_520] : memref<32768x768xf32, #tpu.memory_space<hbm>> -> memref<32x768xf32, #tpu.memory_space<hbm>>
    tpu.wait_dma2 semaphore(%arg20 : memref<!tpu.dma_semaphore, #tpu.memory_space<semaphore_mem>>) src(%arg10 : memref<32x768xf32, #tpu.memory_space<vmem>>) dst(%dma_wait3A_521 : memref<32x768xf32, #tpu.memory_space<hbm>>)
    %dma_start3A_522 = arith.constant 24 : i32
    %dma_start3A_523 = arith.constant 0 : i32
    %dma_start3A_524 = tpu.memref_slice %arg5[%dma_start3A_522, %dma_start3A_523] : memref<32x32xi32, #tpu.memory_space<vmem>> -> memref<1x32xi32, #tpu.memory_space<vmem>>
    %dma_start3A_525 = tpu.memref_squeeze %dma_start3A_524 : memref<1x32xi32, #tpu.memory_space<vmem>> -> memref<32xi32, #tpu.memory_space<vmem>>
    %dma_start3A_526 = arith.constant 0 : i32
    %dma_start3A_527 = arith.constant 0 : i32
    %dma_start3A_528 = tpu.memref_slice %arg2[%dma_start3A_526, %dma_start3A_527] : memref<100000x768xf32, #tpu.memory_space<hbm>> -> memref<100000x768xf32, #tpu.memory_space<hbm>>
    tpu.enqueue_indirect_dma source(%dma_start3A_528 : memref<100000x768xf32, #tpu.memory_space<hbm>>) target(%arg10 : memref<32x768xf32, #tpu.memory_space<vmem>>) offsets(%dma_start3A_525 : memref<32xi32, #tpu.memory_space<vmem>>) semaphore(%arg15 : memref<!tpu.dma_semaphore, #tpu.memory_space<semaphore_mem>>)
    %dma_wait3A_529 = arith.constant 21 : i32
    %dma_wait3A_530 = arith.constant 0 : i32
    %dma_wait3A_531 = tpu.memref_slice %arg5[%dma_wait3A_529, %dma_wait3A_530] : memref<32x32xi32, #tpu.memory_space<vmem>> -> memref<1x32xi32, #tpu.memory_space<vmem>>
    %dma_wait3A_532 = tpu.memref_squeeze %dma_wait3A_531 : memref<1x32xi32, #tpu.memory_space<vmem>> -> memref<32xi32, #tpu.memory_space<vmem>>
    %dma_wait3A_533 = arith.constant 0 : i32
    %dma_wait3A_534 = arith.constant 0 : i32
    %dma_wait3A_535 = tpu.memref_slice %arg2[%dma_wait3A_533, %dma_wait3A_534] : memref<100000x768xf32, #tpu.memory_space<hbm>> -> memref<100000x768xf32, #tpu.memory_space<hbm>>
    tpu.wait_indirect_dma semaphore(%arg12 : memref<!tpu.dma_semaphore, #tpu.memory_space<semaphore_mem>>) src(%dma_wait3A_535 : memref<100000x768xf32, #tpu.memory_space<hbm>>) dst(%arg7 : memref<32x768xf32, #tpu.memory_space<vmem>>)
    %add3A_536 = arith.constant 672 : i32
    %add3A_537 = arith.addi %mul3A_2, %add3A_536 : i32
    %dma_start3A_538 = arith.constant 0 : i32
    %dma_start3A_539 = tpu.memref_slice %arg4[%add3A_537, %dma_start3A_538] : memref<32768x768xf32, #tpu.memory_space<hbm>> -> memref<32x768xf32, #tpu.memory_space<hbm>>
    %dma_start3A_540 = arith.constant 0 : i32
    %dma_start3A_541 = tpu.memref_slice %arg4[%add3A_537, %dma_start3A_540] : memref<32768x768xf32, #tpu.memory_space<hbm>> -> memref<32x768xf32, #tpu.memory_space<hbm>>
    tpu.enqueue_dma source(%arg7 : memref<32x768xf32, #tpu.memory_space<vmem>>) target(%dma_start3A_541 : memref<32x768xf32, #tpu.memory_space<hbm>>) target_semaphore(%arg17 : memref<!tpu.dma_semaphore, #tpu.memory_space<semaphore_mem>>)
    %dma_wait3A_542 = arith.constant 0 : i32
    %dma_wait3A_543 = tpu.memref_slice %arg4[%add3A_513, %dma_wait3A_542] : memref<32768x768xf32, #tpu.memory_space<hbm>> -> memref<32x768xf32, #tpu.memory_space<hbm>>
    %dma_wait3A_544 = arith.constant 0 : i32
    %dma_wait3A_545 = tpu.memref_slice %arg4[%add3A_513, %dma_wait3A_544] : memref<32768x768xf32, #tpu.memory_space<hbm>> -> memref<32x768xf32, #tpu.memory_space<hbm>>
    tpu.wait_dma2 semaphore(%arg16 : memref<!tpu.dma_semaphore, #tpu.memory_space<semaphore_mem>>) src(%arg6 : memref<32x768xf32, #tpu.memory_space<vmem>>) dst(%dma_wait3A_545 : memref<32x768xf32, #tpu.memory_space<hbm>>)
    %dma_start3A_546 = arith.constant 25 : i32
    %dma_start3A_547 = arith.constant 0 : i32
    %dma_start3A_548 = tpu.memref_slice %arg5[%dma_start3A_546, %dma_start3A_547] : memref<32x32xi32, #tpu.memory_space<vmem>> -> memref<1x32xi32, #tpu.memory_space<vmem>>
    %dma_start3A_549 = tpu.memref_squeeze %dma_start3A_548 : memref<1x32xi32, #tpu.memory_space<vmem>> -> memref<32xi32, #tpu.memory_space<vmem>>
    %dma_start3A_550 = arith.constant 0 : i32
    %dma_start3A_551 = arith.constant 0 : i32
    %dma_start3A_552 = tpu.memref_slice %arg2[%dma_start3A_550, %dma_start3A_551] : memref<100000x768xf32, #tpu.memory_space<hbm>> -> memref<100000x768xf32, #tpu.memory_space<hbm>>
    tpu.enqueue_indirect_dma source(%dma_start3A_552 : memref<100000x768xf32, #tpu.memory_space<hbm>>) target(%arg6 : memref<32x768xf32, #tpu.memory_space<vmem>>) offsets(%dma_start3A_549 : memref<32xi32, #tpu.memory_space<vmem>>) semaphore(%arg11 : memref<!tpu.dma_semaphore, #tpu.memory_space<semaphore_mem>>)
    %dma_wait3A_553 = arith.constant 22 : i32
    %dma_wait3A_554 = arith.constant 0 : i32
    %dma_wait3A_555 = tpu.memref_slice %arg5[%dma_wait3A_553, %dma_wait3A_554] : memref<32x32xi32, #tpu.memory_space<vmem>> -> memref<1x32xi32, #tpu.memory_space<vmem>>
    %dma_wait3A_556 = tpu.memref_squeeze %dma_wait3A_555 : memref<1x32xi32, #tpu.memory_space<vmem>> -> memref<32xi32, #tpu.memory_space<vmem>>
    %dma_wait3A_557 = arith.constant 0 : i32
    %dma_wait3A_558 = arith.constant 0 : i32
    %dma_wait3A_559 = tpu.memref_slice %arg2[%dma_wait3A_557, %dma_wait3A_558] : memref<100000x768xf32, #tpu.memory_space<hbm>> -> memref<100000x768xf32, #tpu.memory_space<hbm>>
    tpu.wait_indirect_dma semaphore(%arg13 : memref<!tpu.dma_semaphore, #tpu.memory_space<semaphore_mem>>) src(%dma_wait3A_559 : memref<100000x768xf32, #tpu.memory_space<hbm>>) dst(%arg8 : memref<32x768xf32, #tpu.memory_space<vmem>>)
    %add3A_560 = arith.constant 704 : i32
    %add3A_561 = arith.addi %mul3A_2, %add3A_560 : i32
    %dma_start3A_562 = arith.constant 0 : i32
    %dma_start3A_563 = tpu.memref_slice %arg4[%add3A_561, %dma_start3A_562] : memref<32768x768xf32, #tpu.memory_space<hbm>> -> memref<32x768xf32, #tpu.memory_space<hbm>>
    %dma_start3A_564 = arith.constant 0 : i32
    %dma_start3A_565 = tpu.memref_slice %arg4[%add3A_561, %dma_start3A_564] : memref<32768x768xf32, #tpu.memory_space<hbm>> -> memref<32x768xf32, #tpu.memory_space<hbm>>
    tpu.enqueue_dma source(%arg8 : memref<32x768xf32, #tpu.memory_space<vmem>>) target(%dma_start3A_565 : memref<32x768xf32, #tpu.memory_space<hbm>>) target_semaphore(%arg18 : memref<!tpu.dma_semaphore, #tpu.memory_space<semaphore_mem>>)
    %dma_wait3A_566 = arith.constant 0 : i32
    %dma_wait3A_567 = tpu.memref_slice %arg4[%add3A_537, %dma_wait3A_566] : memref<32768x768xf32, #tpu.memory_space<hbm>> -> memref<32x768xf32, #tpu.memory_space<hbm>>
    %dma_wait3A_568 = arith.constant 0 : i32
    %dma_wait3A_569 = tpu.memref_slice %arg4[%add3A_537, %dma_wait3A_568] : memref<32768x768xf32, #tpu.memory_space<hbm>> -> memref<32x768xf32, #tpu.memory_space<hbm>>
    tpu.wait_dma2 semaphore(%arg17 : memref<!tpu.dma_semaphore, #tpu.memory_space<semaphore_mem>>) src(%arg7 : memref<32x768xf32, #tpu.memory_space<vmem>>) dst(%dma_wait3A_569 : memref<32x768xf32, #tpu.memory_space<hbm>>)
    %dma_start3A_570 = arith.constant 26 : i32
    %dma_start3A_571 = arith.constant 0 : i32
    %dma_start3A_572 = tpu.memref_slice %arg5[%dma_start3A_570, %dma_start3A_571] : memref<32x32xi32, #tpu.memory_space<vmem>> -> memref<1x32xi32, #tpu.memory_space<vmem>>
    %dma_start3A_573 = tpu.memref_squeeze %dma_start3A_572 : memref<1x32xi32, #tpu.memory_space<vmem>> -> memref<32xi32, #tpu.memory_space<vmem>>
    %dma_start3A_574 = arith.constant 0 : i32
    %dma_start3A_575 = arith.constant 0 : i32
    %dma_start3A_576 = tpu.memref_slice %arg2[%dma_start3A_574, %dma_start3A_575] : memref<100000x768xf32, #tpu.memory_space<hbm>> -> memref<100000x768xf32, #tpu.memory_space<hbm>>
    tpu.enqueue_indirect_dma source(%dma_start3A_576 : memref<100000x768xf32, #tpu.memory_space<hbm>>) target(%arg7 : memref<32x768xf32, #tpu.memory_space<vmem>>) offsets(%dma_start3A_573 : memref<32xi32, #tpu.memory_space<vmem>>) semaphore(%arg12 : memref<!tpu.dma_semaphore, #tpu.memory_space<semaphore_mem>>)
    %dma_wait3A_577 = arith.constant 23 : i32
    %dma_wait3A_578 = arith.constant 0 : i32
    %dma_wait3A_579 = tpu.memref_slice %arg5[%dma_wait3A_577, %dma_wait3A_578] : memref<32x32xi32, #tpu.memory_space<vmem>> -> memref<1x32xi32, #tpu.memory_space<vmem>>
    %dma_wait3A_580 = tpu.memref_squeeze %dma_wait3A_579 : memref<1x32xi32, #tpu.memory_space<vmem>> -> memref<32xi32, #tpu.memory_space<vmem>>
    %dma_wait3A_581 = arith.constant 0 : i32
    %dma_wait3A_582 = arith.constant 0 : i32
    %dma_wait3A_583 = tpu.memref_slice %arg2[%dma_wait3A_581, %dma_wait3A_582] : memref<100000x768xf32, #tpu.memory_space<hbm>> -> memref<100000x768xf32, #tpu.memory_space<hbm>>
    tpu.wait_indirect_dma semaphore(%arg14 : memref<!tpu.dma_semaphore, #tpu.memory_space<semaphore_mem>>) src(%dma_wait3A_583 : memref<100000x768xf32, #tpu.memory_space<hbm>>) dst(%arg9 : memref<32x768xf32, #tpu.memory_space<vmem>>)
    %add3A_584 = arith.constant 736 : i32
    %add3A_585 = arith.addi %mul3A_2, %add3A_584 : i32
    %dma_start3A_586 = arith.constant 0 : i32
    %dma_start3A_587 = tpu.memref_slice %arg4[%add3A_585, %dma_start3A_586] : memref<32768x768xf32, #tpu.memory_space<hbm>> -> memref<32x768xf32, #tpu.memory_space<hbm>>
    %dma_start3A_588 = arith.constant 0 : i32
    %dma_start3A_589 = tpu.memref_slice %arg4[%add3A_585, %dma_start3A_588] : memref<32768x768xf32, #tpu.memory_space<hbm>> -> memref<32x768xf32, #tpu.memory_space<hbm>>
    tpu.enqueue_dma source(%arg9 : memref<32x768xf32, #tpu.memory_space<vmem>>) target(%dma_start3A_589 : memref<32x768xf32, #tpu.memory_space<hbm>>) target_semaphore(%arg19 : memref<!tpu.dma_semaphore, #tpu.memory_space<semaphore_mem>>)
    %dma_wait3A_590 = arith.constant 0 : i32
    %dma_wait3A_591 = tpu.memref_slice %arg4[%add3A_561, %dma_wait3A_590] : memref<32768x768xf32, #tpu.memory_space<hbm>> -> memref<32x768xf32, #tpu.memory_space<hbm>>
    %dma_wait3A_592 = arith.constant 0 : i32
    %dma_wait3A_593 = tpu.memref_slice %arg4[%add3A_561, %dma_wait3A_592] : memref<32768x768xf32, #tpu.memory_space<hbm>> -> memref<32x768xf32, #tpu.memory_space<hbm>>
    tpu.wait_dma2 semaphore(%arg18 : memref<!tpu.dma_semaphore, #tpu.memory_space<semaphore_mem>>) src(%arg8 : memref<32x768xf32, #tpu.memory_space<vmem>>) dst(%dma_wait3A_593 : memref<32x768xf32, #tpu.memory_space<hbm>>)
    %dma_start3A_594 = arith.constant 27 : i32
    %dma_start3A_595 = arith.constant 0 : i32
    %dma_start3A_596 = tpu.memref_slice %arg5[%dma_start3A_594, %dma_start3A_595] : memref<32x32xi32, #tpu.memory_space<vmem>> -> memref<1x32xi32, #tpu.memory_space<vmem>>
    %dma_start3A_597 = tpu.memref_squeeze %dma_start3A_596 : memref<1x32xi32, #tpu.memory_space<vmem>> -> memref<32xi32, #tpu.memory_space<vmem>>
    %dma_start3A_598 = arith.constant 0 : i32
    %dma_start3A_599 = arith.constant 0 : i32
    %dma_start3A_600 = tpu.memref_slice %arg2[%dma_start3A_598, %dma_start3A_599] : memref<100000x768xf32, #tpu.memory_space<hbm>> -> memref<100000x768xf32, #tpu.memory_space<hbm>>
    tpu.enqueue_indirect_dma source(%dma_start3A_600 : memref<100000x768xf32, #tpu.memory_space<hbm>>) target(%arg8 : memref<32x768xf32, #tpu.memory_space<vmem>>) offsets(%dma_start3A_597 : memref<32xi32, #tpu.memory_space<vmem>>) semaphore(%arg13 : memref<!tpu.dma_semaphore, #tpu.memory_space<semaphore_mem>>)
    %dma_wait3A_601 = arith.constant 24 : i32
    %dma_wait3A_602 = arith.constant 0 : i32
    %dma_wait3A_603 = tpu.memref_slice %arg5[%dma_wait3A_601, %dma_wait3A_602] : memref<32x32xi32, #tpu.memory_space<vmem>> -> memref<1x32xi32, #tpu.memory_space<vmem>>
    %dma_wait3A_604 = tpu.memref_squeeze %dma_wait3A_603 : memref<1x32xi32, #tpu.memory_space<vmem>> -> memref<32xi32, #tpu.memory_space<vmem>>
    %dma_wait3A_605 = arith.constant 0 : i32
    %dma_wait3A_606 = arith.constant 0 : i32
    %dma_wait3A_607 = tpu.memref_slice %arg2[%dma_wait3A_605, %dma_wait3A_606] : memref<100000x768xf32, #tpu.memory_space<hbm>> -> memref<100000x768xf32, #tpu.memory_space<hbm>>
    tpu.wait_indirect_dma semaphore(%arg15 : memref<!tpu.dma_semaphore, #tpu.memory_space<semaphore_mem>>) src(%dma_wait3A_607 : memref<100000x768xf32, #tpu.memory_space<hbm>>) dst(%arg10 : memref<32x768xf32, #tpu.memory_space<vmem>>)
    %add3A_608 = arith.constant 768 : i32
    %add3A_609 = arith.addi %mul3A_2, %add3A_608 : i32
    %dma_start3A_610 = arith.constant 0 : i32
    %dma_start3A_611 = tpu.memref_slice %arg4[%add3A_609, %dma_start3A_610] : memref<32768x768xf32, #tpu.memory_space<hbm>> -> memref<32x768xf32, #tpu.memory_space<hbm>>
    %dma_start3A_612 = arith.constant 0 : i32
    %dma_start3A_613 = tpu.memref_slice %arg4[%add3A_609, %dma_start3A_612] : memref<32768x768xf32, #tpu.memory_space<hbm>> -> memref<32x768xf32, #tpu.memory_space<hbm>>
    tpu.enqueue_dma source(%arg10 : memref<32x768xf32, #tpu.memory_space<vmem>>) target(%dma_start3A_613 : memref<32x768xf32, #tpu.memory_space<hbm>>) target_semaphore(%arg20 : memref<!tpu.dma_semaphore, #tpu.memory_space<semaphore_mem>>)
    %dma_wait3A_614 = arith.constant 0 : i32
    %dma_wait3A_615 = tpu.memref_slice %arg4[%add3A_585, %dma_wait3A_614] : memref<32768x768xf32, #tpu.memory_space<hbm>> -> memref<32x768xf32, #tpu.memory_space<hbm>>
    %dma_wait3A_616 = arith.constant 0 : i32
    %dma_wait3A_617 = tpu.memref_slice %arg4[%add3A_585, %dma_wait3A_616] : memref<32768x768xf32, #tpu.memory_space<hbm>> -> memref<32x768xf32, #tpu.memory_space<hbm>>
    tpu.wait_dma2 semaphore(%arg19 : memref<!tpu.dma_semaphore, #tpu.memory_space<semaphore_mem>>) src(%arg9 : memref<32x768xf32, #tpu.memory_space<vmem>>) dst(%dma_wait3A_617 : memref<32x768xf32, #tpu.memory_space<hbm>>)
    %dma_start3A_618 = arith.constant 28 : i32
    %dma_start3A_619 = arith.constant 0 : i32
    %dma_start3A_620 = tpu.memref_slice %arg5[%dma_start3A_618, %dma_start3A_619] : memref<32x32xi32, #tpu.memory_space<vmem>> -> memref<1x32xi32, #tpu.memory_space<vmem>>
    %dma_start3A_621 = tpu.memref_squeeze %dma_start3A_620 : memref<1x32xi32, #tpu.memory_space<vmem>> -> memref<32xi32, #tpu.memory_space<vmem>>
    %dma_start3A_622 = arith.constant 0 : i32
    %dma_start3A_623 = arith.constant 0 : i32
    %dma_start3A_624 = tpu.memref_slice %arg2[%dma_start3A_622, %dma_start3A_623] : memref<100000x768xf32, #tpu.memory_space<hbm>> -> memref<100000x768xf32, #tpu.memory_space<hbm>>
    tpu.enqueue_indirect_dma source(%dma_start3A_624 : memref<100000x768xf32, #tpu.memory_space<hbm>>) target(%arg9 : memref<32x768xf32, #tpu.memory_space<vmem>>) offsets(%dma_start3A_621 : memref<32xi32, #tpu.memory_space<vmem>>) semaphore(%arg14 : memref<!tpu.dma_semaphore, #tpu.memory_space<semaphore_mem>>)
    %dma_wait3A_625 = arith.constant 25 : i32
    %dma_wait3A_626 = arith.constant 0 : i32
    %dma_wait3A_627 = tpu.memref_slice %arg5[%dma_wait3A_625, %dma_wait3A_626] : memref<32x32xi32, #tpu.memory_space<vmem>> -> memref<1x32xi32, #tpu.memory_space<vmem>>
    %dma_wait3A_628 = tpu.memref_squeeze %dma_wait3A_627 : memref<1x32xi32, #tpu.memory_space<vmem>> -> memref<32xi32, #tpu.memory_space<vmem>>
    %dma_wait3A_629 = arith.constant 0 : i32
    %dma_wait3A_630 = arith.constant 0 : i32
    %dma_wait3A_631 = tpu.memref_slice %arg2[%dma_wait3A_629, %dma_wait3A_630] : memref<100000x768xf32, #tpu.memory_space<hbm>> -> memref<100000x768xf32, #tpu.memory_space<hbm>>
    tpu.wait_indirect_dma semaphore(%arg11 : memref<!tpu.dma_semaphore, #tpu.memory_space<semaphore_mem>>) src(%dma_wait3A_631 : memref<100000x768xf32, #tpu.memory_space<hbm>>) dst(%arg6 : memref<32x768xf32, #tpu.memory_space<vmem>>)
    %add3A_632 = arith.constant 800 : i32
    %add3A_633 = arith.addi %mul3A_2, %add3A_632 : i32
    %dma_start3A_634 = arith.constant 0 : i32
    %dma_start3A_635 = tpu.memref_slice %arg4[%add3A_633, %dma_start3A_634] : memref<32768x768xf32, #tpu.memory_space<hbm>> -> memref<32x768xf32, #tpu.memory_space<hbm>>
    %dma_start3A_636 = arith.constant 0 : i32
    %dma_start3A_637 = tpu.memref_slice %arg4[%add3A_633, %dma_start3A_636] : memref<32768x768xf32, #tpu.memory_space<hbm>> -> memref<32x768xf32, #tpu.memory_space<hbm>>
    tpu.enqueue_dma source(%arg6 : memref<32x768xf32, #tpu.memory_space<vmem>>) target(%dma_start3A_637 : memref<32x768xf32, #tpu.memory_space<hbm>>) target_semaphore(%arg16 : memref<!tpu.dma_semaphore, #tpu.memory_space<semaphore_mem>>)
    %dma_wait3A_638 = arith.constant 0 : i32
    %dma_wait3A_639 = tpu.memref_slice %arg4[%add3A_609, %dma_wait3A_638] : memref<32768x768xf32, #tpu.memory_space<hbm>> -> memref<32x768xf32, #tpu.memory_space<hbm>>
    %dma_wait3A_640 = arith.constant 0 : i32
    %dma_wait3A_641 = tpu.memref_slice %arg4[%add3A_609, %dma_wait3A_640] : memref<32768x768xf32, #tpu.memory_space<hbm>> -> memref<32x768xf32, #tpu.memory_space<hbm>>
    tpu.wait_dma2 semaphore(%arg20 : memref<!tpu.dma_semaphore, #tpu.memory_space<semaphore_mem>>) src(%arg10 : memref<32x768xf32, #tpu.memory_space<vmem>>) dst(%dma_wait3A_641 : memref<32x768xf32, #tpu.memory_space<hbm>>)
    %dma_start3A_642 = arith.constant 29 : i32
    %dma_start3A_643 = arith.constant 0 : i32
    %dma_start3A_644 = tpu.memref_slice %arg5[%dma_start3A_642, %dma_start3A_643] : memref<32x32xi32, #tpu.memory_space<vmem>> -> memref<1x32xi32, #tpu.memory_space<vmem>>
    %dma_start3A_645 = tpu.memref_squeeze %dma_start3A_644 : memref<1x32xi32, #tpu.memory_space<vmem>> -> memref<32xi32, #tpu.memory_space<vmem>>
    %dma_start3A_646 = arith.constant 0 : i32
    %dma_start3A_647 = arith.constant 0 : i32
    %dma_start3A_648 = tpu.memref_slice %arg2[%dma_start3A_646, %dma_start3A_647] : memref<100000x768xf32, #tpu.memory_space<hbm>> -> memref<100000x768xf32, #tpu.memory_space<hbm>>
    tpu.enqueue_indirect_dma source(%dma_start3A_648 : memref<100000x768xf32, #tpu.memory_space<hbm>>) target(%arg10 : memref<32x768xf32, #tpu.memory_space<vmem>>) offsets(%dma_start3A_645 : memref<32xi32, #tpu.memory_space<vmem>>) semaphore(%arg15 : memref<!tpu.dma_semaphore, #tpu.memory_space<semaphore_mem>>)
    %dma_wait3A_649 = arith.constant 26 : i32
    %dma_wait3A_650 = arith.constant 0 : i32
    %dma_wait3A_651 = tpu.memref_slice %arg5[%dma_wait3A_649, %dma_wait3A_650] : memref<32x32xi32, #tpu.memory_space<vmem>> -> memref<1x32xi32, #tpu.memory_space<vmem>>
    %dma_wait3A_652 = tpu.memref_squeeze %dma_wait3A_651 : memref<1x32xi32, #tpu.memory_space<vmem>> -> memref<32xi32, #tpu.memory_space<vmem>>
    %dma_wait3A_653 = arith.constant 0 : i32
    %dma_wait3A_654 = arith.constant 0 : i32
    %dma_wait3A_655 = tpu.memref_slice %arg2[%dma_wait3A_653, %dma_wait3A_654] : memref<100000x768xf32, #tpu.memory_space<hbm>> -> memref<100000x768xf32, #tpu.memory_space<hbm>>
    tpu.wait_indirect_dma semaphore(%arg12 : memref<!tpu.dma_semaphore, #tpu.memory_space<semaphore_mem>>) src(%dma_wait3A_655 : memref<100000x768xf32, #tpu.memory_space<hbm>>) dst(%arg7 : memref<32x768xf32, #tpu.memory_space<vmem>>)
    %add3A_656 = arith.constant 832 : i32
    %add3A_657 = arith.addi %mul3A_2, %add3A_656 : i32
    %dma_start3A_658 = arith.constant 0 : i32
    %dma_start3A_659 = tpu.memref_slice %arg4[%add3A_657, %dma_start3A_658] : memref<32768x768xf32, #tpu.memory_space<hbm>> -> memref<32x768xf32, #tpu.memory_space<hbm>>
    %dma_start3A_660 = arith.constant 0 : i32
    %dma_start3A_661 = tpu.memref_slice %arg4[%add3A_657, %dma_start3A_660] : memref<32768x768xf32, #tpu.memory_space<hbm>> -> memref<32x768xf32, #tpu.memory_space<hbm>>
    tpu.enqueue_dma source(%arg7 : memref<32x768xf32, #tpu.memory_space<vmem>>) target(%dma_start3A_661 : memref<32x768xf32, #tpu.memory_space<hbm>>) target_semaphore(%arg17 : memref<!tpu.dma_semaphore, #tpu.memory_space<semaphore_mem>>)
    %dma_wait3A_662 = arith.constant 0 : i32
    %dma_wait3A_663 = tpu.memref_slice %arg4[%add3A_633, %dma_wait3A_662] : memref<32768x768xf32, #tpu.memory_space<hbm>> -> memref<32x768xf32, #tpu.memory_space<hbm>>
    %dma_wait3A_664 = arith.constant 0 : i32
    %dma_wait3A_665 = tpu.memref_slice %arg4[%add3A_633, %dma_wait3A_664] : memref<32768x768xf32, #tpu.memory_space<hbm>> -> memref<32x768xf32, #tpu.memory_space<hbm>>
    tpu.wait_dma2 semaphore(%arg16 : memref<!tpu.dma_semaphore, #tpu.memory_space<semaphore_mem>>) src(%arg6 : memref<32x768xf32, #tpu.memory_space<vmem>>) dst(%dma_wait3A_665 : memref<32x768xf32, #tpu.memory_space<hbm>>)
    %dma_start3A_666 = arith.constant 30 : i32
    %dma_start3A_667 = arith.constant 0 : i32
    %dma_start3A_668 = tpu.memref_slice %arg5[%dma_start3A_666, %dma_start3A_667] : memref<32x32xi32, #tpu.memory_space<vmem>> -> memref<1x32xi32, #tpu.memory_space<vmem>>
    %dma_start3A_669 = tpu.memref_squeeze %dma_start3A_668 : memref<1x32xi32, #tpu.memory_space<vmem>> -> memref<32xi32, #tpu.memory_space<vmem>>
    %dma_start3A_670 = arith.constant 0 : i32
    %dma_start3A_671 = arith.constant 0 : i32
    %dma_start3A_672 = tpu.memref_slice %arg2[%dma_start3A_670, %dma_start3A_671] : memref<100000x768xf32, #tpu.memory_space<hbm>> -> memref<100000x768xf32, #tpu.memory_space<hbm>>
    tpu.enqueue_indirect_dma source(%dma_start3A_672 : memref<100000x768xf32, #tpu.memory_space<hbm>>) target(%arg6 : memref<32x768xf32, #tpu.memory_space<vmem>>) offsets(%dma_start3A_669 : memref<32xi32, #tpu.memory_space<vmem>>) semaphore(%arg11 : memref<!tpu.dma_semaphore, #tpu.memory_space<semaphore_mem>>)
    %dma_wait3A_673 = arith.constant 27 : i32
    %dma_wait3A_674 = arith.constant 0 : i32
    %dma_wait3A_675 = tpu.memref_slice %arg5[%dma_wait3A_673, %dma_wait3A_674] : memref<32x32xi32, #tpu.memory_space<vmem>> -> memref<1x32xi32, #tpu.memory_space<vmem>>
    %dma_wait3A_676 = tpu.memref_squeeze %dma_wait3A_675 : memref<1x32xi32, #tpu.memory_space<vmem>> -> memref<32xi32, #tpu.memory_space<vmem>>
    %dma_wait3A_677 = arith.constant 0 : i32
    %dma_wait3A_678 = arith.constant 0 : i32
    %dma_wait3A_679 = tpu.memref_slice %arg2[%dma_wait3A_677, %dma_wait3A_678] : memref<100000x768xf32, #tpu.memory_space<hbm>> -> memref<100000x768xf32, #tpu.memory_space<hbm>>
    tpu.wait_indirect_dma semaphore(%arg13 : memref<!tpu.dma_semaphore, #tpu.memory_space<semaphore_mem>>) src(%dma_wait3A_679 : memref<100000x768xf32, #tpu.memory_space<hbm>>) dst(%arg8 : memref<32x768xf32, #tpu.memory_space<vmem>>)
    %add3A_680 = arith.constant 864 : i32
    %add3A_681 = arith.addi %mul3A_2, %add3A_680 : i32
    %dma_start3A_682 = arith.constant 0 : i32
    %dma_start3A_683 = tpu.memref_slice %arg4[%add3A_681, %dma_start3A_682] : memref<32768x768xf32, #tpu.memory_space<hbm>> -> memref<32x768xf32, #tpu.memory_space<hbm>>
    %dma_start3A_684 = arith.constant 0 : i32
    %dma_start3A_685 = tpu.memref_slice %arg4[%add3A_681, %dma_start3A_684] : memref<32768x768xf32, #tpu.memory_space<hbm>> -> memref<32x768xf32, #tpu.memory_space<hbm>>
    tpu.enqueue_dma source(%arg8 : memref<32x768xf32, #tpu.memory_space<vmem>>) target(%dma_start3A_685 : memref<32x768xf32, #tpu.memory_space<hbm>>) target_semaphore(%arg18 : memref<!tpu.dma_semaphore, #tpu.memory_space<semaphore_mem>>)
    %dma_wait3A_686 = arith.constant 0 : i32
    %dma_wait3A_687 = tpu.memref_slice %arg4[%add3A_657, %dma_wait3A_686] : memref<32768x768xf32, #tpu.memory_space<hbm>> -> memref<32x768xf32, #tpu.memory_space<hbm>>
    %dma_wait3A_688 = arith.constant 0 : i32
    %dma_wait3A_689 = tpu.memref_slice %arg4[%add3A_657, %dma_wait3A_688] : memref<32768x768xf32, #tpu.memory_space<hbm>> -> memref<32x768xf32, #tpu.memory_space<hbm>>
    tpu.wait_dma2 semaphore(%arg17 : memref<!tpu.dma_semaphore, #tpu.memory_space<semaphore_mem>>) src(%arg7 : memref<32x768xf32, #tpu.memory_space<vmem>>) dst(%dma_wait3A_689 : memref<32x768xf32, #tpu.memory_space<hbm>>)
    %dma_start3A_690 = arith.constant 31 : i32
    %dma_start3A_691 = arith.constant 0 : i32
    %dma_start3A_692 = tpu.memref_slice %arg5[%dma_start3A_690, %dma_start3A_691] : memref<32x32xi32, #tpu.memory_space<vmem>> -> memref<1x32xi32, #tpu.memory_space<vmem>>
    %dma_start3A_693 = tpu.memref_squeeze %dma_start3A_692 : memref<1x32xi32, #tpu.memory_space<vmem>> -> memref<32xi32, #tpu.memory_space<vmem>>
    %dma_start3A_694 = arith.constant 0 : i32
    %dma_start3A_695 = arith.constant 0 : i32
    %dma_start3A_696 = tpu.memref_slice %arg2[%dma_start3A_694, %dma_start3A_695] : memref<100000x768xf32, #tpu.memory_space<hbm>> -> memref<100000x768xf32, #tpu.memory_space<hbm>>
    tpu.enqueue_indirect_dma source(%dma_start3A_696 : memref<100000x768xf32, #tpu.memory_space<hbm>>) target(%arg7 : memref<32x768xf32, #tpu.memory_space<vmem>>) offsets(%dma_start3A_693 : memref<32xi32, #tpu.memory_space<vmem>>) semaphore(%arg12 : memref<!tpu.dma_semaphore, #tpu.memory_space<semaphore_mem>>)
    %dma_wait3A_697 = arith.constant 28 : i32
    %dma_wait3A_698 = arith.constant 0 : i32
    %dma_wait3A_699 = tpu.memref_slice %arg5[%dma_wait3A_697, %dma_wait3A_698] : memref<32x32xi32, #tpu.memory_space<vmem>> -> memref<1x32xi32, #tpu.memory_space<vmem>>
    %dma_wait3A_700 = tpu.memref_squeeze %dma_wait3A_699 : memref<1x32xi32, #tpu.memory_space<vmem>> -> memref<32xi32, #tpu.memory_space<vmem>>
    %dma_wait3A_701 = arith.constant 0 : i32
    %dma_wait3A_702 = arith.constant 0 : i32
    %dma_wait3A_703 = tpu.memref_slice %arg2[%dma_wait3A_701, %dma_wait3A_702] : memref<100000x768xf32, #tpu.memory_space<hbm>> -> memref<100000x768xf32, #tpu.memory_space<hbm>>
    tpu.wait_indirect_dma semaphore(%arg14 : memref<!tpu.dma_semaphore, #tpu.memory_space<semaphore_mem>>) src(%dma_wait3A_703 : memref<100000x768xf32, #tpu.memory_space<hbm>>) dst(%arg9 : memref<32x768xf32, #tpu.memory_space<vmem>>)
    %add3A_704 = arith.constant 896 : i32
    %add3A_705 = arith.addi %mul3A_2, %add3A_704 : i32
    %dma_start3A_706 = arith.constant 0 : i32
    %dma_start3A_707 = tpu.memref_slice %arg4[%add3A_705, %dma_start3A_706] : memref<32768x768xf32, #tpu.memory_space<hbm>> -> memref<32x768xf32, #tpu.memory_space<hbm>>
    %dma_start3A_708 = arith.constant 0 : i32
    %dma_start3A_709 = tpu.memref_slice %arg4[%add3A_705, %dma_start3A_708] : memref<32768x768xf32, #tpu.memory_space<hbm>> -> memref<32x768xf32, #tpu.memory_space<hbm>>
    tpu.enqueue_dma source(%arg9 : memref<32x768xf32, #tpu.memory_space<vmem>>) target(%dma_start3A_709 : memref<32x768xf32, #tpu.memory_space<hbm>>) target_semaphore(%arg19 : memref<!tpu.dma_semaphore, #tpu.memory_space<semaphore_mem>>)
    %dma_wait3A_710 = arith.constant 29 : i32
    %dma_wait3A_711 = arith.constant 0 : i32
    %dma_wait3A_712 = tpu.memref_slice %arg5[%dma_wait3A_710, %dma_wait3A_711] : memref<32x32xi32, #tpu.memory_space<vmem>> -> memref<1x32xi32, #tpu.memory_space<vmem>>
    %dma_wait3A_713 = tpu.memref_squeeze %dma_wait3A_712 : memref<1x32xi32, #tpu.memory_space<vmem>> -> memref<32xi32, #tpu.memory_space<vmem>>
    %dma_wait3A_714 = arith.constant 0 : i32
    %dma_wait3A_715 = arith.constant 0 : i32
    %dma_wait3A_716 = tpu.memref_slice %arg2[%dma_wait3A_714, %dma_wait3A_715] : memref<100000x768xf32, #tpu.memory_space<hbm>> -> memref<100000x768xf32, #tpu.memory_space<hbm>>
    tpu.wait_indirect_dma semaphore(%arg15 : memref<!tpu.dma_semaphore, #tpu.memory_space<semaphore_mem>>) src(%dma_wait3A_716 : memref<100000x768xf32, #tpu.memory_space<hbm>>) dst(%arg10 : memref<32x768xf32, #tpu.memory_space<vmem>>)
    %add3A_717 = arith.constant 928 : i32
    %add3A_718 = arith.addi %mul3A_2, %add3A_717 : i32
    %dma_start3A_719 = arith.constant 0 : i32
    %dma_start3A_720 = tpu.memref_slice %arg4[%add3A_718, %dma_start3A_719] : memref<32768x768xf32, #tpu.memory_space<hbm>> -> memref<32x768xf32, #tpu.memory_space<hbm>>
    %dma_start3A_721 = arith.constant 0 : i32
    %dma_start3A_722 = tpu.memref_slice %arg4[%add3A_718, %dma_start3A_721] : memref<32768x768xf32, #tpu.memory_space<hbm>> -> memref<32x768xf32, #tpu.memory_space<hbm>>
    tpu.enqueue_dma source(%arg10 : memref<32x768xf32, #tpu.memory_space<vmem>>) target(%dma_start3A_722 : memref<32x768xf32, #tpu.memory_space<hbm>>) target_semaphore(%arg20 : memref<!tpu.dma_semaphore, #tpu.memory_space<semaphore_mem>>)
    %dma_wait3A_723 = arith.constant 30 : i32
    %dma_wait3A_724 = arith.constant 0 : i32
    %dma_wait3A_725 = tpu.memref_slice %arg5[%dma_wait3A_723, %dma_wait3A_724] : memref<32x32xi32, #tpu.memory_space<vmem>> -> memref<1x32xi32, #tpu.memory_space<vmem>>
    %dma_wait3A_726 = tpu.memref_squeeze %dma_wait3A_725 : memref<1x32xi32, #tpu.memory_space<vmem>> -> memref<32xi32, #tpu.memory_space<vmem>>
    %dma_wait3A_727 = arith.constant 0 : i32
    %dma_wait3A_728 = arith.constant 0 : i32
    %dma_wait3A_729 = tpu.memref_slice %arg2[%dma_wait3A_727, %dma_wait3A_728] : memref<100000x768xf32, #tpu.memory_space<hbm>> -> memref<100000x768xf32, #tpu.memory_space<hbm>>
    tpu.wait_indirect_dma semaphore(%arg11 : memref<!tpu.dma_semaphore, #tpu.memory_space<semaphore_mem>>) src(%dma_wait3A_729 : memref<100000x768xf32, #tpu.memory_space<hbm>>) dst(%arg6 : memref<32x768xf32, #tpu.memory_space<vmem>>)
    %add3A_730 = arith.constant 960 : i32
    %add3A_731 = arith.addi %mul3A_2, %add3A_730 : i32
    %dma_start3A_732 = arith.constant 0 : i32
    %dma_start3A_733 = tpu.memref_slice %arg4[%add3A_731, %dma_start3A_732] : memref<32768x768xf32, #tpu.memory_space<hbm>> -> memref<32x768xf32, #tpu.memory_space<hbm>>
    %dma_start3A_734 = arith.constant 0 : i32
    %dma_start3A_735 = tpu.memref_slice %arg4[%add3A_731, %dma_start3A_734] : memref<32768x768xf32, #tpu.memory_space<hbm>> -> memref<32x768xf32, #tpu.memory_space<hbm>>
    tpu.enqueue_dma source(%arg6 : memref<32x768xf32, #tpu.memory_space<vmem>>) target(%dma_start3A_735 : memref<32x768xf32, #tpu.memory_space<hbm>>) target_semaphore(%arg16 : memref<!tpu.dma_semaphore, #tpu.memory_space<semaphore_mem>>)
    %dma_wait3A_736 = arith.constant 31 : i32
    %dma_wait3A_737 = arith.constant 0 : i32
    %dma_wait3A_738 = tpu.memref_slice %arg5[%dma_wait3A_736, %dma_wait3A_737] : memref<32x32xi32, #tpu.memory_space<vmem>> -> memref<1x32xi32, #tpu.memory_space<vmem>>
    %dma_wait3A_739 = tpu.memref_squeeze %dma_wait3A_738 : memref<1x32xi32, #tpu.memory_space<vmem>> -> memref<32xi32, #tpu.memory_space<vmem>>
    %dma_wait3A_740 = arith.constant 0 : i32
    %dma_wait3A_741 = arith.constant 0 : i32
    %dma_wait3A_742 = tpu.memref_slice %arg2[%dma_wait3A_740, %dma_wait3A_741] : memref<100000x768xf32, #tpu.memory_space<hbm>> -> memref<100000x768xf32, #tpu.memory_space<hbm>>
    tpu.wait_indirect_dma semaphore(%arg12 : memref<!tpu.dma_semaphore, #tpu.memory_space<semaphore_mem>>) src(%dma_wait3A_742 : memref<100000x768xf32, #tpu.memory_space<hbm>>) dst(%arg7 : memref<32x768xf32, #tpu.memory_space<vmem>>)
    %add3A_743 = arith.constant 992 : i32
    %add3A_744 = arith.addi %mul3A_2, %add3A_743 : i32
    %dma_start3A_745 = arith.constant 0 : i32
    %dma_start3A_746 = tpu.memref_slice %arg4[%add3A_744, %dma_start3A_745] : memref<32768x768xf32, #tpu.memory_space<hbm>> -> memref<32x768xf32, #tpu.memory_space<hbm>>
    %dma_start3A_747 = arith.constant 0 : i32
    %dma_start3A_748 = tpu.memref_slice %arg4[%add3A_744, %dma_start3A_747] : memref<32768x768xf32, #tpu.memory_space<hbm>> -> memref<32x768xf32, #tpu.memory_space<hbm>>
    tpu.enqueue_dma source(%arg7 : memref<32x768xf32, #tpu.memory_space<vmem>>) target(%dma_start3A_748 : memref<32x768xf32, #tpu.memory_space<hbm>>) target_semaphore(%arg17 : memref<!tpu.dma_semaphore, #tpu.memory_space<semaphore_mem>>)
    %dma_wait3A_749 = arith.constant 0 : i32
    %dma_wait3A_750 = tpu.memref_slice %arg4[%add3A_681, %dma_wait3A_749] : memref<32768x768xf32, #tpu.memory_space<hbm>> -> memref<32x768xf32, #tpu.memory_space<hbm>>
    %dma_wait3A_751 = arith.constant 0 : i32
    %dma_wait3A_752 = tpu.memref_slice %arg4[%add3A_681, %dma_wait3A_751] : memref<32768x768xf32, #tpu.memory_space<hbm>> -> memref<32x768xf32, #tpu.memory_space<hbm>>
    tpu.wait_dma2 semaphore(%arg18 : memref<!tpu.dma_semaphore, #tpu.memory_space<semaphore_mem>>) src(%arg8 : memref<32x768xf32, #tpu.memory_space<vmem>>) dst(%dma_wait3A_752 : memref<32x768xf32, #tpu.memory_space<hbm>>)
    %dma_wait3A_753 = arith.constant 0 : i32
    %dma_wait3A_754 = tpu.memref_slice %arg4[%add3A_705, %dma_wait3A_753] : memref<32768x768xf32, #tpu.memory_space<hbm>> -> memref<32x768xf32, #tpu.memory_space<hbm>>
    %dma_wait3A_755 = arith.constant 0 : i32
    %dma_wait3A_756 = tpu.memref_slice %arg4[%add3A_705, %dma_wait3A_755] : memref<32768x768xf32, #tpu.memory_space<hbm>> -> memref<32x768xf32, #tpu.memory_space<hbm>>
    tpu.wait_dma2 semaphore(%arg19 : memref<!tpu.dma_semaphore, #tpu.memory_space<semaphore_mem>>) src(%arg9 : memref<32x768xf32, #tpu.memory_space<vmem>>) dst(%dma_wait3A_756 : memref<32x768xf32, #tpu.memory_space<hbm>>)
    %dma_wait3A_757 = arith.constant 0 : i32
    %dma_wait3A_758 = tpu.memref_slice %arg4[%add3A_718, %dma_wait3A_757] : memref<32768x768xf32, #tpu.memory_space<hbm>> -> memref<32x768xf32, #tpu.memory_space<hbm>>
    %dma_wait3A_759 = arith.constant 0 : i32
    %dma_wait3A_760 = tpu.memref_slice %arg4[%add3A_718, %dma_wait3A_759] : memref<32768x768xf32, #tpu.memory_space<hbm>> -> memref<32x768xf32, #tpu.memory_space<hbm>>
    tpu.wait_dma2 semaphore(%arg20 : memref<!tpu.dma_semaphore, #tpu.memory_space<semaphore_mem>>) src(%arg10 : memref<32x768xf32, #tpu.memory_space<vmem>>) dst(%dma_wait3A_760 : memref<32x768xf32, #tpu.memory_space<hbm>>)
    %dma_wait3A_761 = arith.constant 0 : i32
    %dma_wait3A_762 = tpu.memref_slice %arg4[%add3A_731, %dma_wait3A_761] : memref<32768x768xf32, #tpu.memory_space<hbm>> -> memref<32x768xf32, #tpu.memory_space<hbm>>
    %dma_wait3A_763 = arith.constant 0 : i32
    %dma_wait3A_764 = tpu.memref_slice %arg4[%add3A_731, %dma_wait3A_763] : memref<32768x768xf32, #tpu.memory_space<hbm>> -> memref<32x768xf32, #tpu.memory_space<hbm>>
    tpu.wait_dma2 semaphore(%arg16 : memref<!tpu.dma_semaphore, #tpu.memory_space<semaphore_mem>>) src(%arg6 : memref<32x768xf32, #tpu.memory_space<vmem>>) dst(%dma_wait3A_764 : memref<32x768xf32, #tpu.memory_space<hbm>>)
    %dma_wait3A_765 = arith.constant 0 : i32
    %dma_wait3A_766 = tpu.memref_slice %arg4[%add3A_744, %dma_wait3A_765] : memref<32768x768xf32, #tpu.memory_space<hbm>> -> memref<32x768xf32, #tpu.memory_space<hbm>>
    %dma_wait3A_767 = arith.constant 0 : i32
    %dma_wait3A_768 = tpu.memref_slice %arg4[%add3A_744, %dma_wait3A_767] : memref<32768x768xf32, #tpu.memory_space<hbm>> -> memref<32x768xf32, #tpu.memory_space<hbm>>
    tpu.wait_dma2 semaphore(%arg17 : memref<!tpu.dma_semaphore, #tpu.memory_space<semaphore_mem>>) src(%arg7 : memref<32x768xf32, #tpu.memory_space<vmem>>) dst(%dma_wait3A_768 : memref<32x768xf32, #tpu.memory_space<hbm>>)
    return
  }
}

</mosaic_0001>

<sc_bundles>
// kernel: kernel.3.cloned.1.call-start
scs
__scs_entry_jumppad:
0x0: {  	(pc) =	sbr.rel $0x88, $3  }
0x1: {  	(tag) =	ssettag $0x0;
	lr =	simm.s32 $0x1  }
0x2: {  	[smem:$0x3F9F] =	sst lr;
	_ =	strace $0xD0000000  }
0x3: {  	_ = 	snop  }
0x4: {  	_ = 	snop  }
0x5: {  	_ = 	snop  }
0x6: {  	_ = 	snop  }
0x7: {  	_ = 	snop  }
__scs_overlays_trampoline_lowered:
0x8: {  	[smem:$0x3FAE] =	sst s0  }
0x9: {  	[smem:$0x3FAF] =	sst s1  }
0xa: {  	[smem:$0x3FB0] =	sst s2  }
0xb: {  	[smem:$0x3FB1] =	sst s3  }
0xc: {  	[smem:$0x3FB2] =	sst s4  }
0xd: {  	[smem:$0x3FB3] =	sst s5  }
0xe: {  	[smem:$0x3FB4] =	sst s6  }
0xf: {  	[smem:$0x3FB5] =	sst s7  }
0x10: {  	[smem:$0x3FB6] =	sst s8  }
0x11: {  	[smem:$0x3FB7] =	sst s9;
	s0 =	simm.s32 @!p0 $0x0  }
0x12: {  	s1 =	sld [smem:$0x3F9D];
	s0 =	simm.s32 @p0 $0x1  }
0x13: {  	[smem:$0x3FB8] =	sst s0;
	s0 =	simm.s32 @!p1 $0x0  }
0x14: {  	s2 =	sld [smem:$0x3F9C];
	s0 =	simm.s32 @p1 $0x1  }
0x15: {  	[smem:$0x3FB9] =	sst s0;
	s0 =	simm.s32 @!p2 $0x0  }
0x16: {  	s3 =	sld [smem:$0x3FDB];
	s0 =	simm.s32 @p2 $0x1  }
0x17: {  	s4 =	simm.s32 $0x1BF5;
	[smem:$0x3FBB] =	sst s0  }
0x18: {  	s0 =	sld [smem:$0x3F9E];
	_ =	swait.ge [sflag:s4], $0x0  }
0x19: {  	s7 =	sld [smem:$0x3F9F]  }
0x1a: {  	s8 =	sadd.s32 $0xFFFFE003, lr  }
0x1b: {  	s9 =	sadd.s32 $0xFFFFFEF7, lr;
	s5 =	simm.s32 $0xFFFFFFFF;
	p2 =	slt.u32 s8, $0xFFFFF086  }
0x1c: {  	p1 =	slt.u32 s9, $0xF7A;
	s5 =	simm.s32 @!p2 $0x0  }
0x1d: {  	s5 =	simm.s32 @p1 $0x1;
	p0 =	seq.s32 s7, s2  }
0x1e: {  	s7 =	smul.u32 @!p0 $0xF7A, s2;
	p2 =	seq.s32 @!p0 s5, $0x0  }
0x1f: {  	s9 =	smul.u32 $0xF7A, s1;
	s8 =	simm.s32 @!p0 $0x1BF5;
	p2 =	por !p2, p0  }
0x20: {  	[sflag:s8] =	ssyncset.s32 @!p0 $0xFFFFF086;
	s6 =	sadd.s32 @!p0 s3, s7;
	s7 =	simm.s32 @!p0 $0x108  }
0x21: {  	s3 =	sadd.s32 s3, s9;
	s6 =	sadd.s32 @!p0 $0x88, s6;
	s7 =	simm.s32 @p2 $0x1082  }
0x22: {  	[simem:s7], [sflag:s8] =	dma.local @!p0 [hbm:s6], $0xF7A  }
0x23: {  	s9 =	sor.u32 $0xD0000000, s2;
	s6 =	simm.s32 $0x108;
	_ =	swait.ge @!p0 [sflag:s8], $0x0  }
0x24: {  	s3 =	sadd.s32 $0x88, s3;
	s6 =	simm.s32 @!p1 $0x1082;
	[sflag:s4] =	ssyncset.s32 $0xFFFFF086  }
0x25: {  	[simem:s6], [sflag:s4] =	dma.local [hbm:s3], $0xF7A  }
0x26: {  	[smem:$0x3F9F] =	sst s1;
	(tag) =	ssettag s2;
	_ =	strace s9  }
0x27: {  	s1 =	sld [smem:$0x3FAF]  }
0x28: {  	s2 =	sld [smem:$0x3FB0]  }
0x29: {  	s4 =	sld [smem:$0x3FB2]  }
0x2a: {  	p0 =	seq.s32 s5, $0x0;
	s5 =	sld [smem:$0x3FB3]  }
0x2b: {  	s6 =	sld [smem:$0x3FB4]  }
0x2c: {  	s7 =	sld [smem:$0x3FB5]  }
0x2d: {  	s3 =	simm.s32 $0x108;
	s8 =	sld [smem:$0x3FB6]  }
0x2e: {  	s3 =	simm.s32 @!p0 $0x1082;
	s9 =	sld [smem:$0x3FB7]  }
0x2f: {  	lr =	sadd.s32 s0, s3;
	s0 =	sld [smem:$0x3FAE]  }
0x30: {  	s3 =	sld [smem:$0x3FB1]  }
0x31: {  	[smem:$0x3FBA] =	sst s10  }
0x32: {  	s10 =	sld [smem:$0x3FB8];
	_ =	sdelay $0x3  }
0x33: {  	p0 =	seq.s32 s10, $0x1;
	s10 =	sld [smem:$0x3FBA];
	_ =	sdelay $0x3  }
0x34: {  	[smem:$0x3FBA] =	sst s10  }
0x35: {  	s10 =	sld [smem:$0x3FB9];
	_ =	sdelay $0x3  }
0x36: {  	p1 =	seq.s32 s10, $0x1;
	s10 =	sld [smem:$0x3FBA];
	_ =	sdelay $0x3  }
0x37: {  	[smem:$0x3FBA] =	sst s10  }
0x38: {  	s10 =	sld [smem:$0x3FBB]  }
0x39: {  	_ = 	snop;
	(pc) =	sbr.ind lr, $3  }
0x3a: {  	_ = 	snop  }
0x3b: {  	_ = 	snop  }
0x3c: {  	p2 =	seq.s32 s10, $0x1;
	s10 =	sld [smem:$0x3FBA]  }
0x3d: {  	_ =	shalt  }
0x3e: {  	_ =	shalt  }
0x3f: {  	_ =	shalt  }
0x40: {  	_ =	shalt  }
0x41: {  	_ =	shalt  }
0x42: {  	_ =	shalt  }
0x43: {  	_ =	shalt  }
0x44: {  	_ =	shalt  }
0x45: {  	_ =	shalt  }
0x46: {  	_ =	shalt  }
0x47: {  	_ =	shalt  }
0x48: {  	_ =	shalt  }
0x49: {  	_ =	shalt  }
0x4a: {  	_ =	shalt  }
0x4b: {  	_ =	shalt  }
0x4c: {  	_ =	shalt  }
0x4d: {  	_ =	shalt  }
0x4e: {  	_ =	shalt  }
0x4f: {  	_ =	shalt  }
0x50: {  	_ =	shalt  }
0x51: {  	_ =	shalt  }
0x52: {  	_ =	shalt  }
0x53: {  	_ =	shalt  }
0x54: {  	_ =	shalt  }
0x55: {  	_ =	shalt  }
0x56: {  	_ =	shalt  }
0x57: {  	_ =	shalt  }
0x58: {  	_ =	shalt  }
0x59: {  	_ =	shalt  }
0x5a: {  	_ =	shalt  }
0x5b: {  	_ =	shalt  }
0x5c: {  	_ =	shalt  }
0x5d: {  	_ =	shalt  }
0x5e: {  	_ =	shalt  }
0x5f: {  	_ =	shalt  }
0x60: {  	_ =	shalt  }
0x61: {  	_ =	shalt  }
0x62: {  	_ =	shalt  }
0x63: {  	_ =	shalt  }
0x64: {  	_ =	shalt  }
0x65: {  	_ =	shalt  }
0x66: {  	_ =	shalt  }
0x67: {  	_ =	shalt  }
0x68: {  	_ =	shalt  }
0x69: {  	_ =	shalt  }
0x6a: {  	_ =	shalt  }
0x6b: {  	_ =	shalt  }
0x6c: {  	_ =	shalt  }
0x6d: {  	_ =	shalt  }
0x6e: {  	_ =	shalt  }
0x6f: {  	_ =	shalt  }
0x70: {  	_ =	shalt  }
0x71: {  	_ =	shalt  }
0x72: {  	_ =	shalt  }
0x73: {  	_ =	shalt  }
0x74: {  	_ =	shalt  }
0x75: {  	_ =	shalt  }
0x76: {  	_ =	shalt  }
0x77: {  	_ =	shalt  }
0x78: {  	_ =	shalt  }
0x79: {  	_ =	shalt  }
0x7a: {  	_ =	shalt  }
0x7b: {  	_ =	shalt  }
0x7c: {  	_ =	shalt  }
0x7d: {  	_ =	shalt  }
0x7e: {  	_ =	shalt  }
0x7f: {  	_ =	shalt  }
0x80: {  	_ =	shalt  }
0x81: {  	_ =	shalt  }
0x82: {  	_ =	shalt  }
0x83: {  	_ =	shalt  }
0x84: {  	_ =	shalt  }
0x85: {  	_ =	shalt  }
0x86: {  	_ =	shalt  }
0x87: {  	_ =	shalt  }
.Lfunc_end0:
.L_simem_size_0:
called_computation_lowered:
.L_overlay_start_0:
0x88: {  	s2 =	sld [smem:$0x3FD9]  }
0x89: {  	s3 =	sld [smem:$0x3FFE];
	_ =	sdelay $0x1  }
0x8a: {  	s1 =	srdreg.scid  }
0x8b: {  	s0 =	sand.u32 $0x1, s1  }
0x8c: {  	s17 =	sshll.u32 s0, $0xA;
	s2 =	sadd.s32 s3, s2  }
0x8d: {  	s2 =	sadd.s32 s2, s17  }
0x8e: {  	[smem:$0x3FC6] =	sst s2  }
0x8f: {  	_ = 	snop  }
0x90: {  	s2 =	sld [smem:$0x3FC8]  }
0x91: {  	s18 =	sld [smem:$0x3FD0];
	(tm) =	ssettm $0x1  }
0x92: {  	s4 =	sld [smem:$0x3FFB];
	_ =	sdelay $0x3  }
0x93: {  	_ =	strace s4  }
0x94: {  	s4 =	sld [smem:$0x3FFC];
	_ =	sdelay $0x3  }
0x95: {  	_ =	strace s4  }
0x96: {  	s4 =	sld [smem:$0x3FFD];
	_ =	sdelay $0x3  }
0x97: {  	_ =	strace s4  }
0x98: {  	_ =	strace $0x8FFFFFFF  }
0x99: {  	s19 =	sld [smem:$0x3FDB];
	_ =	sdelay $0x1  }
0x9a: {  	s5 =	simm.s32 $_scs_section_size  }
0x9b: {  	s6 =	simm.s32 $_size__tile_overlayer_lowered;
	s7 =	simm.s32 $_tile_overlayer_lowered  }
0x9c: {  	s22 =	simm.s32 $0x1BFF;
	s21 =	sshll.u32 s7, $0x1;
	s4 =	sadd.s32 s5, s19  }
0x9d: {  	s8 =	simm.s32 $0x0;
	s20 =	sshll.u32 s6, $0x1;
	s6 =	sadd.s32 s21, s4  }
0x9e: {  	[timem:s8], [sflag:s22] =	dma.local [hbm:s6], s20  }
0x9f: {  	_ =	swait.ge [sflag:s22], s20  }
0xa0: {  	s5 =	ssub.s32 $0x0, s20;
	[sflag:s22] =	ssyncset.done $0x0  }
0xa1: {  	[sflag:s22] =	ssyncadd.s32 s5;
	_ =	sdelay $0x1  }
0xa2: {  	s23 =	simm.s32 $0x1B8B  }
0xa3: {  	_ =	swait.ge [sflag:s23], $0x1  }
0xa4: {  	[sflag:s23] =	ssyncset.done $0x0  }
0xa5: {  	s25 =	simm.s32 $0x1B8E;
	s24 =	sld [smem:$0x3FFE];
	[sflag:s23] =	ssyncadd.s32 $0xFFFFFFFF  }
0xa6: {  	s26 =	simm.s32 $execute0_lowered;
	[smem:$0x3FD2] =	sst s25  }
0xa7: {  	s6 =	sshll.u32 s26, $0x1;
	_ =	strace $0x80000046;
	[dreg:$0x1] =	wrdreg $0xFFFFFFFF  }
0xa8: {  	s28 =	simm.s32 $_size_execute0_lowered;
	s4 =	sadd.s32 s4, s6;
	[dreg:$0x0] =	wrdreg $0x0  }
0xa9: {  	s6 =	sshll.u32 s28, $0x1;
	[dreg:$0x2] =	wrdreg s4  }
0xaa: {  	[dreg:$0x3] =	wrdreg s6  }
0xab: {  	[dreg:$0x4] =	wrdreg $0xC0  }
0xac: {  	_ =	task [dreg:s8], $0x5FFFF  }
0xad: {  	[dreg:$0x1] =	wrdreg $0xFFFFFFFF  }
0xae: {  	[dreg:$0x0] =	wrdreg $0x60  }
0xaf: {  	[dreg:$0x2] =	wrdreg s2  }
0xb0: {  	[dreg:$0x3] =	wrdreg s24  }
0xb1: {  	[dreg:$0x4] =	wrdreg s18  }
0xb2: {  	[dreg:$0x5] =	wrdreg $0x9  }
0xb3: {  	_ =	task.clear_ibuf [dreg:s8], $0x6FFFF;
	_ =	strace $0x90000046  }
0xb4: {  	s29 =	simm.s32 $0x9;
	_ =	strace $0x80000048  }
0xb5: {  	_ =	swait.ge [sflag:s29], $0x1  }
0xb6: {  	[sflag:s29] =	ssyncadd.s32 $0xFFFFFFFF  }
0xb7: {  	_ =	strace $0x90000048  }
0xb8: {  	_ =	sfence  }
0xb9: {  	s30 =	sld [smem:$0x0];
	_ =	sdelay $0x2  }
0xba: {  	s31 =	sshll.u32 s1, $0xD;
	s1 =	sshrl.u32 s1, $0x2  }
0xbb: {  	s3 =	sand.u32 $0x4000, s31;
	s1 =	sadd.s32 s1, s30  }
0xbc: {  	s0 =	sor.u32 s3, s0;
	s1 =	sshll.u32 s1, $0x11  }
0xbd: {  	s0 =	sor.u32 s1, s0  }
0xbe: {  	s0 =	sadd.s32 $0x8F2B, s0  }
0xbf: {  	[sflag:s0] =	ssyncadd.remote.s32 $0x1  }
0xc0: {  	_ =	sfence.sel $0xFFFF  }
0xc1: {  	[dreg:$0x0] =	wrdreg $0xFFFFFFFF;
	(pc) =	sbr.abs _section_cstart, $3  }
0xc2: {  	[dreg:$0x1] =	wrdreg $0xFFFFFFFF  }
0xc3: {  	_ =	task.clear_ibuf [dreg:s8], $0x2FFFF;
	_ =	strace $0x9FFFFFFF  }
0xc4: {  	(tm) =	ssettm $0x7FFFFFFF  }
0xc5: {  	_ =	shalt  }
tec
execute0_lowered:
.L_overlay_start_1:
0x0: {  	(tag) =	ssettag $0x1  }
0x1: {  	s0 =	srdreg.scid;
	s3 =	stileid.u32  }
0x2: {  	s1 =	rddreg [dreg:$0x0];
	s0 =	sand.u32 $0x1, s0;
	s3 =	sshll.u32 s3, $0x1  }
0x3: {  	s2 =	rddreg [dreg:$0x1];
	s5 =	sor.u32 s0, s3  }
0x4: {  	s4 =	rddreg [dreg:$0x2];
	s6 =	sshll.u32 s5, $0x9  }
0x5: {  	s3 =	simm.s32 $0x0;
	s7 =	smul.u32 $0x18000, s5;
	s2 =	sadd.s32 s6, s2  }
0x6: {  	[smem:$0x7FF] =	sst s3;
	s2 =	sadd.s32 $0x400, s2  }
0x7: {  	_ =	strace $0x80000047;
	s22 =	sadd.s32 s4, s7;
	[dreg:$0x4] =	wrdreg s2  }
0x8: {  	s23 =	sadd.s32 $0xC00, s22;
	[smem:$0x7F9] =	sst s22  }
0x9: {  	s24 =	sadd.s32 $0x1800, s22;
	[dreg:$0x5] =	wrdreg s23  }
0xa: {  	s25 =	sadd.s32 $0x2400, s22;
	[dreg:$0x6] =	wrdreg s24  }
0xb: {  	s26 =	sadd.s32 $0x3000, s22;
	[dreg:$0x7] =	wrdreg s25  }
0xc: {  	s28 =	sadd.s32 $0x3C00, s22;
	[dreg:$0x8] =	wrdreg s26  }
0xd: {  	s29 =	sadd.s32 $0x4800, s22;
	[dreg:$0x9] =	wrdreg s28  }
0xe: {  	s5 =	smul.u32 $0xC0000, s5;
	s30 =	sadd.s32 $0x5400, s22;
	[dreg:$0xa] =	wrdreg s29  }
0xf: {  	s31 =	sadd.s32 $0x6000, s22;
	[dreg:$0xb] =	wrdreg s30  }
0x10: {  	s5 =	sshrl.u32 s5, $0x3;
	s7 =	sadd.s32 $0x6C00, s22;
	[dreg:$0xc] =	wrdreg s31  }
0x11: {  	s8 =	sadd.s32 $0x7800, s22;
	s4 =	sadd.s32 s4, s5;
	[dreg:$0xd] =	wrdreg s7  }
0x12: {  	[dreg:$0xe] =	wrdreg s8;
	s9 =	sadd.s32 $0x8400, s4  }
0x13: {  	s10 =	sadd.s32 $0x9000, s4;
	[dreg:$0xf] =	wrdreg s9  }
0x14: {  	s11 =	sadd.s32 $0x9C00, s4;
	[dreg:$0x10] =	wrdreg s10  }
0x15: {  	s12 =	sadd.s32 $0xA800, s4;
	[dreg:$0x11] =	wrdreg s11  }
0x16: {  	s13 =	sadd.s32 $0xB400, s4;
	[dreg:$0x12] =	wrdreg s12  }
0x17: {  	s14 =	sadd.s32 $0xC000, s4;
	[dreg:$0x13] =	wrdreg s13  }
0x18: {  	s15 =	sadd.s32 $0xCC00, s4;
	[dreg:$0x14] =	wrdreg s14  }
0x19: {  	s16 =	sadd.s32 $0xD800, s4;
	[dreg:$0x15] =	wrdreg s15  }
0x1a: {  	s17 =	sadd.s32 $0xE400, s4;
	[dreg:$0x16] =	wrdreg s16  }
0x1b: {  	s18 =	sadd.s32 $0xF000, s4;
	[dreg:$0x17] =	wrdreg s17  }
0x1c: {  	s19 =	sadd.s32 $0xFC00, s4;
	[dreg:$0x18] =	wrdreg s18  }
0x1d: {  	s20 =	sadd.s32 $0x10800, s4;
	[dreg:$0x19] =	wrdreg s19  }
0x1e: {  	s21 =	sadd.s32 $0x11400, s4;
	[dreg:$0x1a] =	wrdreg s20  }
0x1f: {  	s22 =	sadd.s32 $0x12000, s4;
	[dreg:$0x1b] =	wrdreg s21  }
0x20: {  	s23 =	sadd.s32 $0x12C00, s4;
	[dreg:$0x1c] =	wrdreg s22  }
0x21: {  	s24 =	sadd.s32 $0x13800, s4;
	[dreg:$0x1d] =	wrdreg s23  }
0x22: {  	s0 =	ssub.s32 $0x2, s0;
	s25 =	sadd.s32 $0x14400, s4;
	[dreg:$0x1e] =	wrdreg s24  }
0x23: {  	s6 =	sadd.s32 $0x200, s1;
	s26 =	sadd.s32 $0x15000, s4;
	[dreg:$0x1f] =	wrdreg s25  }
0x24: {  	s5 =	sadd.s32 $0x100, s1;
	s28 =	sadd.s32 $0x15C00, s4;
	[smem:$0x7FA] =	sst s26  }
0x25: {  	s29 =	sshrl.u32 s0, $0x1;
	s30 =	sadd.s32 $0x16800, s4;
	[smem:$0x7FB] =	sst s28  }
0x26: {  	s31 =	sadd.s32 $0x17400, s4;
	s0 =	ssub.s32 s0, s29;
	[smem:$0x7FC] =	sst s30  }
0x27: {  	[smem:$0x7FD] =	sst s31;
	s10 =	simm.s32 $0x1;
	s12 =	simm.s32 $0x2  }
0x28: {  	v2 =	vlaneseq.u32;
	s13 =	simm.s32 $0x6;
	s14 =	simm.s32 $0x3;
	s15 =	simm.s32 $0x7  }
0x29: {  	vm0 =	vmmov $0xffff;
	v1 =	vshrl.u32 v2, $0x3;
	s16 =	simm.s32 $0x4;
	s17 =	simm.s32 $0x8;
	s18 =	simm.s32 $0x5  }
0x2a: {  	v0 =	vand.u32 $0x7, v2;
	v2 =	vor.u32 $0x8, v2;
	v1 =	vmul.u32 $0x8, v1;
	s19 =	simm.s32 $0x9;
	s20 =	simm.s32 $0xA;
	s0 =	smax.u32 s0, $0x1  }
.LBB2_1:
0x2b: {  	[smem:$0x7F8] =	sst s0  }
0x2c: {  	s22 =	rddreg [dreg:$0x4];
	s28 =	simm.s32 $0xB  }
0x2d: {  	[tilespmem:s3], [sflag:$0xB] =	stream.linear.gather [hbm4b:s22+s3], $0x1000, $0x38;
	[tilespmem:$0x1F000] =	vst v63  }
0x2e: {  	_ =	swait.ge [sflag:s28], $0x1000  }
0x2f: {  	[sflag:s28] =	ssyncset.done $0x0  }
0x30: {  	[sflag:s28] =	ssyncadd.s32 $0xFFFFF000  }
0x31: {  	v3 =	vld [tilespmem:$0x0];
	_ =	sdelay $0x4  }
0x32: {  	v4 =	vshrl.u32 v3, $0x3  }
0x33: {  	v4 =	vmul.u32 $0x30, v4  }
0x34: {  	v3 =	vand.u32 $0x7, v3  }
0x35: {  	v3 =	vor.u32 v3, v4  }
0x36: {  	v4 =	vperm.xlane v3, v0;
	_ =	sdelay $0x1  }
0x37: {  	v4 =	vadd.s32 v1, v4;
	_ =	sdelay $0x3  }
0x38: {  	s29 =	simm.s32 $0x1000;
	v3 =	vperm.xlane v3, v2  }
0x39: {  	[tilespmem:s29], [sflag:$0x1] =	stream.indirect_vreg.gather [hbm4b:s1+s3], $0x80, v4, vm0, $0xb8;
	[tilespmem:$0x1F000] =	vst v63  }
0x3a: {  	s30 =	simm.s32 $0x1800;
	v3 =	vadd.s32 v1, v3  }
0x3b: {  	[tilespmem:s30], [sflag:$0x1] =	stream.indirect_vreg.gather [hbm4b:s5+s3], $0x80, v4, vm0, $0xb8;
	[tilespmem:$0x1F000] =	vst v63  }
0x3c: {  	s31 =	simm.s32 $0x2000  }
0x3d: {  	[tilespmem:s31], [sflag:$0x1] =	stream.indirect_vreg.gather [hbm4b:s6+s3], $0x80, v4, vm0, $0xb8;
	[tilespmem:$0x1F000] =	vst v63  }
0x3e: {  	s4 =	simm.s32 $0x2800  }
0x3f: {  	[tilespmem:s4], [sflag:$0x1] =	stream.indirect_vreg.gather [hbm4b:s1+s3], $0x80, v3, vm0, $0xb8;
	[tilespmem:$0x1F000] =	vst v63  }
0x40: {  	s7 =	simm.s32 $0x3000  }
0x41: {  	[tilespmem:s7], [sflag:$0x1] =	stream.indirect_vreg.gather [hbm4b:s5+s3], $0x80, v3, vm0, $0xb8;
	[tilespmem:$0x1F000] =	vst v63  }
0x42: {  	s8 =	simm.s32 $0x3800  }
0x43: {  	[tilespmem:s8], [sflag:$0x1] =	stream.indirect_vreg.gather [hbm4b:s6+s3], $0x80, v3, vm0, $0xb8;
	[tilespmem:$0x1F000] =	vst v63  }
0x44: {  	v3 =	vld [tilespmem:$0x10];
	_ =	sdelay $0x4  }
0x45: {  	v57 =	vshrl.u32 v3, $0x3  }
0x46: {  	v4 =	vmul.u32 $0x30, v57  }
0x47: {  	v3 =	vand.u32 $0x7, v3  }
0x48: {  	v3 =	vor.u32 v3, v4  }
0x49: {  	v4 =	vperm.xlane v3, v0;
	_ =	sdelay $0x1  }
0x4a: {  	v4 =	vadd.s32 v1, v4;
	_ =	sdelay $0x3  }
0x4b: {  	s9 =	simm.s32 $0x4000;
	v3 =	vperm.xlane v3, v2  }
0x4c: {  	[tilespmem:s9], [sflag:$0x1] =	stream.indirect_vreg.gather [hbm4b:s1+s3], $0x80, v4, vm0, $0xb8;
	[tilespmem:$0x1F000] =	vst v63  }
0x4d: {  	s11 =	simm.s32 $0x4800;
	v3 =	vadd.s32 v1, v3  }
0x4e: {  	[tilespmem:s11], [sflag:$0x1] =	stream.indirect_vreg.gather [hbm4b:s5+s3], $0x80, v4, vm0, $0xb8;
	[tilespmem:$0x1F000] =	vst v63  }
0x4f: {  	s21 =	simm.s32 $0x5000  }
0x50: {  	[tilespmem:s21], [sflag:$0x1] =	stream.indirect_vreg.gather [hbm4b:s6+s3], $0x80, v4, vm0, $0xb8;
	[tilespmem:$0x1F000] =	vst v63  }
0x51: {  	s22 =	simm.s32 $0x5800  }
0x52: {  	[tilespmem:s22], [sflag:$0x1] =	stream.indirect_vreg.gather [hbm4b:s1+s3], $0x80, v3, vm0, $0xb8;
	[tilespmem:$0x1F000] =	vst v63  }
0x53: {  	s23 =	simm.s32 $0x6000  }
0x54: {  	[tilespmem:s23], [sflag:$0x1] =	stream.indirect_vreg.gather [hbm4b:s5+s3], $0x80, v3, vm0, $0xb8;
	[tilespmem:$0x1F000] =	vst v63  }
0x55: {  	s24 =	simm.s32 $0x6800  }
0x56: {  	[tilespmem:s24], [sflag:$0x1] =	stream.indirect_vreg.gather [hbm4b:s6+s3], $0x80, v3, vm0, $0xb8;
	[tilespmem:$0x1F000] =	vst v63  }
0x57: {  	v3 =	vld [tilespmem:$0x80];
	_ =	sdelay $0x4  }
0x58: {  	v58 =	vshrl.u32 v3, $0x3  }
0x59: {  	v4 =	vmul.u32 $0x30, v58  }
0x5a: {  	v3 =	vand.u32 $0x7, v3  }
0x5b: {  	v3 =	vor.u32 v3, v4  }
0x5c: {  	v4 =	vperm.xlane v3, v0;
	_ =	sdelay $0x1  }
0x5d: {  	v4 =	vadd.s32 v1, v4;
	_ =	sdelay $0x3  }
0x5e: {  	s28 =	simm.s32 $0x7000;
	v3 =	vperm.xlane v3, v2  }
0x5f: {  	[tilespmem:s28], [sflag:$0x2] =	stream.indirect_vreg.gather [hbm4b:s1+s3], $0x80, v4, vm0, $0xb8;
	[tilespmem:$0x1F000] =	vst v63  }
0x60: {  	s29 =	simm.s32 $0x7800;
	v3 =	vadd.s32 v1, v3  }
0x61: {  	[tilespmem:s29], [sflag:$0x2] =	stream.indirect_vreg.gather [hbm4b:s5+s3], $0x80, v4, vm0, $0xb8;
	[tilespmem:$0x1F000] =	vst v63  }
0x62: {  	s30 =	simm.s32 $0x8000  }
0x63: {  	[tilespmem:s30], [sflag:$0x2] =	stream.indirect_vreg.gather [hbm4b:s6+s3], $0x80, v4, vm0, $0xb8;
	[tilespmem:$0x1F000] =	vst v63  }
0x64: {  	s31 =	simm.s32 $0x8800  }
0x65: {  	[tilespmem:s31], [sflag:$0x2] =	stream.indirect_vreg.gather [hbm4b:s1+s3], $0x80, v3, vm0, $0xb8;
	[tilespmem:$0x1F000] =	vst v63  }
0x66: {  	s4 =	simm.s32 $0x9000  }
0x67: {  	[tilespmem:s4], [sflag:$0x2] =	stream.indirect_vreg.gather [hbm4b:s5+s3], $0x80, v3, vm0, $0xb8;
	[tilespmem:$0x1F000] =	vst v63  }
0x68: {  	s7 =	simm.s32 $0x9800  }
0x69: {  	[tilespmem:s7], [sflag:$0x2] =	stream.indirect_vreg.gather [hbm4b:s6+s3], $0x80, v3, vm0, $0xb8;
	[tilespmem:$0x1F000] =	vst v63  }
0x6a: {  	v3 =	vld [tilespmem:$0x90];
	_ =	sdelay $0x4  }
0x6b: {  	v59 =	vshrl.u32 v3, $0x3  }
0x6c: {  	v4 =	vmul.u32 $0x30, v59  }
0x6d: {  	v3 =	vand.u32 $0x7, v3  }
0x6e: {  	v3 =	vor.u32 v3, v4  }
0x6f: {  	v4 =	vperm.xlane v3, v0;
	_ =	sdelay $0x1  }
0x70: {  	v4 =	vadd.s32 v1, v4;
	_ =	sdelay $0x3  }
0x71: {  	s8 =	simm.s32 $0xA000;
	v3 =	vperm.xlane v3, v2  }
0x72: {  	[tilespmem:s8], [sflag:$0x2] =	stream.indirect_vreg.gather [hbm4b:s1+s3], $0x80, v4, vm0, $0xb8;
	[tilespmem:$0x1F000] =	vst v63  }
0x73: {  	s9 =	simm.s32 $0xA800;
	v3 =	vadd.s32 v1, v3  }
0x74: {  	[tilespmem:s9], [sflag:$0x2] =	stream.indirect_vreg.gather [hbm4b:s5+s3], $0x80, v4, vm0, $0xb8;
	[tilespmem:$0x1F000] =	vst v63  }
0x75: {  	s11 =	simm.s32 $0xB000  }
0x76: {  	[tilespmem:s11], [sflag:$0x2] =	stream.indirect_vreg.gather [hbm4b:s6+s3], $0x80, v4, vm0, $0xb8;
	[tilespmem:$0x1F000] =	vst v63  }
0x77: {  	s22 =	simm.s32 $0xB800  }
0x78: {  	[tilespmem:s22], [sflag:$0x2] =	stream.indirect_vreg.gather [hbm4b:s1+s3], $0x80, v3, vm0, $0xb8;
	[tilespmem:$0x1F000] =	vst v63  }
0x79: {  	s23 =	simm.s32 $0xC000  }
0x7a: {  	[tilespmem:s23], [sflag:$0x2] =	stream.indirect_vreg.gather [hbm4b:s5+s3], $0x80, v3, vm0, $0xb8;
	[tilespmem:$0x1F000] =	vst v63  }
0x7b: {  	s24 =	simm.s32 $0xC800  }
0x7c: {  	[tilespmem:s24], [sflag:$0x2] =	stream.indirect_vreg.gather [hbm4b:s6+s3], $0x80, v3, vm0, $0xb8;
	[tilespmem:$0x1F000] =	vst v63  }
0x7d: {  	v3 =	vld [tilespmem:$0x100];
	_ =	sdelay $0x4  }
0x7e: {  	v60 =	vshrl.u32 v3, $0x3  }
0x7f: {  	v4 =	vmul.u32 $0x30, v60  }
0x80: {  	v3 =	vand.u32 $0x7, v3  }
0x81: {  	v3 =	vor.u32 v3, v4  }
0x82: {  	v4 =	vperm.xlane v3, v0;
	_ =	sdelay $0x1  }
0x83: {  	v4 =	vadd.s32 v1, v4;
	_ =	sdelay $0x3  }
0x84: {  	s28 =	simm.s32 $0xD000;
	v3 =	vperm.xlane v3, v2  }
0x85: {  	[tilespmem:s28], [sflag:$0x3] =	stream.indirect_vreg.gather [hbm4b:s1+s3], $0x80, v4, vm0, $0xb8;
	[tilespmem:$0x1F000] =	vst v63  }
0x86: {  	s29 =	simm.s32 $0xD800;
	v3 =	vadd.s32 v1, v3  }
0x87: {  	[tilespmem:s29], [sflag:$0x3] =	stream.indirect_vreg.gather [hbm4b:s5+s3], $0x80, v4, vm0, $0xb8;
	[tilespmem:$0x1F000] =	vst v63  }
0x88: {  	s30 =	simm.s32 $0xE000  }
0x89: {  	[tilespmem:s30], [sflag:$0x3] =	stream.indirect_vreg.gather [hbm4b:s6+s3], $0x80, v4, vm0, $0xb8;
	[tilespmem:$0x1F000] =	vst v63  }
0x8a: {  	s31 =	simm.s32 $0xE800  }
0x8b: {  	[tilespmem:s31], [sflag:$0x3] =	stream.indirect_vreg.gather [hbm4b:s1+s3], $0x80, v3, vm0, $0xb8;
	[tilespmem:$0x1F000] =	vst v63  }
0x8c: {  	s4 =	simm.s32 $0xF000  }
0x8d: {  	[tilespmem:s4], [sflag:$0x3] =	stream.indirect_vreg.gather [hbm4b:s5+s3], $0x80, v3, vm0, $0xb8;
	[tilespmem:$0x1F000] =	vst v63  }
0x8e: {  	s7 =	simm.s32 $0xF800  }
0x8f: {  	[tilespmem:s7], [sflag:$0x3] =	stream.indirect_vreg.gather [hbm4b:s6+s3], $0x80, v3, vm0, $0xb8;
	[tilespmem:$0x1F000] =	vst v63  }
0x90: {  	v3 =	vld [tilespmem:$0x110];
	_ =	sdelay $0x4  }
0x91: {  	v61 =	vshrl.u32 v3, $0x3  }
0x92: {  	v4 =	vmul.u32 $0x30, v61  }
0x93: {  	v3 =	vand.u32 $0x7, v3  }
0x94: {  	v3 =	vor.u32 v3, v4  }
0x95: {  	v4 =	vperm.xlane v3, v0;
	_ =	sdelay $0x1  }
0x96: {  	v4 =	vadd.s32 v1, v4;
	_ =	sdelay $0x3  }
0x97: {  	s8 =	simm.s32 $0x10000;
	v3 =	vperm.xlane v3, v2  }
0x98: {  	[tilespmem:s8], [sflag:$0x3] =	stream.indirect_vreg.gather [hbm4b:s1+s3], $0x80, v4, vm0, $0xb8;
	[tilespmem:$0x1F000] =	vst v63  }
0x99: {  	s9 =	simm.s32 $0x10800;
	v3 =	vadd.s32 v1, v3  }
0x9a: {  	[tilespmem:s9], [sflag:$0x3] =	stream.indirect_vreg.gather [hbm4b:s5+s3], $0x80, v4, vm0, $0xb8;
	[tilespmem:$0x1F000] =	vst v63  }
0x9b: {  	s11 =	simm.s32 $0x11000  }
0x9c: {  	[tilespmem:s11], [sflag:$0x3] =	stream.indirect_vreg.gather [hbm4b:s6+s3], $0x80, v4, vm0, $0xb8;
	[tilespmem:$0x1F000] =	vst v63  }
0x9d: {  	s22 =	simm.s32 $0x11800  }
0x9e: {  	[tilespmem:s22], [sflag:$0x3] =	stream.indirect_vreg.gather [hbm4b:s1+s3], $0x80, v3, vm0, $0xb8;
	[tilespmem:$0x1F000] =	vst v63  }
0x9f: {  	s23 =	simm.s32 $0x12000  }
0xa0: {  	[tilespmem:s23], [sflag:$0x3] =	stream.indirect_vreg.gather [hbm4b:s5+s3], $0x80, v3, vm0, $0xb8;
	[tilespmem:$0x1F000] =	vst v63  }
0xa1: {  	s24 =	simm.s32 $0x12800  }
0xa2: {  	[tilespmem:s24], [sflag:$0x3] =	stream.indirect_vreg.gather [hbm4b:s6+s3], $0x80, v3, vm0, $0xb8;
	[tilespmem:$0x1F000] =	vst v63  }
0xa3: {  	v3 =	vld [tilespmem:$0x180];
	_ =	sdelay $0x4  }
0xa4: {  	v62 =	vshrl.u32 v3, $0x3  }
0xa5: {  	v4 =	vmul.u32 $0x30, v62  }
0xa6: {  	v3 =	vand.u32 $0x7, v3  }
0xa7: {  	v3 =	vor.u32 v3, v4  }
0xa8: {  	v4 =	vperm.xlane v3, v0;
	_ =	sdelay $0x1  }
0xa9: {  	v4 =	vadd.s32 v1, v4;
	_ =	sdelay $0x3  }
0xaa: {  	s28 =	simm.s32 $0x13000;
	v3 =	vperm.xlane v3, v2  }
0xab: {  	[tilespmem:s28], [sflag:$0x4] =	stream.indirect_vreg.gather [hbm4b:s1+s3], $0x80, v4, vm0, $0xb8;
	[tilespmem:$0x1F000] =	vst v63  }
0xac: {  	s29 =	simm.s32 $0x13800;
	v3 =	vadd.s32 v1, v3  }
0xad: {  	[tilespmem:s29], [sflag:$0x4] =	stream.indirect_vreg.gather [hbm4b:s5+s3], $0x80, v4, vm0, $0xb8;
	[tilespmem:$0x1F000] =	vst v63  }
0xae: {  	s30 =	simm.s32 $0x14000  }
0xaf: {  	[tilespmem:s30], [sflag:$0x4] =	stream.indirect_vreg.gather [hbm4b:s6+s3], $0x80, v4, vm0, $0xb8;
	[tilespmem:$0x1F000] =	vst v63  }
0xb0: {  	s9 =	simm.s32 $0x14800  }
0xb1: {  	[tilespmem:s9], [sflag:$0x4] =	stream.indirect_vreg.gather [hbm4b:s1+s3], $0x80, v3, vm0, $0xb8;
	[tilespmem:$0x1F000] =	vst v63  }
0xb2: {  	s11 =	simm.s32 $0x15000  }
0xb3: {  	[tilespmem:s11], [sflag:$0x4] =	stream.indirect_vreg.gather [hbm4b:s5+s3], $0x80, v3, vm0, $0xb8;
	[tilespmem:$0x1F000] =	vst v63  }
0xb4: {  	s22 =	simm.s32 $0x15800  }
0xb5: {  	[tilespmem:s22], [sflag:$0x4] =	stream.indirect_vreg.gather [hbm4b:s6+s3], $0x80, v3, vm0, $0xb8;
	[tilespmem:$0x1F000] =	vst v63  }
0xb6: {  	v3 =	vld [tilespmem:$0x190];
	_ =	sdelay $0x4  }
0xb7: {  	v63 =	vshrl.u32 v3, $0x3  }
0xb8: {  	v4 =	vmul.u32 $0x30, v63  }
0xb9: {  	v3 =	vand.u32 $0x7, v3  }
0xba: {  	v3 =	vor.u32 v3, v4  }
0xbb: {  	v4 =	vperm.xlane v3, v0;
	_ =	sdelay $0x1  }
0xbc: {  	v4 =	vadd.s32 v1, v4;
	_ =	sdelay $0x3  }
0xbd: {  	s23 =	simm.s32 $0x16000;
	v3 =	vperm.xlane v3, v2  }
0xbe: {  	[tilespmem:s23], [sflag:$0x4] =	stream.indirect_vreg.gather [hbm4b:s1+s3], $0x80, v4, vm0, $0xb8;
	[tilespmem:$0x1F000] =	vst v63  }
0xbf: {  	s24 =	simm.s32 $0x16800;
	v3 =	vadd.s32 v1, v3  }
0xc0: {  	[tilespmem:s24], [sflag:$0x4] =	stream.indirect_vreg.gather [hbm4b:s5+s3], $0x80, v4, vm0, $0xb8;
	[tilespmem:$0x1F000] =	vst v63  }
0xc1: {  	s28 =	simm.s32 $0x17000  }
0xc2: {  	[tilespmem:s28], [sflag:$0x4] =	stream.indirect_vreg.gather [hbm4b:s6+s3], $0x80, v4, vm0, $0xb8;
	[tilespmem:$0x1F000] =	vst v63  }
0xc3: {  	s29 =	simm.s32 $0x17800  }
0xc4: {  	[tilespmem:s29], [sflag:$0x4] =	stream.indirect_vreg.gather [hbm4b:s1+s3], $0x80, v3, vm0, $0xb8;
	[tilespmem:$0x1F000] =	vst v63  }
0xc5: {  	s30 =	simm.s32 $0x18000  }
0xc6: {  	[tilespmem:s30], [sflag:$0x4] =	stream.indirect_vreg.gather [hbm4b:s5+s3], $0x80, v3, vm0, $0xb8;
	[tilespmem:$0x1F000] =	vst v63  }
0xc7: {  	s9 =	simm.s32 $0x18800  }
0xc8: {  	[tilespmem:s9], [sflag:$0x4] =	stream.indirect_vreg.gather [hbm4b:s6+s3], $0x80, v3, vm0, $0xb8;
	[tilespmem:$0x1F000] =	vst v63  }
0xc9: {  	_ =	swait.ge [sflag:s10], $0x6000  }
0xca: {  	s11 =	sld [smem:$0x7F9]  }
0xcb: {  	[sflag:s10] =	ssyncset.done $0x0  }
0xcc: {  	s2 =	simm.s32 $0x1000;
	[sflag:s10] =	ssyncadd.s32 $0xFFFFA000  }
0xcd: {  	[hbm4b:s11+s3] =	stream.linear.scatter [tilespmem:s2], [sflag:$0x6], $0x6000, $0x38;
	[tilespmem:$0x1F000] =	vst v63  }
0xce: {  	v3 =	vld [tilespmem:$0x200];
	_ =	sdelay $0x4  }
0xcf: {  	v8 =	vshrl.u32 v3, $0x3  }
0xd0: {  	v4 =	vmul.u32 $0x30, v8  }
0xd1: {  	v3 =	vand.u32 $0x7, v3  }
0xd2: {  	v3 =	vor.u32 v3, v4  }
0xd3: {  	v4 =	vperm.xlane v3, v0;
	_ =	sdelay $0x1  }
0xd4: {  	v4 =	vadd.s32 v1, v4;
	_ =	sdelay $0x3  }
0xd5: {  	s22 =	simm.s32 $0x19000;
	v3 =	vperm.xlane v3, v2  }
0xd6: {  	[tilespmem:s22], [sflag:$0x5] =	stream.indirect_vreg.gather [hbm4b:s1+s3], $0x80, v4, vm0, $0xb8;
	[tilespmem:$0x1F000] =	vst v63  }
0xd7: {  	s23 =	simm.s32 $0x19800;
	v3 =	vadd.s32 v1, v3  }
0xd8: {  	[tilespmem:s23], [sflag:$0x5] =	stream.indirect_vreg.gather [hbm4b:s5+s3], $0x80, v4, vm0, $0xb8;
	[tilespmem:$0x1F000] =	vst v63  }
0xd9: {  	s24 =	simm.s32 $0x1A000  }
0xda: {  	[tilespmem:s24], [sflag:$0x5] =	stream.indirect_vreg.gather [hbm4b:s6+s3], $0x80, v4, vm0, $0xb8;
	[tilespmem:$0x1F000] =	vst v63  }
0xdb: {  	s28 =	simm.s32 $0x1A800  }
0xdc: {  	[tilespmem:s28], [sflag:$0x5] =	stream.indirect_vreg.gather [hbm4b:s1+s3], $0x80, v3, vm0, $0xb8;
	[tilespmem:$0x1F000] =	vst v63  }
0xdd: {  	s29 =	simm.s32 $0x1B000  }
0xde: {  	[tilespmem:s29], [sflag:$0x5] =	stream.indirect_vreg.gather [hbm4b:s5+s3], $0x80, v3, vm0, $0xb8;
	[tilespmem:$0x1F000] =	vst v63  }
0xdf: {  	s30 =	simm.s32 $0x1B800  }
0xe0: {  	[tilespmem:s30], [sflag:$0x5] =	stream.indirect_vreg.gather [hbm4b:s6+s3], $0x80, v3, vm0, $0xb8;
	[tilespmem:$0x1F000] =	vst v63  }
0xe1: {  	v3 =	vld [tilespmem:$0x210];
	_ =	sdelay $0x4  }
0xe2: {  	v9 =	vshrl.u32 v3, $0x3  }
0xe3: {  	v4 =	vmul.u32 $0x30, v9  }
0xe4: {  	v3 =	vand.u32 $0x7, v3  }
0xe5: {  	v3 =	vor.u32 v3, v4  }
0xe6: {  	v4 =	vperm.xlane v3, v0;
	_ =	sdelay $0x1  }
0xe7: {  	v4 =	vadd.s32 v1, v4;
	_ =	sdelay $0x3  }
0xe8: {  	s9 =	simm.s32 $0x1C000;
	v3 =	vperm.xlane v3, v2  }
0xe9: {  	[tilespmem:s9], [sflag:$0x5] =	stream.indirect_vreg.gather [hbm4b:s1+s3], $0x80, v4, vm0, $0xb8;
	[tilespmem:$0x1F000] =	vst v63  }
0xea: {  	s11 =	simm.s32 $0x1C800;
	v3 =	vadd.s32 v1, v3  }
0xeb: {  	[tilespmem:s11], [sflag:$0x5] =	stream.indirect_vreg.gather [hbm4b:s5+s3], $0x80, v4, vm0, $0xb8;
	[tilespmem:$0x1F000] =	vst v63  }
0xec: {  	s22 =	simm.s32 $0x1D000  }
0xed: {  	[tilespmem:s22], [sflag:$0x5] =	stream.indirect_vreg.gather [hbm4b:s6+s3], $0x80, v4, vm0, $0xb8;
	[tilespmem:$0x1F000] =	vst v63  }
0xee: {  	s23 =	simm.s32 $0x1D800  }
0xef: {  	[tilespmem:s23], [sflag:$0x5] =	stream.indirect_vreg.gather [hbm4b:s1+s3], $0x80, v3, vm0, $0xb8;
	[tilespmem:$0x1F000] =	vst v63  }
0xf0: {  	s24 =	simm.s32 $0x1E000  }
0xf1: {  	[tilespmem:s24], [sflag:$0x5] =	stream.indirect_vreg.gather [hbm4b:s5+s3], $0x80, v3, vm0, $0xb8;
	[tilespmem:$0x1F000] =	vst v63  }
0xf2: {  	s28 =	simm.s32 $0x1E800  }
0xf3: {  	[tilespmem:s28], [sflag:$0x5] =	stream.indirect_vreg.gather [hbm4b:s6+s3], $0x80, v3, vm0, $0xb8;
	[tilespmem:$0x1F000] =	vst v63  }
0xf4: {  	_ =	swait.ge [sflag:s12], $0x6000  }
0xf5: {  	[sflag:s12] =	ssyncset.done $0x0  }
0xf6: {  	s0 =	simm.s32 $0x7000;
	s29 =	rddreg [dreg:$0x5];
	[sflag:s12] =	ssyncadd.s32 $0xFFFFA000  }
0xf7: {  	[hbm4b:s29+s3] =	stream.linear.scatter [tilespmem:s0], [sflag:$0x7], $0x6000, $0x38;
	[tilespmem:$0x1F000] =	vst v63  }
0xf8: {  	_ =	swait.ge [sflag:s13], $0x6000  }
0xf9: {  	[sflag:s13] =	ssyncset.done $0x0  }
0xfa: {  	[sflag:s13] =	ssyncadd.s32 $0xFFFFA000  }
0xfb: {  	v3 =	vld [tilespmem:$0x280];
	_ =	sdelay $0x4  }
0xfc: {  	v10 =	vshrl.u32 v3, $0x3  }
0xfd: {  	v4 =	vmul.u32 $0x30, v10  }
0xfe: {  	v3 =	vand.u32 $0x7, v3  }
0xff: {  	v3 =	vor.u32 v3, v4  }
0x100: {  	v4 =	vperm.xlane v3, v0;
	_ =	sdelay $0x1  }
0x101: {  	v4 =	vadd.s32 v1, v4;
	_ =	sdelay $0x3  }
0x102: {  	v3 =	vperm.xlane v3, v2  }
0x103: {  	[tilespmem:s2], [sflag:$0x1] =	stream.indirect_vreg.gather [hbm4b:s1+s3], $0x80, v4, vm0, $0xb8;
	[tilespmem:$0x1F000] =	vst v63  }
0x104: {  	s9 =	simm.s32 $0x1800;
	v3 =	vadd.s32 v1, v3  }
0x105: {  	[tilespmem:s9], [sflag:$0x1] =	stream.indirect_vreg.gather [hbm4b:s5+s3], $0x80, v4, vm0, $0xb8;
	[tilespmem:$0x1F000] =	vst v63  }
0x106: {  	s30 =	simm.s32 $0x2000  }
0x107: {  	[tilespmem:s30], [sflag:$0x1] =	stream.indirect_vreg.gather [hbm4b:s6+s3], $0x80, v4, vm0, $0xb8;
	[tilespmem:$0x1F000] =	vst v63  }
0x108: {  	s23 =	simm.s32 $0x2800  }
0x109: {  	[tilespmem:s23], [sflag:$0x1] =	stream.indirect_vreg.gather [hbm4b:s1+s3], $0x80, v3, vm0, $0xb8;
	[tilespmem:$0x1F000] =	vst v63  }
0x10a: {  	s24 =	simm.s32 $0x3000  }
0x10b: {  	[tilespmem:s24], [sflag:$0x1] =	stream.indirect_vreg.gather [hbm4b:s5+s3], $0x80, v3, vm0, $0xb8;
	[tilespmem:$0x1F000] =	vst v63  }
0x10c: {  	s25 =	simm.s32 $0x3800  }
0x10d: {  	[tilespmem:s25], [sflag:$0x1] =	stream.indirect_vreg.gather [hbm4b:s6+s3], $0x80, v3, vm0, $0xb8;
	[tilespmem:$0x1F000] =	vst v63  }
0x10e: {  	v3 =	vld [tilespmem:$0x290];
	_ =	sdelay $0x4  }
0x10f: {  	v11 =	vshrl.u32 v3, $0x3  }
0x110: {  	v4 =	vmul.u32 $0x30, v11  }
0x111: {  	v3 =	vand.u32 $0x7, v3  }
0x112: {  	v3 =	vor.u32 v3, v4  }
0x113: {  	v4 =	vperm.xlane v3, v0;
	_ =	sdelay $0x1  }
0x114: {  	v4 =	vadd.s32 v1, v4;
	_ =	sdelay $0x3  }
0x115: {  	s26 =	simm.s32 $0x4000;
	v3 =	vperm.xlane v3, v2  }
0x116: {  	[tilespmem:s26], [sflag:$0x1] =	stream.indirect_vreg.gather [hbm4b:s1+s3], $0x80, v4, vm0, $0xb8;
	[tilespmem:$0x1F000] =	vst v63  }
0x117: {  	s25 =	simm.s32 $0x4800;
	v3 =	vadd.s32 v1, v3  }
0x118: {  	[tilespmem:s25], [sflag:$0x1] =	stream.indirect_vreg.gather [hbm4b:s5+s3], $0x80, v4, vm0, $0xb8;
	[tilespmem:$0x1F000] =	vst v63  }
0x119: {  	s26 =	simm.s32 $0x5000  }
0x11a: {  	[tilespmem:s26], [sflag:$0x1] =	stream.indirect_vreg.gather [hbm4b:s6+s3], $0x80, v4, vm0, $0xb8;
	[tilespmem:$0x1F000] =	vst v63  }
0x11b: {  	s28 =	simm.s32 $0x5800  }
0x11c: {  	[tilespmem:s28], [sflag:$0x1] =	stream.indirect_vreg.gather [hbm4b:s1+s3], $0x80, v3, vm0, $0xb8;
	[tilespmem:$0x1F000] =	vst v63  }
0x11d: {  	s29 =	simm.s32 $0x6000  }
0x11e: {  	[tilespmem:s29], [sflag:$0x1] =	stream.indirect_vreg.gather [hbm4b:s5+s3], $0x80, v3, vm0, $0xb8;
	[tilespmem:$0x1F000] =	vst v63  }
0x11f: {  	s30 =	simm.s32 $0x6800  }
0x120: {  	[tilespmem:s30], [sflag:$0x1] =	stream.indirect_vreg.gather [hbm4b:s6+s3], $0x80, v3, vm0, $0xb8;
	[tilespmem:$0x1F000] =	vst v63  }
0x121: {  	_ =	swait.ge [sflag:s14], $0x6000  }
0x122: {  	[sflag:s14] =	ssyncset.done $0x0  }
0x123: {  	s2 =	simm.s32 $0xD000;
	s11 =	rddreg [dreg:$0x6];
	[sflag:s14] =	ssyncadd.s32 $0xFFFFA000  }
0x124: {  	[hbm4b:s11+s3] =	stream.linear.scatter [tilespmem:s2], [sflag:$0x8], $0x6000, $0x38;
	[tilespmem:$0x1F000] =	vst v63  }
0x125: {  	_ =	swait.ge [sflag:s15], $0x6000  }
0x126: {  	[sflag:s15] =	ssyncset.done $0x0  }
0x127: {  	[sflag:s15] =	ssyncadd.s32 $0xFFFFA000  }
0x128: {  	v3 =	vld [tilespmem:$0x300];
	_ =	sdelay $0x4  }
0x129: {  	v12 =	vshrl.u32 v3, $0x3  }
0x12a: {  	v4 =	vmul.u32 $0x30, v12  }
0x12b: {  	v3 =	vand.u32 $0x7, v3  }
0x12c: {  	v3 =	vor.u32 v3, v4  }
0x12d: {  	v4 =	vperm.xlane v3, v0;
	_ =	sdelay $0x1  }
0x12e: {  	v4 =	vadd.s32 v1, v4;
	_ =	sdelay $0x3  }
0x12f: {  	v3 =	vperm.xlane v3, v2  }
0x130: {  	[tilespmem:s0], [sflag:$0x2] =	stream.indirect_vreg.gather [hbm4b:s1+s3], $0x80, v4, vm0, $0xb8;
	[tilespmem:$0x1F000] =	vst v63  }
0x131: {  	s11 =	simm.s32 $0x7800;
	v3 =	vadd.s32 v1, v3  }
0x132: {  	[tilespmem:s11], [sflag:$0x2] =	stream.indirect_vreg.gather [hbm4b:s5+s3], $0x80, v4, vm0, $0xb8;
	[tilespmem:$0x1F000] =	vst v63  }
0x133: {  	s21 =	simm.s32 $0x8000  }
0x134: {  	[tilespmem:s21], [sflag:$0x2] =	stream.indirect_vreg.gather [hbm4b:s6+s3], $0x80, v4, vm0, $0xb8;
	[tilespmem:$0x1F000] =	vst v63  }
0x135: {  	s22 =	simm.s32 $0x8800  }
0x136: {  	[tilespmem:s22], [sflag:$0x2] =	stream.indirect_vreg.gather [hbm4b:s1+s3], $0x80, v3, vm0, $0xb8;
	[tilespmem:$0x1F000] =	vst v63  }
0x137: {  	s21 =	simm.s32 $0x9000  }
0x138: {  	[tilespmem:s21], [sflag:$0x2] =	stream.indirect_vreg.gather [hbm4b:s5+s3], $0x80, v3, vm0, $0xb8;
	[tilespmem:$0x1F000] =	vst v63  }
0x139: {  	s22 =	simm.s32 $0x9800  }
0x13a: {  	[tilespmem:s22], [sflag:$0x2] =	stream.indirect_vreg.gather [hbm4b:s6+s3], $0x80, v3, vm0, $0xb8;
	[tilespmem:$0x1F000] =	vst v63  }
0x13b: {  	v3 =	vld [tilespmem:$0x310];
	_ =	sdelay $0x4  }
0x13c: {  	v13 =	vshrl.u32 v3, $0x3  }
0x13d: {  	v4 =	vmul.u32 $0x30, v13  }
0x13e: {  	v3 =	vand.u32 $0x7, v3  }
0x13f: {  	v3 =	vor.u32 v3, v4  }
0x140: {  	v4 =	vperm.xlane v3, v0;
	_ =	sdelay $0x1  }
0x141: {  	v4 =	vadd.s32 v1, v4;
	_ =	sdelay $0x3  }
0x142: {  	s21 =	simm.s32 $0xA000;
	v3 =	vperm.xlane v3, v2  }
0x143: {  	[tilespmem:s21], [sflag:$0x2] =	stream.indirect_vreg.gather [hbm4b:s1+s3], $0x80, v4, vm0, $0xb8;
	[tilespmem:$0x1F000] =	vst v63  }
0x144: {  	s22 =	simm.s32 $0xA800;
	v3 =	vadd.s32 v1, v3  }
0x145: {  	[tilespmem:s22], [sflag:$0x2] =	stream.indirect_vreg.gather [hbm4b:s5+s3], $0x80, v4, vm0, $0xb8;
	[tilespmem:$0x1F000] =	vst v63  }
0x146: {  	s21 =	simm.s32 $0xB000  }
0x147: {  	[tilespmem:s21], [sflag:$0x2] =	stream.indirect_vreg.gather [hbm4b:s6+s3], $0x80, v4, vm0, $0xb8;
	[tilespmem:$0x1F000] =	vst v63  }
0x148: {  	s22 =	simm.s32 $0xB800  }
0x149: {  	[tilespmem:s22], [sflag:$0x2] =	stream.indirect_vreg.gather [hbm4b:s1+s3], $0x80, v3, vm0, $0xb8;
	[tilespmem:$0x1F000] =	vst v63  }
0x14a: {  	s21 =	simm.s32 $0xC000  }
0x14b: {  	[tilespmem:s21], [sflag:$0x2] =	stream.indirect_vreg.gather [hbm4b:s5+s3], $0x80, v3, vm0, $0xb8;
	[tilespmem:$0x1F000] =	vst v63  }
0x14c: {  	s22 =	simm.s32 $0xC800  }
0x14d: {  	[tilespmem:s22], [sflag:$0x2] =	stream.indirect_vreg.gather [hbm4b:s6+s3], $0x80, v3, vm0, $0xb8;
	[tilespmem:$0x1F000] =	vst v63  }
0x14e: {  	_ =	swait.ge [sflag:s16], $0x6000  }
0x14f: {  	[sflag:s16] =	ssyncset.done $0x0  }
0x150: {  	s21 =	simm.s32 $0x13000;
	s0 =	rddreg [dreg:$0x7];
	[sflag:s16] =	ssyncadd.s32 $0xFFFFA000  }
0x151: {  	[hbm4b:s0+s3] =	stream.linear.scatter [tilespmem:s21], [sflag:$0x9], $0x6000, $0x38;
	[tilespmem:$0x1F000] =	vst v63  }
0x152: {  	_ =	swait.ge [sflag:s17], $0x6000  }
0x153: {  	[sflag:s17] =	ssyncset.done $0x0  }
0x154: {  	[sflag:s17] =	ssyncadd.s32 $0xFFFFA000  }
0x155: {  	v3 =	vld [tilespmem:$0x380];
	_ =	sdelay $0x4  }
0x156: {  	v14 =	vshrl.u32 v3, $0x3  }
0x157: {  	v4 =	vmul.u32 $0x30, v14  }
0x158: {  	v3 =	vand.u32 $0x7, v3  }
0x159: {  	v3 =	vor.u32 v3, v4  }
0x15a: {  	v4 =	vperm.xlane v3, v0;
	_ =	sdelay $0x1  }
0x15b: {  	v4 =	vadd.s32 v1, v4;
	_ =	sdelay $0x3  }
0x15c: {  	v3 =	vperm.xlane v3, v2  }
0x15d: {  	[tilespmem:s2], [sflag:$0x3] =	stream.indirect_vreg.gather [hbm4b:s1+s3], $0x80, v4, vm0, $0xb8;
	[tilespmem:$0x1F000] =	vst v63  }
0x15e: {  	s22 =	simm.s32 $0xD800;
	v3 =	vadd.s32 v1, v3  }
0x15f: {  	[tilespmem:s22], [sflag:$0x3] =	stream.indirect_vreg.gather [hbm4b:s5+s3], $0x80, v4, vm0, $0xb8;
	[tilespmem:$0x1F000] =	vst v63  }
0x160: {  	s2 =	simm.s32 $0xE000  }
0x161: {  	[tilespmem:s2], [sflag:$0x3] =	stream.indirect_vreg.gather [hbm4b:s6+s3], $0x80, v4, vm0, $0xb8;
	[tilespmem:$0x1F000] =	vst v63  }
0x162: {  	s22 =	simm.s32 $0xE800  }
0x163: {  	[tilespmem:s22], [sflag:$0x3] =	stream.indirect_vreg.gather [hbm4b:s1+s3], $0x80, v3, vm0, $0xb8;
	[tilespmem:$0x1F000] =	vst v63  }
0x164: {  	s31 =	simm.s32 $0xF000  }
0x165: {  	[tilespmem:s31], [sflag:$0x3] =	stream.indirect_vreg.gather [hbm4b:s5+s3], $0x80, v3, vm0, $0xb8;
	[tilespmem:$0x1F000] =	vst v63  }
0x166: {  	s4 =	simm.s32 $0xF800  }
0x167: {  	[tilespmem:s4], [sflag:$0x3] =	stream.indirect_vreg.gather [hbm4b:s6+s3], $0x80, v3, vm0, $0xb8;
	[tilespmem:$0x1F000] =	vst v63  }
0x168: {  	v3 =	vld [tilespmem:$0x390];
	_ =	sdelay $0x4  }
0x169: {  	v15 =	vshrl.u32 v3, $0x3  }
0x16a: {  	v4 =	vmul.u32 $0x30, v15  }
0x16b: {  	v3 =	vand.u32 $0x7, v3  }
0x16c: {  	v3 =	vor.u32 v3, v4  }
0x16d: {  	v4 =	vperm.xlane v3, v0;
	_ =	sdelay $0x1  }
0x16e: {  	v4 =	vadd.s32 v1, v4;
	_ =	sdelay $0x3  }
0x16f: {  	s7 =	simm.s32 $0x10000;
	v3 =	vperm.xlane v3, v2  }
0x170: {  	[tilespmem:s7], [sflag:$0x3] =	stream.indirect_vreg.gather [hbm4b:s1+s3], $0x80, v4, vm0, $0xb8;
	[tilespmem:$0x1F000] =	vst v63  }
0x171: {  	s31 =	simm.s32 $0x10800;
	v3 =	vadd.s32 v1, v3  }
0x172: {  	[tilespmem:s31], [sflag:$0x3] =	stream.indirect_vreg.gather [hbm4b:s5+s3], $0x80, v4, vm0, $0xb8;
	[tilespmem:$0x1F000] =	vst v63  }
0x173: {  	s2 =	simm.s32 $0x11000  }
0x174: {  	[tilespmem:s2], [sflag:$0x3] =	stream.indirect_vreg.gather [hbm4b:s6+s3], $0x80, v4, vm0, $0xb8;
	[tilespmem:$0x1F000] =	vst v63  }
0x175: {  	s4 =	simm.s32 $0x11800  }
0x176: {  	[tilespmem:s4], [sflag:$0x3] =	stream.indirect_vreg.gather [hbm4b:s1+s3], $0x80, v3, vm0, $0xb8;
	[tilespmem:$0x1F000] =	vst v63  }
0x177: {  	s7 =	simm.s32 $0x12000  }
0x178: {  	[tilespmem:s7], [sflag:$0x3] =	stream.indirect_vreg.gather [hbm4b:s5+s3], $0x80, v3, vm0, $0xb8;
	[tilespmem:$0x1F000] =	vst v63  }
0x179: {  	s8 =	simm.s32 $0x12800  }
0x17a: {  	[tilespmem:s8], [sflag:$0x3] =	stream.indirect_vreg.gather [hbm4b:s6+s3], $0x80, v3, vm0, $0xb8;
	[tilespmem:$0x1F000] =	vst v63  }
0x17b: {  	_ =	swait.ge [sflag:s18], $0x6000  }
0x17c: {  	[sflag:s18] =	ssyncset.done $0x0  }
0x17d: {  	s2 =	simm.s32 $0x19000;
	s8 =	rddreg [dreg:$0x8];
	[sflag:s18] =	ssyncadd.s32 $0xFFFFA000  }
0x17e: {  	[hbm4b:s8+s3] =	stream.linear.scatter [tilespmem:s2], [sflag:$0xA], $0x6000, $0x38;
	[tilespmem:$0x1F000] =	vst v63  }
0x17f: {  	_ =	swait.ge [sflag:s19], $0x6000  }
0x180: {  	[sflag:s19] =	ssyncset.done $0x0  }
0x181: {  	[sflag:s19] =	ssyncadd.s32 $0xFFFFA000  }
0x182: {  	v3 =	vld [tilespmem:$0x400];
	_ =	sdelay $0x4  }
0x183: {  	v16 =	vshrl.u32 v3, $0x3  }
0x184: {  	v4 =	vmul.u32 $0x30, v16  }
0x185: {  	v3 =	vand.u32 $0x7, v3  }
0x186: {  	v3 =	vor.u32 v3, v4  }
0x187: {  	v4 =	vperm.xlane v3, v0;
	_ =	sdelay $0x1  }
0x188: {  	v4 =	vadd.s32 v1, v4;
	_ =	sdelay $0x3  }
0x189: {  	v3 =	vperm.xlane v3, v2  }
0x18a: {  	[tilespmem:s21], [sflag:$0x4] =	stream.indirect_vreg.gather [hbm4b:s1+s3], $0x80, v4, vm0, $0xb8;
	[tilespmem:$0x1F000] =	vst v63  }
0x18b: {  	v3 =	vadd.s32 v1, v3;
	s21 =	simm.s32 $0x13800  }
0x18c: {  	[tilespmem:s21], [sflag:$0x4] =	stream.indirect_vreg.gather [hbm4b:s5+s3], $0x80, v4, vm0, $0xb8;
	[tilespmem:$0x1F000] =	vst v63  }
0x18d: {  	s22 =	simm.s32 $0x14000  }
0x18e: {  	[tilespmem:s22], [sflag:$0x4] =	stream.indirect_vreg.gather [hbm4b:s6+s3], $0x80, v4, vm0, $0xb8;
	[tilespmem:$0x1F000] =	vst v63  }
0x18f: {  	s4 =	simm.s32 $0x14800  }
0x190: {  	[tilespmem:s4], [sflag:$0x4] =	stream.indirect_vreg.gather [hbm4b:s1+s3], $0x80, v3, vm0, $0xb8;
	[tilespmem:$0x1F000] =	vst v63  }
0x191: {  	s31 =	simm.s32 $0x15000  }
0x192: {  	[tilespmem:s31], [sflag:$0x4] =	stream.indirect_vreg.gather [hbm4b:s5+s3], $0x80, v3, vm0, $0xb8;
	[tilespmem:$0x1F000] =	vst v63  }
0x193: {  	s7 =	simm.s32 $0x15800  }
0x194: {  	[tilespmem:s7], [sflag:$0x4] =	stream.indirect_vreg.gather [hbm4b:s6+s3], $0x80, v3, vm0, $0xb8;
	[tilespmem:$0x1F000] =	vst v63  }
0x195: {  	v3 =	vld [tilespmem:$0x410];
	_ =	sdelay $0x4  }
0x196: {  	v17 =	vshrl.u32 v3, $0x3  }
0x197: {  	v4 =	vmul.u32 $0x30, v17  }
0x198: {  	v3 =	vand.u32 $0x7, v3  }
0x199: {  	v3 =	vor.u32 v3, v4  }
0x19a: {  	v4 =	vperm.xlane v3, v0;
	_ =	sdelay $0x1  }
0x19b: {  	v4 =	vadd.s32 v1, v4;
	_ =	sdelay $0x3  }
0x19c: {  	s8 =	simm.s32 $0x16000;
	v3 =	vperm.xlane v3, v2  }
0x19d: {  	[tilespmem:s8], [sflag:$0x4] =	stream.indirect_vreg.gather [hbm4b:s1+s3], $0x80, v4, vm0, $0xb8;
	[tilespmem:$0x1F000] =	vst v63  }
0x19e: {  	s21 =	simm.s32 $0x16800;
	v3 =	vadd.s32 v1, v3  }
0x19f: {  	[tilespmem:s21], [sflag:$0x4] =	stream.indirect_vreg.gather [hbm4b:s5+s3], $0x80, v4, vm0, $0xb8;
	[tilespmem:$0x1F000] =	vst v63  }
0x1a0: {  	s22 =	simm.s32 $0x17000  }
0x1a1: {  	[tilespmem:s22], [sflag:$0x4] =	stream.indirect_vreg.gather [hbm4b:s6+s3], $0x80, v4, vm0, $0xb8;
	[tilespmem:$0x1F000] =	vst v63  }
0x1a2: {  	s31 =	simm.s32 $0x17800  }
0x1a3: {  	[tilespmem:s31], [sflag:$0x4] =	stream.indirect_vreg.gather [hbm4b:s1+s3], $0x80, v3, vm0, $0xb8;
	[tilespmem:$0x1F000] =	vst v63  }
0x1a4: {  	s7 =	simm.s32 $0x18000  }
0x1a5: {  	[tilespmem:s7], [sflag:$0x4] =	stream.indirect_vreg.gather [hbm4b:s5+s3], $0x80, v3, vm0, $0xb8;
	[tilespmem:$0x1F000] =	vst v63  }
0x1a6: {  	s8 =	simm.s32 $0x18800  }
0x1a7: {  	[tilespmem:s8], [sflag:$0x4] =	stream.indirect_vreg.gather [hbm4b:s6+s3], $0x80, v3, vm0, $0xb8;
	[tilespmem:$0x1F000] =	vst v63  }
0x1a8: {  	_ =	swait.ge [sflag:s10], $0x6000  }
0x1a9: {  	[sflag:s10] =	ssyncset.done $0x0  }
0x1aa: {  	s0 =	simm.s32 $0x1000;
	s21 =	rddreg [dreg:$0x9];
	[sflag:s10] =	ssyncadd.s32 $0xFFFFA000  }
0x1ab: {  	[hbm4b:s21+s3] =	stream.linear.scatter [tilespmem:s0], [sflag:$0x6], $0x6000, $0x38;
	[tilespmem:$0x1F000] =	vst v63  }
0x1ac: {  	_ =	swait.ge [sflag:s20], $0x6000  }
0x1ad: {  	[sflag:s20] =	ssyncset.done $0x0  }
0x1ae: {  	[sflag:s20] =	ssyncadd.s32 $0xFFFFA000  }
0x1af: {  	v3 =	vld [tilespmem:$0x480];
	_ =	sdelay $0x4  }
0x1b0: {  	v18 =	vshrl.u32 v3, $0x3  }
0x1b1: {  	v4 =	vmul.u32 $0x30, v18  }
0x1b2: {  	v3 =	vand.u32 $0x7, v3  }
0x1b3: {  	v3 =	vor.u32 v3, v4  }
0x1b4: {  	v4 =	vperm.xlane v3, v0;
	_ =	sdelay $0x1  }
0x1b5: {  	v4 =	vadd.s32 v1, v4;
	_ =	sdelay $0x3  }
0x1b6: {  	v3 =	vperm.xlane v3, v2  }
0x1b7: {  	[tilespmem:s2], [sflag:$0x5] =	stream.indirect_vreg.gather [hbm4b:s1+s3], $0x80, v4, vm0, $0xb8;
	[tilespmem:$0x1F000] =	vst v63  }
0x1b8: {  	s31 =	simm.s32 $0x19800;
	v3 =	vadd.s32 v1, v3  }
0x1b9: {  	[tilespmem:s31], [sflag:$0x5] =	stream.indirect_vreg.gather [hbm4b:s5+s3], $0x80, v4, vm0, $0xb8;
	[tilespmem:$0x1F000] =	vst v63  }
0x1ba: {  	s21 =	simm.s32 $0x1A000  }
0x1bb: {  	[tilespmem:s21], [sflag:$0x5] =	stream.indirect_vreg.gather [hbm4b:s6+s3], $0x80, v4, vm0, $0xb8;
	[tilespmem:$0x1F000] =	vst v63  }
0x1bc: {  	s22 =	simm.s32 $0x1A800  }
0x1bd: {  	[tilespmem:s22], [sflag:$0x5] =	stream.indirect_vreg.gather [hbm4b:s1+s3], $0x80, v3, vm0, $0xb8;
	[tilespmem:$0x1F000] =	vst v63  }
0x1be: {  	s7 =	simm.s32 $0x1B000  }
0x1bf: {  	[tilespmem:s7], [sflag:$0x5] =	stream.indirect_vreg.gather [hbm4b:s5+s3], $0x80, v3, vm0, $0xb8;
	[tilespmem:$0x1F000] =	vst v63  }
0x1c0: {  	s8 =	simm.s32 $0x1B800  }
0x1c1: {  	[tilespmem:s8], [sflag:$0x5] =	stream.indirect_vreg.gather [hbm4b:s6+s3], $0x80, v3, vm0, $0xb8;
	[tilespmem:$0x1F000] =	vst v63  }
0x1c2: {  	v3 =	vld [tilespmem:$0x490];
	_ =	sdelay $0x4  }
0x1c3: {  	v19 =	vshrl.u32 v3, $0x3  }
0x1c4: {  	v4 =	vmul.u32 $0x30, v19  }
0x1c5: {  	v3 =	vand.u32 $0x7, v3  }
0x1c6: {  	v3 =	vor.u32 v3, v4  }
0x1c7: {  	v4 =	vperm.xlane v3, v0;
	_ =	sdelay $0x1  }
0x1c8: {  	v4 =	vadd.s32 v1, v4;
	_ =	sdelay $0x3  }
0x1c9: {  	s22 =	simm.s32 $0x1C000;
	v3 =	vperm.xlane v3, v2  }
0x1ca: {  	[tilespmem:s22], [sflag:$0x5] =	stream.indirect_vreg.gather [hbm4b:s1+s3], $0x80, v4, vm0, $0xb8;
	[tilespmem:$0x1F000] =	vst v63  }
0x1cb: {  	s8 =	simm.s32 $0x1C800;
	v3 =	vadd.s32 v1, v3  }
0x1cc: {  	[tilespmem:s8], [sflag:$0x5] =	stream.indirect_vreg.gather [hbm4b:s5+s3], $0x80, v4, vm0, $0xb8;
	[tilespmem:$0x1F000] =	vst v63  }
0x1cd: {  	s7 =	simm.s32 $0x1D000  }
0x1ce: {  	[tilespmem:s7], [sflag:$0x5] =	stream.indirect_vreg.gather [hbm4b:s6+s3], $0x80, v4, vm0, $0xb8;
	[tilespmem:$0x1F000] =	vst v63  }
0x1cf: {  	s22 =	simm.s32 $0x1D800  }
0x1d0: {  	[tilespmem:s22], [sflag:$0x5] =	stream.indirect_vreg.gather [hbm4b:s1+s3], $0x80, v3, vm0, $0xb8;
	[tilespmem:$0x1F000] =	vst v63  }
0x1d1: {  	s7 =	simm.s32 $0x1E000  }
0x1d2: {  	[tilespmem:s7], [sflag:$0x5] =	stream.indirect_vreg.gather [hbm4b:s5+s3], $0x80, v3, vm0, $0xb8;
	[tilespmem:$0x1F000] =	vst v63  }
0x1d3: {  	s22 =	simm.s32 $0x1E800  }
0x1d4: {  	[tilespmem:s22], [sflag:$0x5] =	stream.indirect_vreg.gather [hbm4b:s6+s3], $0x80, v3, vm0, $0xb8;
	[tilespmem:$0x1F000] =	vst v63  }
0x1d5: {  	_ =	swait.ge [sflag:s12], $0x6000  }
0x1d6: {  	[sflag:s12] =	ssyncset.done $0x0  }
0x1d7: {  	s2 =	simm.s32 $0x7000;
	s7 =	rddreg [dreg:$0xa];
	[sflag:s12] =	ssyncadd.s32 $0xFFFFA000  }
0x1d8: {  	[hbm4b:s7+s3] =	stream.linear.scatter [tilespmem:s2], [sflag:$0x7], $0x6000, $0x38;
	[tilespmem:$0x1F000] =	vst v63  }
0x1d9: {  	_ =	swait.ge [sflag:s13], $0x6000  }
0x1da: {  	[sflag:s13] =	ssyncset.done $0x0  }
0x1db: {  	[sflag:s13] =	ssyncadd.s32 $0xFFFFA000  }
0x1dc: {  	v3 =	vld [tilespmem:$0x500];
	_ =	sdelay $0x4  }
0x1dd: {  	v20 =	vshrl.u32 v3, $0x3  }
0x1de: {  	v4 =	vmul.u32 $0x30, v20  }
0x1df: {  	v3 =	vand.u32 $0x7, v3  }
0x1e0: {  	v3 =	vor.u32 v3, v4  }
0x1e1: {  	v4 =	vperm.xlane v3, v0;
	_ =	sdelay $0x1  }
0x1e2: {  	v4 =	vadd.s32 v1, v4;
	_ =	sdelay $0x3  }
0x1e3: {  	v3 =	vperm.xlane v3, v2  }
0x1e4: {  	[tilespmem:s0], [sflag:$0x1] =	stream.indirect_vreg.gather [hbm4b:s1+s3], $0x80, v4, vm0, $0xb8;
	[tilespmem:$0x1F000] =	vst v63  }
0x1e5: {  	v3 =	vadd.s32 v1, v3  }
0x1e6: {  	[tilespmem:s9], [sflag:$0x1] =	stream.indirect_vreg.gather [hbm4b:s5+s3], $0x80, v4, vm0, $0xb8;
	[tilespmem:$0x1F000] =	vst v63  }
0x1e7: {  	s22 =	simm.s32 $0x2000  }
0x1e8: {  	[tilespmem:s22], [sflag:$0x1] =	stream.indirect_vreg.gather [hbm4b:s6+s3], $0x80, v4, vm0, $0xb8;
	[tilespmem:$0x1F000] =	vst v63  }
0x1e9: {  	_ = 	snop  }
0x1ea: {  	[tilespmem:s23], [sflag:$0x1] =	stream.indirect_vreg.gather [hbm4b:s1+s3], $0x80, v3, vm0, $0xb8;
	[tilespmem:$0x1F000] =	vst v63  }
0x1eb: {  	_ = 	snop  }
0x1ec: {  	[tilespmem:s24], [sflag:$0x1] =	stream.indirect_vreg.gather [hbm4b:s5+s3], $0x80, v3, vm0, $0xb8;
	[tilespmem:$0x1F000] =	vst v63  }
0x1ed: {  	s7 =	simm.s32 $0x3800  }
0x1ee: {  	[tilespmem:s7], [sflag:$0x1] =	stream.indirect_vreg.gather [hbm4b:s6+s3], $0x80, v3, vm0, $0xb8;
	[tilespmem:$0x1F000] =	vst v63  }
0x1ef: {  	v3 =	vld [tilespmem:$0x510];
	_ =	sdelay $0x4  }
0x1f0: {  	v21 =	vshrl.u32 v3, $0x3  }
0x1f1: {  	v4 =	vmul.u32 $0x30, v21  }
0x1f2: {  	v3 =	vand.u32 $0x7, v3  }
0x1f3: {  	v3 =	vor.u32 v3, v4  }
0x1f4: {  	v4 =	vperm.xlane v3, v0;
	_ =	sdelay $0x1  }
0x1f5: {  	v4 =	vadd.s32 v1, v4;
	_ =	sdelay $0x3  }
0x1f6: {  	s24 =	simm.s32 $0x4000;
	v3 =	vperm.xlane v3, v2  }
0x1f7: {  	[tilespmem:s24], [sflag:$0x1] =	stream.indirect_vreg.gather [hbm4b:s1+s3], $0x80, v4, vm0, $0xb8;
	[tilespmem:$0x1F000] =	vst v63  }
0x1f8: {  	v3 =	vadd.s32 v1, v3  }
0x1f9: {  	[tilespmem:s25], [sflag:$0x1] =	stream.indirect_vreg.gather [hbm4b:s5+s3], $0x80, v4, vm0, $0xb8;
	[tilespmem:$0x1F000] =	vst v63  }
0x1fa: {  	_ = 	snop  }
0x1fb: {  	[tilespmem:s26], [sflag:$0x1] =	stream.indirect_vreg.gather [hbm4b:s6+s3], $0x80, v4, vm0, $0xb8;
	[tilespmem:$0x1F000] =	vst v63  }
0x1fc: {  	_ = 	snop  }
0x1fd: {  	[tilespmem:s28], [sflag:$0x1] =	stream.indirect_vreg.gather [hbm4b:s1+s3], $0x80, v3, vm0, $0xb8;
	[tilespmem:$0x1F000] =	vst v63  }
0x1fe: {  	_ = 	snop  }
0x1ff: {  	[tilespmem:s29], [sflag:$0x1] =	stream.indirect_vreg.gather [hbm4b:s5+s3], $0x80, v3, vm0, $0xb8;
	[tilespmem:$0x1F000] =	vst v63  }
0x200: {  	_ = 	snop  }
0x201: {  	[tilespmem:s30], [sflag:$0x1] =	stream.indirect_vreg.gather [hbm4b:s6+s3], $0x80, v3, vm0, $0xb8;
	[tilespmem:$0x1F000] =	vst v63  }
0x202: {  	_ =	swait.ge [sflag:s14], $0x6000  }
0x203: {  	[sflag:s14] =	ssyncset.done $0x0  }
0x204: {  	s0 =	simm.s32 $0xD000;
	s9 =	rddreg [dreg:$0xb];
	[sflag:s14] =	ssyncadd.s32 $0xFFFFA000  }
0x205: {  	[hbm4b:s9+s3] =	stream.linear.scatter [tilespmem:s0], [sflag:$0x8], $0x6000, $0x38;
	[tilespmem:$0x1F000] =	vst v63  }
0x206: {  	_ =	swait.ge [sflag:s15], $0x6000  }
0x207: {  	[sflag:s15] =	ssyncset.done $0x0  }
0x208: {  	[sflag:s15] =	ssyncadd.s32 $0xFFFFA000  }
0x209: {  	v3 =	vld [tilespmem:$0x580];
	_ =	sdelay $0x4  }
0x20a: {  	v22 =	vshrl.u32 v3, $0x3  }
0x20b: {  	v4 =	vmul.u32 $0x30, v22  }
0x20c: {  	v3 =	vand.u32 $0x7, v3  }
0x20d: {  	v3 =	vor.u32 v3, v4  }
0x20e: {  	v4 =	vperm.xlane v3, v0;
	_ =	sdelay $0x1  }
0x20f: {  	v4 =	vadd.s32 v1, v4;
	_ =	sdelay $0x3  }
0x210: {  	v3 =	vperm.xlane v3, v2  }
0x211: {  	[tilespmem:s2], [sflag:$0x2] =	stream.indirect_vreg.gather [hbm4b:s1+s3], $0x80, v4, vm0, $0xb8;
	[tilespmem:$0x1F000] =	vst v63  }
0x212: {  	v3 =	vadd.s32 v1, v3  }
0x213: {  	[tilespmem:s11], [sflag:$0x2] =	stream.indirect_vreg.gather [hbm4b:s5+s3], $0x80, v4, vm0, $0xb8;
	[tilespmem:$0x1F000] =	vst v63  }
0x214: {  	s9 =	simm.s32 $0x8000  }
0x215: {  	[tilespmem:s9], [sflag:$0x2] =	stream.indirect_vreg.gather [hbm4b:s6+s3], $0x80, v4, vm0, $0xb8;
	[tilespmem:$0x1F000] =	vst v63  }
0x216: {  	s23 =	simm.s32 $0x8800  }
0x217: {  	[tilespmem:s23], [sflag:$0x2] =	stream.indirect_vreg.gather [hbm4b:s1+s3], $0x80, v3, vm0, $0xb8;
	[tilespmem:$0x1F000] =	vst v63  }
0x218: {  	s24 =	simm.s32 $0x9000  }
0x219: {  	[tilespmem:s24], [sflag:$0x2] =	stream.indirect_vreg.gather [hbm4b:s5+s3], $0x80, v3, vm0, $0xb8;
	[tilespmem:$0x1F000] =	vst v63  }
0x21a: {  	s30 =	simm.s32 $0x9800  }
0x21b: {  	[tilespmem:s30], [sflag:$0x2] =	stream.indirect_vreg.gather [hbm4b:s6+s3], $0x80, v3, vm0, $0xb8;
	[tilespmem:$0x1F000] =	vst v63  }
0x21c: {  	v3 =	vld [tilespmem:$0x590];
	_ =	sdelay $0x4  }
0x21d: {  	v23 =	vshrl.u32 v3, $0x3  }
0x21e: {  	v4 =	vmul.u32 $0x30, v23  }
0x21f: {  	v3 =	vand.u32 $0x7, v3  }
0x220: {  	v3 =	vor.u32 v3, v4  }
0x221: {  	v4 =	vperm.xlane v3, v0;
	_ =	sdelay $0x1  }
0x222: {  	v4 =	vadd.s32 v1, v4;
	_ =	sdelay $0x3  }
0x223: {  	s11 =	simm.s32 $0xA000;
	v3 =	vperm.xlane v3, v2  }
0x224: {  	[tilespmem:s11], [sflag:$0x2] =	stream.indirect_vreg.gather [hbm4b:s1+s3], $0x80, v4, vm0, $0xb8;
	[tilespmem:$0x1F000] =	vst v63  }
0x225: {  	s25 =	simm.s32 $0xA800;
	v3 =	vadd.s32 v1, v3  }
0x226: {  	[tilespmem:s25], [sflag:$0x2] =	stream.indirect_vreg.gather [hbm4b:s5+s3], $0x80, v4, vm0, $0xb8;
	[tilespmem:$0x1F000] =	vst v63  }
0x227: {  	s26 =	simm.s32 $0xB000  }
0x228: {  	[tilespmem:s26], [sflag:$0x2] =	stream.indirect_vreg.gather [hbm4b:s6+s3], $0x80, v4, vm0, $0xb8;
	[tilespmem:$0x1F000] =	vst v63  }
0x229: {  	s28 =	simm.s32 $0xB800  }
0x22a: {  	[tilespmem:s28], [sflag:$0x2] =	stream.indirect_vreg.gather [hbm4b:s1+s3], $0x80, v3, vm0, $0xb8;
	[tilespmem:$0x1F000] =	vst v63  }
0x22b: {  	s29 =	simm.s32 $0xC000  }
0x22c: {  	[tilespmem:s29], [sflag:$0x2] =	stream.indirect_vreg.gather [hbm4b:s5+s3], $0x80, v3, vm0, $0xb8;
	[tilespmem:$0x1F000] =	vst v63  }
0x22d: {  	s22 =	simm.s32 $0xC800  }
0x22e: {  	[tilespmem:s22], [sflag:$0x2] =	stream.indirect_vreg.gather [hbm4b:s6+s3], $0x80, v3, vm0, $0xb8;
	[tilespmem:$0x1F000] =	vst v63  }
0x22f: {  	_ =	swait.ge [sflag:s16], $0x6000  }
0x230: {  	[sflag:s16] =	ssyncset.done $0x0  }
0x231: {  	s11 =	simm.s32 $0x13000;
	s2 =	rddreg [dreg:$0xc];
	[sflag:s16] =	ssyncadd.s32 $0xFFFFA000  }
0x232: {  	[hbm4b:s2+s3] =	stream.linear.scatter [tilespmem:s11], [sflag:$0x9], $0x6000, $0x38;
	[tilespmem:$0x1F000] =	vst v63  }
0x233: {  	_ =	swait.ge [sflag:s17], $0x6000  }
0x234: {  	[sflag:s17] =	ssyncset.done $0x0  }
0x235: {  	[sflag:s17] =	ssyncadd.s32 $0xFFFFA000  }
0x236: {  	v3 =	vld [tilespmem:$0x600];
	_ =	sdelay $0x4  }
0x237: {  	v24 =	vshrl.u32 v3, $0x3  }
0x238: {  	v4 =	vmul.u32 $0x30, v24  }
0x239: {  	v3 =	vand.u32 $0x7, v3  }
0x23a: {  	v3 =	vor.u32 v3, v4  }
0x23b: {  	v4 =	vperm.xlane v3, v0;
	_ =	sdelay $0x1  }
0x23c: {  	v4 =	vadd.s32 v1, v4;
	_ =	sdelay $0x3  }
0x23d: {  	v3 =	vperm.xlane v3, v2  }
0x23e: {  	[tilespmem:s0], [sflag:$0x3] =	stream.indirect_vreg.gather [hbm4b:s1+s3], $0x80, v4, vm0, $0xb8;
	[tilespmem:$0x1F000] =	vst v63  }
0x23f: {  	s22 =	simm.s32 $0xD800;
	v3 =	vadd.s32 v1, v3  }
0x240: {  	[tilespmem:s22], [sflag:$0x3] =	stream.indirect_vreg.gather [hbm4b:s5+s3], $0x80, v4, vm0, $0xb8;
	[tilespmem:$0x1F000] =	vst v63  }
0x241: {  	s2 =	simm.s32 $0xE000  }
0x242: {  	[tilespmem:s2], [sflag:$0x3] =	stream.indirect_vreg.gather [hbm4b:s6+s3], $0x80, v4, vm0, $0xb8;
	[tilespmem:$0x1F000] =	vst v63  }
0x243: {  	s22 =	simm.s32 $0xE800  }
0x244: {  	[tilespmem:s22], [sflag:$0x3] =	stream.indirect_vreg.gather [hbm4b:s1+s3], $0x80, v3, vm0, $0xb8;
	[tilespmem:$0x1F000] =	vst v63  }
0x245: {  	s2 =	simm.s32 $0xF000  }
0x246: {  	[tilespmem:s2], [sflag:$0x3] =	stream.indirect_vreg.gather [hbm4b:s5+s3], $0x80, v3, vm0, $0xb8;
	[tilespmem:$0x1F000] =	vst v63  }
0x247: {  	s22 =	simm.s32 $0xF800  }
0x248: {  	[tilespmem:s22], [sflag:$0x3] =	stream.indirect_vreg.gather [hbm4b:s6+s3], $0x80, v3, vm0, $0xb8;
	[tilespmem:$0x1F000] =	vst v63  }
0x249: {  	v3 =	vld [tilespmem:$0x610];
	_ =	sdelay $0x4  }
0x24a: {  	v25 =	vshrl.u32 v3, $0x3  }
0x24b: {  	v4 =	vmul.u32 $0x30, v25  }
0x24c: {  	v3 =	vand.u32 $0x7, v3  }
0x24d: {  	v3 =	vor.u32 v3, v4  }
0x24e: {  	v4 =	vperm.xlane v3, v0;
	_ =	sdelay $0x1  }
0x24f: {  	v4 =	vadd.s32 v1, v4;
	_ =	sdelay $0x3  }
0x250: {  	s2 =	simm.s32 $0x10000;
	v3 =	vperm.xlane v3, v2  }
0x251: {  	[tilespmem:s2], [sflag:$0x3] =	stream.indirect_vreg.gather [hbm4b:s1+s3], $0x80, v4, vm0, $0xb8;
	[tilespmem:$0x1F000] =	vst v63  }
0x252: {  	s22 =	simm.s32 $0x10800;
	v3 =	vadd.s32 v1, v3  }
0x253: {  	[tilespmem:s22], [sflag:$0x3] =	stream.indirect_vreg.gather [hbm4b:s5+s3], $0x80, v4, vm0, $0xb8;
	[tilespmem:$0x1F000] =	vst v63  }
0x254: {  	s2 =	simm.s32 $0x11000  }
0x255: {  	[tilespmem:s2], [sflag:$0x3] =	stream.indirect_vreg.gather [hbm4b:s6+s3], $0x80, v4, vm0, $0xb8;
	[tilespmem:$0x1F000] =	vst v63  }
0x256: {  	s22 =	simm.s32 $0x11800  }
0x257: {  	[tilespmem:s22], [sflag:$0x3] =	stream.indirect_vreg.gather [hbm4b:s1+s3], $0x80, v3, vm0, $0xb8;
	[tilespmem:$0x1F000] =	vst v63  }
0x258: {  	s2 =	simm.s32 $0x12000  }
0x259: {  	[tilespmem:s2], [sflag:$0x3] =	stream.indirect_vreg.gather [hbm4b:s5+s3], $0x80, v3, vm0, $0xb8;
	[tilespmem:$0x1F000] =	vst v63  }
0x25a: {  	s22 =	simm.s32 $0x12800  }
0x25b: {  	[tilespmem:s22], [sflag:$0x3] =	stream.indirect_vreg.gather [hbm4b:s6+s3], $0x80, v3, vm0, $0xb8;
	[tilespmem:$0x1F000] =	vst v63  }
0x25c: {  	_ =	swait.ge [sflag:s18], $0x6000  }
0x25d: {  	[sflag:s18] =	ssyncset.done $0x0  }
0x25e: {  	s0 =	simm.s32 $0x19000;
	s2 =	rddreg [dreg:$0xd];
	[sflag:s18] =	ssyncadd.s32 $0xFFFFA000  }
0x25f: {  	[hbm4b:s2+s3] =	stream.linear.scatter [tilespmem:s0], [sflag:$0xA], $0x6000, $0x38;
	[tilespmem:$0x1F000] =	vst v63  }
0x260: {  	_ =	swait.ge [sflag:s19], $0x6000  }
0x261: {  	[sflag:s19] =	ssyncset.done $0x0  }
0x262: {  	[sflag:s19] =	ssyncadd.s32 $0xFFFFA000  }
0x263: {  	v3 =	vld [tilespmem:$0x680];
	_ =	sdelay $0x4  }
0x264: {  	v26 =	vshrl.u32 v3, $0x3  }
0x265: {  	v4 =	vmul.u32 $0x30, v26  }
0x266: {  	v3 =	vand.u32 $0x7, v3  }
0x267: {  	v3 =	vor.u32 v3, v4  }
0x268: {  	v4 =	vperm.xlane v3, v0;
	_ =	sdelay $0x1  }
0x269: {  	v4 =	vadd.s32 v1, v4;
	_ =	sdelay $0x3  }
0x26a: {  	v3 =	vperm.xlane v3, v2  }
0x26b: {  	[tilespmem:s11], [sflag:$0x4] =	stream.indirect_vreg.gather [hbm4b:s1+s3], $0x80, v4, vm0, $0xb8;
	[tilespmem:$0x1F000] =	vst v63  }
0x26c: {  	s22 =	simm.s32 $0x13800;
	v3 =	vadd.s32 v1, v3  }
0x26d: {  	[tilespmem:s22], [sflag:$0x4] =	stream.indirect_vreg.gather [hbm4b:s5+s3], $0x80, v4, vm0, $0xb8;
	[tilespmem:$0x1F000] =	vst v63  }
0x26e: {  	s11 =	simm.s32 $0x14000  }
0x26f: {  	[tilespmem:s11], [sflag:$0x4] =	stream.indirect_vreg.gather [hbm4b:s6+s3], $0x80, v4, vm0, $0xb8;
	[tilespmem:$0x1F000] =	vst v63  }
0x270: {  	_ = 	snop  }
0x271: {  	[tilespmem:s4], [sflag:$0x4] =	stream.indirect_vreg.gather [hbm4b:s1+s3], $0x80, v3, vm0, $0xb8;
	[tilespmem:$0x1F000] =	vst v63  }
0x272: {  	s22 =	simm.s32 $0x15000  }
0x273: {  	[tilespmem:s22], [sflag:$0x4] =	stream.indirect_vreg.gather [hbm4b:s5+s3], $0x80, v3, vm0, $0xb8;
	[tilespmem:$0x1F000] =	vst v63  }
0x274: {  	s4 =	simm.s32 $0x15800  }
0x275: {  	[tilespmem:s4], [sflag:$0x4] =	stream.indirect_vreg.gather [hbm4b:s6+s3], $0x80, v3, vm0, $0xb8;
	[tilespmem:$0x1F000] =	vst v63  }
0x276: {  	v3 =	vld [tilespmem:$0x690];
	_ =	sdelay $0x4  }
0x277: {  	v27 =	vshrl.u32 v3, $0x3  }
0x278: {  	v4 =	vmul.u32 $0x30, v27  }
0x279: {  	v3 =	vand.u32 $0x7, v3  }
0x27a: {  	v3 =	vor.u32 v3, v4  }
0x27b: {  	v4 =	vperm.xlane v3, v0;
	_ =	sdelay $0x1  }
0x27c: {  	v4 =	vadd.s32 v1, v4;
	_ =	sdelay $0x3  }
0x27d: {  	s11 =	simm.s32 $0x16000;
	v3 =	vperm.xlane v3, v2  }
0x27e: {  	[tilespmem:s11], [sflag:$0x4] =	stream.indirect_vreg.gather [hbm4b:s1+s3], $0x80, v4, vm0, $0xb8;
	[tilespmem:$0x1F000] =	vst v63  }
0x27f: {  	s22 =	simm.s32 $0x16800;
	v3 =	vadd.s32 v1, v3  }
0x280: {  	[tilespmem:s22], [sflag:$0x4] =	stream.indirect_vreg.gather [hbm4b:s5+s3], $0x80, v4, vm0, $0xb8;
	[tilespmem:$0x1F000] =	vst v63  }
0x281: {  	s4 =	simm.s32 $0x17000  }
0x282: {  	[tilespmem:s4], [sflag:$0x4] =	stream.indirect_vreg.gather [hbm4b:s6+s3], $0x80, v4, vm0, $0xb8;
	[tilespmem:$0x1F000] =	vst v63  }
0x283: {  	s11 =	simm.s32 $0x17800  }
0x284: {  	[tilespmem:s11], [sflag:$0x4] =	stream.indirect_vreg.gather [hbm4b:s1+s3], $0x80, v3, vm0, $0xb8;
	[tilespmem:$0x1F000] =	vst v63  }
0x285: {  	s22 =	simm.s32 $0x18000  }
0x286: {  	[tilespmem:s22], [sflag:$0x4] =	stream.indirect_vreg.gather [hbm4b:s5+s3], $0x80, v3, vm0, $0xb8;
	[tilespmem:$0x1F000] =	vst v63  }
0x287: {  	s4 =	simm.s32 $0x18800  }
0x288: {  	[tilespmem:s4], [sflag:$0x4] =	stream.indirect_vreg.gather [hbm4b:s6+s3], $0x80, v3, vm0, $0xb8;
	[tilespmem:$0x1F000] =	vst v63  }
0x289: {  	_ =	swait.ge [sflag:s10], $0x6000  }
0x28a: {  	[sflag:s10] =	ssyncset.done $0x0  }
0x28b: {  	s4 =	simm.s32 $0x1000;
	s11 =	rddreg [dreg:$0xe];
	[sflag:s10] =	ssyncadd.s32 $0xFFFFA000  }
0x28c: {  	[hbm4b:s11+s3] =	stream.linear.scatter [tilespmem:s4], [sflag:$0x6], $0x6000, $0x38;
	[tilespmem:$0x1F000] =	vst v63  }
0x28d: {  	_ =	swait.ge [sflag:s20], $0x6000  }
0x28e: {  	[sflag:s20] =	ssyncset.done $0x0  }
0x28f: {  	[sflag:s20] =	ssyncadd.s32 $0xFFFFA000  }
0x290: {  	v3 =	vld [tilespmem:$0x700];
	_ =	sdelay $0x4  }
0x291: {  	v28 =	vshrl.u32 v3, $0x3  }
0x292: {  	v4 =	vmul.u32 $0x30, v28  }
0x293: {  	v3 =	vand.u32 $0x7, v3  }
0x294: {  	v3 =	vor.u32 v3, v4  }
0x295: {  	v4 =	vperm.xlane v3, v0;
	_ =	sdelay $0x1  }
0x296: {  	v4 =	vadd.s32 v1, v4;
	_ =	sdelay $0x3  }
0x297: {  	v3 =	vperm.xlane v3, v2  }
0x298: {  	[tilespmem:s0], [sflag:$0x5] =	stream.indirect_vreg.gather [hbm4b:s1+s3], $0x80, v4, vm0, $0xb8;
	[tilespmem:$0x1F000] =	vst v63  }
0x299: {  	v3 =	vadd.s32 v1, v3  }
0x29a: {  	[tilespmem:s31], [sflag:$0x5] =	stream.indirect_vreg.gather [hbm4b:s5+s3], $0x80, v4, vm0, $0xb8;
	[tilespmem:$0x1F000] =	vst v63  }
0x29b: {  	_ = 	snop  }
0x29c: {  	[tilespmem:s21], [sflag:$0x5] =	stream.indirect_vreg.gather [hbm4b:s6+s3], $0x80, v4, vm0, $0xb8;
	[tilespmem:$0x1F000] =	vst v63  }
0x29d: {  	s2 =	simm.s32 $0x1A800  }
0x29e: {  	[tilespmem:s2], [sflag:$0x5] =	stream.indirect_vreg.gather [hbm4b:s1+s3], $0x80, v3, vm0, $0xb8;
	[tilespmem:$0x1F000] =	vst v63  }
0x29f: {  	s11 =	simm.s32 $0x1B000  }
0x2a0: {  	[tilespmem:s11], [sflag:$0x5] =	stream.indirect_vreg.gather [hbm4b:s5+s3], $0x80, v3, vm0, $0xb8;
	[tilespmem:$0x1F000] =	vst v63  }
0x2a1: {  	s11 =	simm.s32 $0x1B800  }
0x2a2: {  	[tilespmem:s11], [sflag:$0x5] =	stream.indirect_vreg.gather [hbm4b:s6+s3], $0x80, v3, vm0, $0xb8;
	[tilespmem:$0x1F000] =	vst v63  }
0x2a3: {  	v3 =	vld [tilespmem:$0x710];
	_ =	sdelay $0x4  }
0x2a4: {  	v29 =	vshrl.u32 v3, $0x3  }
0x2a5: {  	v4 =	vmul.u32 $0x30, v29  }
0x2a6: {  	v3 =	vand.u32 $0x7, v3  }
0x2a7: {  	v3 =	vor.u32 v3, v4  }
0x2a8: {  	v4 =	vperm.xlane v3, v0;
	_ =	sdelay $0x1  }
0x2a9: {  	v4 =	vadd.s32 v1, v4;
	_ =	sdelay $0x3  }
0x2aa: {  	s21 =	simm.s32 $0x1C000;
	v3 =	vperm.xlane v3, v2  }
0x2ab: {  	[tilespmem:s21], [sflag:$0x5] =	stream.indirect_vreg.gather [hbm4b:s1+s3], $0x80, v4, vm0, $0xb8;
	[tilespmem:$0x1F000] =	vst v63  }
0x2ac: {  	v3 =	vadd.s32 v1, v3  }
0x2ad: {  	[tilespmem:s8], [sflag:$0x5] =	stream.indirect_vreg.gather [hbm4b:s5+s3], $0x80, v4, vm0, $0xb8;
	[tilespmem:$0x1F000] =	vst v63  }
0x2ae: {  	s8 =	simm.s32 $0x1D000  }
0x2af: {  	[tilespmem:s8], [sflag:$0x5] =	stream.indirect_vreg.gather [hbm4b:s6+s3], $0x80, v4, vm0, $0xb8;
	[tilespmem:$0x1F000] =	vst v63  }
0x2b0: {  	s21 =	simm.s32 $0x1D800  }
0x2b1: {  	[tilespmem:s21], [sflag:$0x5] =	stream.indirect_vreg.gather [hbm4b:s1+s3], $0x80, v3, vm0, $0xb8;
	[tilespmem:$0x1F000] =	vst v63  }
0x2b2: {  	s31 =	simm.s32 $0x1E000  }
0x2b3: {  	[tilespmem:s31], [sflag:$0x5] =	stream.indirect_vreg.gather [hbm4b:s5+s3], $0x80, v3, vm0, $0xb8;
	[tilespmem:$0x1F000] =	vst v63  }
0x2b4: {  	s22 =	simm.s32 $0x1E800  }
0x2b5: {  	[tilespmem:s22], [sflag:$0x5] =	stream.indirect_vreg.gather [hbm4b:s6+s3], $0x80, v3, vm0, $0xb8;
	[tilespmem:$0x1F000] =	vst v63  }
0x2b6: {  	_ =	swait.ge [sflag:s12], $0x6000  }
0x2b7: {  	[sflag:s12] =	ssyncset.done $0x0  }
0x2b8: {  	s0 =	simm.s32 $0x7000;
	s2 =	rddreg [dreg:$0xf];
	[sflag:s12] =	ssyncadd.s32 $0xFFFFA000  }
0x2b9: {  	[hbm4b:s2+s3] =	stream.linear.scatter [tilespmem:s0], [sflag:$0x7], $0x6000, $0x38;
	[tilespmem:$0x1F000] =	vst v63  }
0x2ba: {  	_ =	swait.ge [sflag:s13], $0x6000  }
0x2bb: {  	[sflag:s13] =	ssyncset.done $0x0  }
0x2bc: {  	[sflag:s13] =	ssyncadd.s32 $0xFFFFA000  }
0x2bd: {  	v3 =	vld [tilespmem:$0x780];
	_ =	sdelay $0x4  }
0x2be: {  	v30 =	vshrl.u32 v3, $0x3  }
0x2bf: {  	v4 =	vmul.u32 $0x30, v30  }
0x2c0: {  	v3 =	vand.u32 $0x7, v3  }
0x2c1: {  	v3 =	vor.u32 v3, v4  }
0x2c2: {  	v4 =	vperm.xlane v3, v0;
	_ =	sdelay $0x1  }
0x2c3: {  	v4 =	vadd.s32 v1, v4;
	_ =	sdelay $0x3  }
0x2c4: {  	v3 =	vperm.xlane v3, v2  }
0x2c5: {  	[tilespmem:s4], [sflag:$0x1] =	stream.indirect_vreg.gather [hbm4b:s1+s3], $0x80, v4, vm0, $0xb8;
	[tilespmem:$0x1F000] =	vst v63  }
0x2c6: {  	v3 =	vadd.s32 v1, v3;
	s4 =	simm.s32 $0x1800  }
0x2c7: {  	[tilespmem:s4], [sflag:$0x1] =	stream.indirect_vreg.gather [hbm4b:s5+s3], $0x80, v4, vm0, $0xb8;
	[tilespmem:$0x1F000] =	vst v63  }
0x2c8: {  	s22 =	simm.s32 $0x2000  }
0x2c9: {  	[tilespmem:s22], [sflag:$0x1] =	stream.indirect_vreg.gather [hbm4b:s6+s3], $0x80, v4, vm0, $0xb8;
	[tilespmem:$0x1F000] =	vst v63  }
0x2ca: {  	s4 =	simm.s32 $0x2800  }
0x2cb: {  	[tilespmem:s4], [sflag:$0x1] =	stream.indirect_vreg.gather [hbm4b:s1+s3], $0x80, v3, vm0, $0xb8;
	[tilespmem:$0x1F000] =	vst v63  }
0x2cc: {  	s22 =	simm.s32 $0x3000  }
0x2cd: {  	[tilespmem:s22], [sflag:$0x1] =	stream.indirect_vreg.gather [hbm4b:s5+s3], $0x80, v3, vm0, $0xb8;
	[tilespmem:$0x1F000] =	vst v63  }
0x2ce: {  	_ = 	snop  }
0x2cf: {  	[tilespmem:s7], [sflag:$0x1] =	stream.indirect_vreg.gather [hbm4b:s6+s3], $0x80, v3, vm0, $0xb8;
	[tilespmem:$0x1F000] =	vst v63  }
0x2d0: {  	v3 =	vld [tilespmem:$0x790];
	_ =	sdelay $0x4  }
0x2d1: {  	v31 =	vshrl.u32 v3, $0x3  }
0x2d2: {  	v4 =	vmul.u32 $0x30, v31  }
0x2d3: {  	v3 =	vand.u32 $0x7, v3  }
0x2d4: {  	v3 =	vor.u32 v3, v4  }
0x2d5: {  	v4 =	vperm.xlane v3, v0;
	_ =	sdelay $0x1  }
0x2d6: {  	v4 =	vadd.s32 v1, v4;
	_ =	sdelay $0x3  }
0x2d7: {  	s4 =	simm.s32 $0x4000;
	v3 =	vperm.xlane v3, v2  }
0x2d8: {  	[tilespmem:s4], [sflag:$0x1] =	stream.indirect_vreg.gather [hbm4b:s1+s3], $0x80, v4, vm0, $0xb8;
	[tilespmem:$0x1F000] =	vst v63  }
0x2d9: {  	s7 =	simm.s32 $0x4800;
	v3 =	vadd.s32 v1, v3  }
0x2da: {  	[tilespmem:s7], [sflag:$0x1] =	stream.indirect_vreg.gather [hbm4b:s5+s3], $0x80, v4, vm0, $0xb8;
	[tilespmem:$0x1F000] =	vst v63  }
0x2db: {  	s22 =	simm.s32 $0x5000  }
0x2dc: {  	[tilespmem:s22], [sflag:$0x1] =	stream.indirect_vreg.gather [hbm4b:s6+s3], $0x80, v4, vm0, $0xb8;
	[tilespmem:$0x1F000] =	vst v63  }
0x2dd: {  	s4 =	simm.s32 $0x5800  }
0x2de: {  	[tilespmem:s4], [sflag:$0x1] =	stream.indirect_vreg.gather [hbm4b:s1+s3], $0x80, v3, vm0, $0xb8;
	[tilespmem:$0x1F000] =	vst v63  }
0x2df: {  	s7 =	simm.s32 $0x6000  }
0x2e0: {  	[tilespmem:s7], [sflag:$0x1] =	stream.indirect_vreg.gather [hbm4b:s5+s3], $0x80, v3, vm0, $0xb8;
	[tilespmem:$0x1F000] =	vst v63  }
0x2e1: {  	s22 =	simm.s32 $0x6800  }
0x2e2: {  	[tilespmem:s22], [sflag:$0x1] =	stream.indirect_vreg.gather [hbm4b:s6+s3], $0x80, v3, vm0, $0xb8;
	[tilespmem:$0x1F000] =	vst v63  }
0x2e3: {  	_ =	swait.ge [sflag:s14], $0x6000  }
0x2e4: {  	[sflag:s14] =	ssyncset.done $0x0  }
0x2e5: {  	s7 =	simm.s32 $0xD000;
	s4 =	rddreg [dreg:$0x10];
	[sflag:s14] =	ssyncadd.s32 $0xFFFFA000  }
0x2e6: {  	[hbm4b:s4+s3] =	stream.linear.scatter [tilespmem:s7], [sflag:$0x8], $0x6000, $0x38;
	[tilespmem:$0x1F000] =	vst v63  }
0x2e7: {  	_ =	swait.ge [sflag:s15], $0x6000  }
0x2e8: {  	[sflag:s15] =	ssyncset.done $0x0  }
0x2e9: {  	[sflag:s15] =	ssyncadd.s32 $0xFFFFA000  }
0x2ea: {  	v3 =	vld [tilespmem:$0x800];
	_ =	sdelay $0x4  }
0x2eb: {  	v32 =	vshrl.u32 v3, $0x3  }
0x2ec: {  	v4 =	vmul.u32 $0x30, v32  }
0x2ed: {  	v3 =	vand.u32 $0x7, v3  }
0x2ee: {  	v3 =	vor.u32 v3, v4  }
0x2ef: {  	v4 =	vperm.xlane v3, v0;
	_ =	sdelay $0x1  }
0x2f0: {  	v4 =	vadd.s32 v1, v4;
	_ =	sdelay $0x3  }
0x2f1: {  	v3 =	vperm.xlane v3, v2  }
0x2f2: {  	[tilespmem:s0], [sflag:$0x2] =	stream.indirect_vreg.gather [hbm4b:s1+s3], $0x80, v4, vm0, $0xb8;
	[tilespmem:$0x1F000] =	vst v63  }
0x2f3: {  	s22 =	simm.s32 $0x7800;
	v3 =	vadd.s32 v1, v3  }
0x2f4: {  	[tilespmem:s22], [sflag:$0x2] =	stream.indirect_vreg.gather [hbm4b:s5+s3], $0x80, v4, vm0, $0xb8;
	[tilespmem:$0x1F000] =	vst v63  }
0x2f5: {  	_ = 	snop  }
0x2f6: {  	[tilespmem:s9], [sflag:$0x2] =	stream.indirect_vreg.gather [hbm4b:s6+s3], $0x80, v4, vm0, $0xb8;
	[tilespmem:$0x1F000] =	vst v63  }
0x2f7: {  	_ = 	snop  }
0x2f8: {  	[tilespmem:s23], [sflag:$0x2] =	stream.indirect_vreg.gather [hbm4b:s1+s3], $0x80, v3, vm0, $0xb8;
	[tilespmem:$0x1F000] =	vst v63  }
0x2f9: {  	_ = 	snop  }
0x2fa: {  	[tilespmem:s24], [sflag:$0x2] =	stream.indirect_vreg.gather [hbm4b:s5+s3], $0x80, v3, vm0, $0xb8;
	[tilespmem:$0x1F000] =	vst v63  }
0x2fb: {  	_ = 	snop  }
0x2fc: {  	[tilespmem:s30], [sflag:$0x2] =	stream.indirect_vreg.gather [hbm4b:s6+s3], $0x80, v3, vm0, $0xb8;
	[tilespmem:$0x1F000] =	vst v63  }
0x2fd: {  	v3 =	vld [tilespmem:$0x810];
	_ =	sdelay $0x4  }
0x2fe: {  	v33 =	vshrl.u32 v3, $0x3  }
0x2ff: {  	v4 =	vmul.u32 $0x30, v33  }
0x300: {  	v3 =	vand.u32 $0x7, v3  }
0x301: {  	v3 =	vor.u32 v3, v4  }
0x302: {  	v4 =	vperm.xlane v3, v0;
	_ =	sdelay $0x1  }
0x303: {  	v4 =	vadd.s32 v1, v4;
	_ =	sdelay $0x3  }
0x304: {  	s24 =	simm.s32 $0xA000;
	v3 =	vperm.xlane v3, v2  }
0x305: {  	[tilespmem:s24], [sflag:$0x2] =	stream.indirect_vreg.gather [hbm4b:s1+s3], $0x80, v4, vm0, $0xb8;
	[tilespmem:$0x1F000] =	vst v63  }
0x306: {  	v3 =	vadd.s32 v1, v3  }
0x307: {  	[tilespmem:s25], [sflag:$0x2] =	stream.indirect_vreg.gather [hbm4b:s5+s3], $0x80, v4, vm0, $0xb8;
	[tilespmem:$0x1F000] =	vst v63  }
0x308: {  	_ = 	snop  }
0x309: {  	[tilespmem:s26], [sflag:$0x2] =	stream.indirect_vreg.gather [hbm4b:s6+s3], $0x80, v4, vm0, $0xb8;
	[tilespmem:$0x1F000] =	vst v63  }
0x30a: {  	_ = 	snop  }
0x30b: {  	[tilespmem:s28], [sflag:$0x2] =	stream.indirect_vreg.gather [hbm4b:s1+s3], $0x80, v3, vm0, $0xb8;
	[tilespmem:$0x1F000] =	vst v63  }
0x30c: {  	_ = 	snop  }
0x30d: {  	[tilespmem:s29], [sflag:$0x2] =	stream.indirect_vreg.gather [hbm4b:s5+s3], $0x80, v3, vm0, $0xb8;
	[tilespmem:$0x1F000] =	vst v63  }
0x30e: {  	s30 =	simm.s32 $0xC800  }
0x30f: {  	[tilespmem:s30], [sflag:$0x2] =	stream.indirect_vreg.gather [hbm4b:s6+s3], $0x80, v3, vm0, $0xb8;
	[tilespmem:$0x1F000] =	vst v63  }
0x310: {  	_ =	swait.ge [sflag:s16], $0x6000  }
0x311: {  	[sflag:s16] =	ssyncset.done $0x0  }
0x312: {  	s9 =	simm.s32 $0x13000;
	s0 =	rddreg [dreg:$0x11];
	[sflag:s16] =	ssyncadd.s32 $0xFFFFA000  }
0x313: {  	[hbm4b:s0+s3] =	stream.linear.scatter [tilespmem:s9], [sflag:$0x9], $0x6000, $0x38;
	[tilespmem:$0x1F000] =	vst v63  }
0x314: {  	_ =	swait.ge [sflag:s17], $0x6000  }
0x315: {  	[sflag:s17] =	ssyncset.done $0x0  }
0x316: {  	[sflag:s17] =	ssyncadd.s32 $0xFFFFA000  }
0x317: {  	v3 =	vld [tilespmem:$0x880];
	_ =	sdelay $0x4  }
0x318: {  	v34 =	vshrl.u32 v3, $0x3  }
0x319: {  	v4 =	vmul.u32 $0x30, v34  }
0x31a: {  	v3 =	vand.u32 $0x7, v3  }
0x31b: {  	v3 =	vor.u32 v3, v4  }
0x31c: {  	v4 =	vperm.xlane v3, v0;
	_ =	sdelay $0x1  }
0x31d: {  	v4 =	vadd.s32 v1, v4;
	_ =	sdelay $0x3  }
0x31e: {  	v3 =	vperm.xlane v3, v2  }
0x31f: {  	[tilespmem:s7], [sflag:$0x3] =	stream.indirect_vreg.gather [hbm4b:s1+s3], $0x80, v4, vm0, $0xb8;
	[tilespmem:$0x1F000] =	vst v63  }
0x320: {  	s2 =	simm.s32 $0xD800;
	v3 =	vadd.s32 v1, v3  }
0x321: {  	[tilespmem:s2], [sflag:$0x3] =	stream.indirect_vreg.gather [hbm4b:s5+s3], $0x80, v4, vm0, $0xb8;
	[tilespmem:$0x1F000] =	vst v63  }
0x322: {  	s7 =	simm.s32 $0xE000  }
0x323: {  	[tilespmem:s7], [sflag:$0x3] =	stream.indirect_vreg.gather [hbm4b:s6+s3], $0x80, v4, vm0, $0xb8;
	[tilespmem:$0x1F000] =	vst v63  }
0x324: {  	s22 =	simm.s32 $0xE800  }
0x325: {  	[tilespmem:s22], [sflag:$0x3] =	stream.indirect_vreg.gather [hbm4b:s1+s3], $0x80, v3, vm0, $0xb8;
	[tilespmem:$0x1F000] =	vst v63  }
0x326: {  	s23 =	simm.s32 $0xF000  }
0x327: {  	[tilespmem:s23], [sflag:$0x3] =	stream.indirect_vreg.gather [hbm4b:s5+s3], $0x80, v3, vm0, $0xb8;
	[tilespmem:$0x1F000] =	vst v63  }
0x328: {  	s24 =	simm.s32 $0xF800  }
0x329: {  	[tilespmem:s24], [sflag:$0x3] =	stream.indirect_vreg.gather [hbm4b:s6+s3], $0x80, v3, vm0, $0xb8;
	[tilespmem:$0x1F000] =	vst v63  }
0x32a: {  	v3 =	vld [tilespmem:$0x890];
	_ =	sdelay $0x4  }
0x32b: {  	v35 =	vshrl.u32 v3, $0x3  }
0x32c: {  	v4 =	vmul.u32 $0x30, v35  }
0x32d: {  	v3 =	vand.u32 $0x7, v3  }
0x32e: {  	v3 =	vor.u32 v3, v4  }
0x32f: {  	v4 =	vperm.xlane v3, v0;
	_ =	sdelay $0x1  }
0x330: {  	v4 =	vadd.s32 v1, v4;
	_ =	sdelay $0x3  }
0x331: {  	s25 =	simm.s32 $0x10000;
	v3 =	vperm.xlane v3, v2  }
0x332: {  	[tilespmem:s25], [sflag:$0x3] =	stream.indirect_vreg.gather [hbm4b:s1+s3], $0x80, v4, vm0, $0xb8;
	[tilespmem:$0x1F000] =	vst v63  }
0x333: {  	s26 =	simm.s32 $0x10800;
	v3 =	vadd.s32 v1, v3  }
0x334: {  	[tilespmem:s26], [sflag:$0x3] =	stream.indirect_vreg.gather [hbm4b:s5+s3], $0x80, v4, vm0, $0xb8;
	[tilespmem:$0x1F000] =	vst v63  }
0x335: {  	s28 =	simm.s32 $0x11000  }
0x336: {  	[tilespmem:s28], [sflag:$0x3] =	stream.indirect_vreg.gather [hbm4b:s6+s3], $0x80, v4, vm0, $0xb8;
	[tilespmem:$0x1F000] =	vst v63  }
0x337: {  	s29 =	simm.s32 $0x11800  }
0x338: {  	[tilespmem:s29], [sflag:$0x3] =	stream.indirect_vreg.gather [hbm4b:s1+s3], $0x80, v3, vm0, $0xb8;
	[tilespmem:$0x1F000] =	vst v63  }
0x339: {  	s30 =	simm.s32 $0x12000  }
0x33a: {  	[tilespmem:s30], [sflag:$0x3] =	stream.indirect_vreg.gather [hbm4b:s5+s3], $0x80, v3, vm0, $0xb8;
	[tilespmem:$0x1F000] =	vst v63  }
0x33b: {  	s2 =	simm.s32 $0x12800  }
0x33c: {  	[tilespmem:s2], [sflag:$0x3] =	stream.indirect_vreg.gather [hbm4b:s6+s3], $0x80, v3, vm0, $0xb8;
	[tilespmem:$0x1F000] =	vst v63  }
0x33d: {  	_ =	swait.ge [sflag:s18], $0x6000  }
0x33e: {  	[sflag:s18] =	ssyncset.done $0x0  }
0x33f: {  	s2 =	simm.s32 $0x19000;
	s7 =	rddreg [dreg:$0x12];
	[sflag:s18] =	ssyncadd.s32 $0xFFFFA000  }
0x340: {  	[hbm4b:s7+s3] =	stream.linear.scatter [tilespmem:s2], [sflag:$0xA], $0x6000, $0x38;
	[tilespmem:$0x1F000] =	vst v63  }
0x341: {  	_ =	swait.ge [sflag:s19], $0x6000  }
0x342: {  	[sflag:s19] =	ssyncset.done $0x0  }
0x343: {  	[sflag:s19] =	ssyncadd.s32 $0xFFFFA000  }
0x344: {  	v3 =	vld [tilespmem:$0x900];
	_ =	sdelay $0x4  }
0x345: {  	v36 =	vshrl.u32 v3, $0x3  }
0x346: {  	v4 =	vmul.u32 $0x30, v36  }
0x347: {  	v3 =	vand.u32 $0x7, v3  }
0x348: {  	v3 =	vor.u32 v3, v4  }
0x349: {  	v4 =	vperm.xlane v3, v0;
	_ =	sdelay $0x1  }
0x34a: {  	v4 =	vadd.s32 v1, v4;
	_ =	sdelay $0x3  }
0x34b: {  	v3 =	vperm.xlane v3, v2  }
0x34c: {  	[tilespmem:s9], [sflag:$0x4] =	stream.indirect_vreg.gather [hbm4b:s1+s3], $0x80, v4, vm0, $0xb8;
	[tilespmem:$0x1F000] =	vst v63  }
0x34d: {  	s23 =	simm.s32 $0x13800;
	v3 =	vadd.s32 v1, v3  }
0x34e: {  	[tilespmem:s23], [sflag:$0x4] =	stream.indirect_vreg.gather [hbm4b:s5+s3], $0x80, v4, vm0, $0xb8;
	[tilespmem:$0x1F000] =	vst v63  }
0x34f: {  	s24 =	simm.s32 $0x14000  }
0x350: {  	[tilespmem:s24], [sflag:$0x4] =	stream.indirect_vreg.gather [hbm4b:s6+s3], $0x80, v4, vm0, $0xb8;
	[tilespmem:$0x1F000] =	vst v63  }
0x351: {  	s9 =	simm.s32 $0x14800  }
0x352: {  	[tilespmem:s9], [sflag:$0x4] =	stream.indirect_vreg.gather [hbm4b:s1+s3], $0x80, v3, vm0, $0xb8;
	[tilespmem:$0x1F000] =	vst v63  }
0x353: {  	s25 =	simm.s32 $0x15000  }
0x354: {  	[tilespmem:s25], [sflag:$0x4] =	stream.indirect_vreg.gather [hbm4b:s5+s3], $0x80, v3, vm0, $0xb8;
	[tilespmem:$0x1F000] =	vst v63  }
0x355: {  	s26 =	simm.s32 $0x15800  }
0x356: {  	[tilespmem:s26], [sflag:$0x4] =	stream.indirect_vreg.gather [hbm4b:s6+s3], $0x80, v3, vm0, $0xb8;
	[tilespmem:$0x1F000] =	vst v63  }
0x357: {  	v3 =	vld [tilespmem:$0x910];
	_ =	sdelay $0x4  }
0x358: {  	v37 =	vshrl.u32 v3, $0x3  }
0x359: {  	v4 =	vmul.u32 $0x30, v37  }
0x35a: {  	v3 =	vand.u32 $0x7, v3  }
0x35b: {  	v3 =	vor.u32 v3, v4  }
0x35c: {  	v4 =	vperm.xlane v3, v0;
	_ =	sdelay $0x1  }
0x35d: {  	v4 =	vadd.s32 v1, v4;
	_ =	sdelay $0x3  }
0x35e: {  	s28 =	simm.s32 $0x16000;
	v3 =	vperm.xlane v3, v2  }
0x35f: {  	[tilespmem:s28], [sflag:$0x4] =	stream.indirect_vreg.gather [hbm4b:s1+s3], $0x80, v4, vm0, $0xb8;
	[tilespmem:$0x1F000] =	vst v63  }
0x360: {  	s29 =	simm.s32 $0x16800;
	v3 =	vadd.s32 v1, v3  }
0x361: {  	[tilespmem:s29], [sflag:$0x4] =	stream.indirect_vreg.gather [hbm4b:s5+s3], $0x80, v4, vm0, $0xb8;
	[tilespmem:$0x1F000] =	vst v63  }
0x362: {  	s30 =	simm.s32 $0x17000  }
0x363: {  	[tilespmem:s30], [sflag:$0x4] =	stream.indirect_vreg.gather [hbm4b:s6+s3], $0x80, v4, vm0, $0xb8;
	[tilespmem:$0x1F000] =	vst v63  }
0x364: {  	s22 =	simm.s32 $0x17800  }
0x365: {  	[tilespmem:s22], [sflag:$0x4] =	stream.indirect_vreg.gather [hbm4b:s1+s3], $0x80, v3, vm0, $0xb8;
	[tilespmem:$0x1F000] =	vst v63  }
0x366: {  	s23 =	simm.s32 $0x18000  }
0x367: {  	[tilespmem:s23], [sflag:$0x4] =	stream.indirect_vreg.gather [hbm4b:s5+s3], $0x80, v3, vm0, $0xb8;
	[tilespmem:$0x1F000] =	vst v63  }
0x368: {  	s24 =	simm.s32 $0x18800  }
0x369: {  	[tilespmem:s24], [sflag:$0x4] =	stream.indirect_vreg.gather [hbm4b:s6+s3], $0x80, v3, vm0, $0xb8;
	[tilespmem:$0x1F000] =	vst v63  }
0x36a: {  	_ =	swait.ge [sflag:s10], $0x6000  }
0x36b: {  	[sflag:s10] =	ssyncset.done $0x0  }
0x36c: {  	s26 =	simm.s32 $0x1000;
	s25 =	rddreg [dreg:$0x13];
	[sflag:s10] =	ssyncadd.s32 $0xFFFFA000  }
0x36d: {  	[hbm4b:s25+s3] =	stream.linear.scatter [tilespmem:s26], [sflag:$0x6], $0x6000, $0x38;
	[tilespmem:$0x1F000] =	vst v63  }
0x36e: {  	_ =	swait.ge [sflag:s20], $0x6000  }
0x36f: {  	[sflag:s20] =	ssyncset.done $0x0  }
0x370: {  	[sflag:s20] =	ssyncadd.s32 $0xFFFFA000  }
0x371: {  	v3 =	vld [tilespmem:$0x980];
	_ =	sdelay $0x4  }
0x372: {  	v38 =	vshrl.u32 v3, $0x3  }
0x373: {  	v4 =	vmul.u32 $0x30, v38  }
0x374: {  	v3 =	vand.u32 $0x7, v3  }
0x375: {  	v3 =	vor.u32 v3, v4  }
0x376: {  	v4 =	vperm.xlane v3, v0;
	_ =	sdelay $0x1  }
0x377: {  	v4 =	vadd.s32 v1, v4;
	_ =	sdelay $0x3  }
0x378: {  	v3 =	vperm.xlane v3, v2  }
0x379: {  	[tilespmem:s2], [sflag:$0x5] =	stream.indirect_vreg.gather [hbm4b:s1+s3], $0x80, v4, vm0, $0xb8;
	[tilespmem:$0x1F000] =	vst v63  }
0x37a: {  	s28 =	simm.s32 $0x19800;
	v3 =	vadd.s32 v1, v3  }
0x37b: {  	[tilespmem:s28], [sflag:$0x5] =	stream.indirect_vreg.gather [hbm4b:s5+s3], $0x80, v4, vm0, $0xb8;
	[tilespmem:$0x1F000] =	vst v63  }
0x37c: {  	s30 =	simm.s32 $0x1A000  }
0x37d: {  	[tilespmem:s30], [sflag:$0x5] =	stream.indirect_vreg.gather [hbm4b:s6+s3], $0x80, v4, vm0, $0xb8;
	[tilespmem:$0x1F000] =	vst v63  }
0x37e: {  	s24 =	simm.s32 $0x1A800  }
0x37f: {  	[tilespmem:s24], [sflag:$0x5] =	stream.indirect_vreg.gather [hbm4b:s1+s3], $0x80, v3, vm0, $0xb8;
	[tilespmem:$0x1F000] =	vst v63  }
0x380: {  	s25 =	simm.s32 $0x1B000  }
0x381: {  	[tilespmem:s25], [sflag:$0x5] =	stream.indirect_vreg.gather [hbm4b:s5+s3], $0x80, v3, vm0, $0xb8;
	[tilespmem:$0x1F000] =	vst v63  }
0x382: {  	_ = 	snop  }
0x383: {  	[tilespmem:s11], [sflag:$0x5] =	stream.indirect_vreg.gather [hbm4b:s6+s3], $0x80, v3, vm0, $0xb8;
	[tilespmem:$0x1F000] =	vst v63  }
0x384: {  	v3 =	vld [tilespmem:$0x990];
	_ =	sdelay $0x4  }
0x385: {  	v39 =	vshrl.u32 v3, $0x3  }
0x386: {  	v4 =	vmul.u32 $0x30, v39  }
0x387: {  	v3 =	vand.u32 $0x7, v3  }
0x388: {  	v3 =	vor.u32 v3, v4  }
0x389: {  	v4 =	vperm.xlane v3, v0;
	_ =	sdelay $0x1  }
0x38a: {  	v4 =	vadd.s32 v1, v4;
	_ =	sdelay $0x3  }
0x38b: {  	s11 =	simm.s32 $0x1C000;
	v3 =	vperm.xlane v3, v2  }
0x38c: {  	[tilespmem:s11], [sflag:$0x5] =	stream.indirect_vreg.gather [hbm4b:s1+s3], $0x80, v4, vm0, $0xb8;
	[tilespmem:$0x1F000] =	vst v63  }
0x38d: {  	s22 =	simm.s32 $0x1C800;
	v3 =	vadd.s32 v1, v3  }
0x38e: {  	[tilespmem:s22], [sflag:$0x5] =	stream.indirect_vreg.gather [hbm4b:s5+s3], $0x80, v4, vm0, $0xb8;
	[tilespmem:$0x1F000] =	vst v63  }
0x38f: {  	_ = 	snop  }
0x390: {  	[tilespmem:s8], [sflag:$0x5] =	stream.indirect_vreg.gather [hbm4b:s6+s3], $0x80, v4, vm0, $0xb8;
	[tilespmem:$0x1F000] =	vst v63  }
0x391: {  	_ = 	snop  }
0x392: {  	[tilespmem:s21], [sflag:$0x5] =	stream.indirect_vreg.gather [hbm4b:s1+s3], $0x80, v3, vm0, $0xb8;
	[tilespmem:$0x1F000] =	vst v63  }
0x393: {  	_ = 	snop  }
0x394: {  	[tilespmem:s31], [sflag:$0x5] =	stream.indirect_vreg.gather [hbm4b:s5+s3], $0x80, v3, vm0, $0xb8;
	[tilespmem:$0x1F000] =	vst v63  }
0x395: {  	s21 =	simm.s32 $0x1E800  }
0x396: {  	[tilespmem:s21], [sflag:$0x5] =	stream.indirect_vreg.gather [hbm4b:s6+s3], $0x80, v3, vm0, $0xb8;
	[tilespmem:$0x1F000] =	vst v63  }
0x397: {  	_ =	swait.ge [sflag:s12], $0x6000  }
0x398: {  	[sflag:s12] =	ssyncset.done $0x0  }
0x399: {  	s2 =	simm.s32 $0x7000;
	s23 =	rddreg [dreg:$0x14];
	[sflag:s12] =	ssyncadd.s32 $0xFFFFA000  }
0x39a: {  	[hbm4b:s23+s3] =	stream.linear.scatter [tilespmem:s2], [sflag:$0x7], $0x6000, $0x38;
	[tilespmem:$0x1F000] =	vst v63  }
0x39b: {  	_ =	swait.ge [sflag:s13], $0x6000  }
0x39c: {  	[sflag:s13] =	ssyncset.done $0x0  }
0x39d: {  	[sflag:s13] =	ssyncadd.s32 $0xFFFFA000  }
0x39e: {  	v3 =	vld [tilespmem:$0xA00];
	_ =	sdelay $0x4  }
0x39f: {  	v40 =	vshrl.u32 v3, $0x3  }
0x3a0: {  	v4 =	vmul.u32 $0x30, v40  }
0x3a1: {  	v3 =	vand.u32 $0x7, v3  }
0x3a2: {  	v3 =	vor.u32 v3, v4  }
0x3a3: {  	v4 =	vperm.xlane v3, v0;
	_ =	sdelay $0x1  }
0x3a4: {  	v4 =	vadd.s32 v1, v4;
	_ =	sdelay $0x3  }
0x3a5: {  	v3 =	vperm.xlane v3, v2  }
0x3a6: {  	[tilespmem:s26], [sflag:$0x1] =	stream.indirect_vreg.gather [hbm4b:s1+s3], $0x80, v4, vm0, $0xb8;
	[tilespmem:$0x1F000] =	vst v63  }
0x3a7: {  	v3 =	vadd.s32 v1, v3;
	s26 =	simm.s32 $0x1800  }
0x3a8: {  	[tilespmem:s26], [sflag:$0x1] =	stream.indirect_vreg.gather [hbm4b:s5+s3], $0x80, v4, vm0, $0xb8;
	[tilespmem:$0x1F000] =	vst v63  }
0x3a9: {  	s28 =	simm.s32 $0x2000  }
0x3aa: {  	[tilespmem:s28], [sflag:$0x1] =	stream.indirect_vreg.gather [hbm4b:s6+s3], $0x80, v4, vm0, $0xb8;
	[tilespmem:$0x1F000] =	vst v63  }
0x3ab: {  	s29 =	simm.s32 $0x2800  }
0x3ac: {  	[tilespmem:s29], [sflag:$0x1] =	stream.indirect_vreg.gather [hbm4b:s1+s3], $0x80, v3, vm0, $0xb8;
	[tilespmem:$0x1F000] =	vst v63  }
0x3ad: {  	s30 =	simm.s32 $0x3000  }
0x3ae: {  	[tilespmem:s30], [sflag:$0x1] =	stream.indirect_vreg.gather [hbm4b:s5+s3], $0x80, v3, vm0, $0xb8;
	[tilespmem:$0x1F000] =	vst v63  }
0x3af: {  	s23 =	simm.s32 $0x3800  }
0x3b0: {  	[tilespmem:s23], [sflag:$0x1] =	stream.indirect_vreg.gather [hbm4b:s6+s3], $0x80, v3, vm0, $0xb8;
	[tilespmem:$0x1F000] =	vst v63  }
0x3b1: {  	v3 =	vld [tilespmem:$0xA10];
	_ =	sdelay $0x4  }
0x3b2: {  	v41 =	vshrl.u32 v3, $0x3  }
0x3b3: {  	v4 =	vmul.u32 $0x30, v41  }
0x3b4: {  	v3 =	vand.u32 $0x7, v3  }
0x3b5: {  	v3 =	vor.u32 v3, v4  }
0x3b6: {  	v4 =	vperm.xlane v3, v0;
	_ =	sdelay $0x1  }
0x3b7: {  	v4 =	vadd.s32 v1, v4;
	_ =	sdelay $0x3  }
0x3b8: {  	s31 =	simm.s32 $0x4000;
	v3 =	vperm.xlane v3, v2  }
0x3b9: {  	[tilespmem:s31], [sflag:$0x1] =	stream.indirect_vreg.gather [hbm4b:s1+s3], $0x80, v4, vm0, $0xb8;
	[tilespmem:$0x1F000] =	vst v63  }
0x3ba: {  	s22 =	simm.s32 $0x4800;
	v3 =	vadd.s32 v1, v3  }
0x3bb: {  	[tilespmem:s22], [sflag:$0x1] =	stream.indirect_vreg.gather [hbm4b:s5+s3], $0x80, v4, vm0, $0xb8;
	[tilespmem:$0x1F000] =	vst v63  }
0x3bc: {  	s26 =	simm.s32 $0x5000  }
0x3bd: {  	[tilespmem:s26], [sflag:$0x1] =	stream.indirect_vreg.gather [hbm4b:s6+s3], $0x80, v4, vm0, $0xb8;
	[tilespmem:$0x1F000] =	vst v63  }
0x3be: {  	s28 =	simm.s32 $0x5800  }
0x3bf: {  	[tilespmem:s28], [sflag:$0x1] =	stream.indirect_vreg.gather [hbm4b:s1+s3], $0x80, v3, vm0, $0xb8;
	[tilespmem:$0x1F000] =	vst v63  }
0x3c0: {  	s29 =	simm.s32 $0x6000  }
0x3c1: {  	[tilespmem:s29], [sflag:$0x1] =	stream.indirect_vreg.gather [hbm4b:s5+s3], $0x80, v3, vm0, $0xb8;
	[tilespmem:$0x1F000] =	vst v63  }
0x3c2: {  	s30 =	simm.s32 $0x6800  }
0x3c3: {  	[tilespmem:s30], [sflag:$0x1] =	stream.indirect_vreg.gather [hbm4b:s6+s3], $0x80, v3, vm0, $0xb8;
	[tilespmem:$0x1F000] =	vst v63  }
0x3c4: {  	_ =	swait.ge [sflag:s14], $0x6000  }
0x3c5: {  	[sflag:s14] =	ssyncset.done $0x0  }
0x3c6: {  	s4 =	simm.s32 $0xD000;
	s31 =	rddreg [dreg:$0x15];
	[sflag:s14] =	ssyncadd.s32 $0xFFFFA000  }
0x3c7: {  	[hbm4b:s31+s3] =	stream.linear.scatter [tilespmem:s4], [sflag:$0x8], $0x6000, $0x38;
	[tilespmem:$0x1F000] =	vst v63  }
0x3c8: {  	_ =	swait.ge [sflag:s15], $0x6000  }
0x3c9: {  	[sflag:s15] =	ssyncset.done $0x0  }
0x3ca: {  	[sflag:s15] =	ssyncadd.s32 $0xFFFFA000  }
0x3cb: {  	v3 =	vld [tilespmem:$0xA80];
	_ =	sdelay $0x4  }
0x3cc: {  	v42 =	vshrl.u32 v3, $0x3  }
0x3cd: {  	v4 =	vmul.u32 $0x30, v42  }
0x3ce: {  	v3 =	vand.u32 $0x7, v3  }
0x3cf: {  	v3 =	vor.u32 v3, v4  }
0x3d0: {  	v4 =	vperm.xlane v3, v0;
	_ =	sdelay $0x1  }
0x3d1: {  	v4 =	vadd.s32 v1, v4;
	_ =	sdelay $0x3  }
0x3d2: {  	v3 =	vperm.xlane v3, v2  }
0x3d3: {  	[tilespmem:s2], [sflag:$0x2] =	stream.indirect_vreg.gather [hbm4b:s1+s3], $0x80, v4, vm0, $0xb8;
	[tilespmem:$0x1F000] =	vst v63  }
0x3d4: {  	s8 =	simm.s32 $0x7800;
	v3 =	vadd.s32 v1, v3  }
0x3d5: {  	[tilespmem:s8], [sflag:$0x2] =	stream.indirect_vreg.gather [hbm4b:s5+s3], $0x80, v4, vm0, $0xb8;
	[tilespmem:$0x1F000] =	vst v63  }
0x3d6: {  	s2 =	simm.s32 $0x8000  }
0x3d7: {  	[tilespmem:s2], [sflag:$0x2] =	stream.indirect_vreg.gather [hbm4b:s6+s3], $0x80, v4, vm0, $0xb8;
	[tilespmem:$0x1F000] =	vst v63  }
0x3d8: {  	s22 =	simm.s32 $0x8800  }
0x3d9: {  	[tilespmem:s22], [sflag:$0x2] =	stream.indirect_vreg.gather [hbm4b:s1+s3], $0x80, v3, vm0, $0xb8;
	[tilespmem:$0x1F000] =	vst v63  }
0x3da: {  	s31 =	simm.s32 $0x9000  }
0x3db: {  	[tilespmem:s31], [sflag:$0x2] =	stream.indirect_vreg.gather [hbm4b:s5+s3], $0x80, v3, vm0, $0xb8;
	[tilespmem:$0x1F000] =	vst v63  }
0x3dc: {  	s28 =	simm.s32 $0x9800  }
0x3dd: {  	[tilespmem:s28], [sflag:$0x2] =	stream.indirect_vreg.gather [hbm4b:s6+s3], $0x80, v3, vm0, $0xb8;
	[tilespmem:$0x1F000] =	vst v63  }
0x3de: {  	v3 =	vld [tilespmem:$0xA90];
	_ =	sdelay $0x4  }
0x3df: {  	v43 =	vshrl.u32 v3, $0x3  }
0x3e0: {  	v4 =	vmul.u32 $0x30, v43  }
0x3e1: {  	v3 =	vand.u32 $0x7, v3  }
0x3e2: {  	v3 =	vor.u32 v3, v4  }
0x3e3: {  	v4 =	vperm.xlane v3, v0;
	_ =	sdelay $0x1  }
0x3e4: {  	v4 =	vadd.s32 v1, v4;
	_ =	sdelay $0x3  }
0x3e5: {  	s29 =	simm.s32 $0xA000;
	v3 =	vperm.xlane v3, v2  }
0x3e6: {  	[tilespmem:s29], [sflag:$0x2] =	stream.indirect_vreg.gather [hbm4b:s1+s3], $0x80, v4, vm0, $0xb8;
	[tilespmem:$0x1F000] =	vst v63  }
0x3e7: {  	s26 =	simm.s32 $0xA800;
	v3 =	vadd.s32 v1, v3  }
0x3e8: {  	[tilespmem:s26], [sflag:$0x2] =	stream.indirect_vreg.gather [hbm4b:s5+s3], $0x80, v4, vm0, $0xb8;
	[tilespmem:$0x1F000] =	vst v63  }
0x3e9: {  	s8 =	simm.s32 $0xB000  }
0x3ea: {  	[tilespmem:s8], [sflag:$0x2] =	stream.indirect_vreg.gather [hbm4b:s6+s3], $0x80, v4, vm0, $0xb8;
	[tilespmem:$0x1F000] =	vst v63  }
0x3eb: {  	s30 =	simm.s32 $0xB800  }
0x3ec: {  	[tilespmem:s30], [sflag:$0x2] =	stream.indirect_vreg.gather [hbm4b:s1+s3], $0x80, v3, vm0, $0xb8;
	[tilespmem:$0x1F000] =	vst v63  }
0x3ed: {  	s26 =	simm.s32 $0xC000  }
0x3ee: {  	[tilespmem:s26], [sflag:$0x2] =	stream.indirect_vreg.gather [hbm4b:s5+s3], $0x80, v3, vm0, $0xb8;
	[tilespmem:$0x1F000] =	vst v63  }
0x3ef: {  	s30 =	simm.s32 $0xC800  }
0x3f0: {  	[tilespmem:s30], [sflag:$0x2] =	stream.indirect_vreg.gather [hbm4b:s6+s3], $0x80, v3, vm0, $0xb8;
	[tilespmem:$0x1F000] =	vst v63  }
0x3f1: {  	_ =	swait.ge [sflag:s16], $0x6000  }
0x3f2: {  	[sflag:s16] =	ssyncset.done $0x0  }
0x3f3: {  	s0 =	simm.s32 $0x13000;
	s22 =	rddreg [dreg:$0x16];
	[sflag:s16] =	ssyncadd.s32 $0xFFFFA000  }
0x3f4: {  	[hbm4b:s22+s3] =	stream.linear.scatter [tilespmem:s0], [sflag:$0x9], $0x6000, $0x38;
	[tilespmem:$0x1F000] =	vst v63  }
0x3f5: {  	_ =	swait.ge [sflag:s17], $0x6000  }
0x3f6: {  	[sflag:s17] =	ssyncset.done $0x0  }
0x3f7: {  	[sflag:s17] =	ssyncadd.s32 $0xFFFFA000  }
0x3f8: {  	v3 =	vld [tilespmem:$0xB00];
	_ =	sdelay $0x4  }
0x3f9: {  	v44 =	vshrl.u32 v3, $0x3  }
0x3fa: {  	v4 =	vmul.u32 $0x30, v44  }
0x3fb: {  	v3 =	vand.u32 $0x7, v3  }
0x3fc: {  	v3 =	vor.u32 v3, v4  }
0x3fd: {  	v4 =	vperm.xlane v3, v0;
	_ =	sdelay $0x1  }
0x3fe: {  	v4 =	vadd.s32 v1, v4;
	_ =	sdelay $0x3  }
0x3ff: {  	v3 =	vperm.xlane v3, v2  }
0x400: {  	[tilespmem:s4], [sflag:$0x3] =	stream.indirect_vreg.gather [hbm4b:s1+s3], $0x80, v4, vm0, $0xb8;
	[tilespmem:$0x1F000] =	vst v63  }
0x401: {  	s22 =	simm.s32 $0xD800;
	v3 =	vadd.s32 v1, v3  }
0x402: {  	[tilespmem:s22], [sflag:$0x3] =	stream.indirect_vreg.gather [hbm4b:s5+s3], $0x80, v4, vm0, $0xb8;
	[tilespmem:$0x1F000] =	vst v63  }
0x403: {  	s22 =	simm.s32 $0xE000  }
0x404: {  	[tilespmem:s22], [sflag:$0x3] =	stream.indirect_vreg.gather [hbm4b:s6+s3], $0x80, v4, vm0, $0xb8;
	[tilespmem:$0x1F000] =	vst v63  }
0x405: {  	s22 =	simm.s32 $0xE800  }
0x406: {  	[tilespmem:s22], [sflag:$0x3] =	stream.indirect_vreg.gather [hbm4b:s1+s3], $0x80, v3, vm0, $0xb8;
	[tilespmem:$0x1F000] =	vst v63  }
0x407: {  	s22 =	simm.s32 $0xF000  }
0x408: {  	[tilespmem:s22], [sflag:$0x3] =	stream.indirect_vreg.gather [hbm4b:s5+s3], $0x80, v3, vm0, $0xb8;
	[tilespmem:$0x1F000] =	vst v63  }
0x409: {  	s22 =	simm.s32 $0xF800  }
0x40a: {  	[tilespmem:s22], [sflag:$0x3] =	stream.indirect_vreg.gather [hbm4b:s6+s3], $0x80, v3, vm0, $0xb8;
	[tilespmem:$0x1F000] =	vst v63  }
0x40b: {  	v3 =	vld [tilespmem:$0xB10];
	_ =	sdelay $0x4  }
0x40c: {  	v45 =	vshrl.u32 v3, $0x3  }
0x40d: {  	v4 =	vmul.u32 $0x30, v45  }
0x40e: {  	v3 =	vand.u32 $0x7, v3  }
0x40f: {  	v3 =	vor.u32 v3, v4  }
0x410: {  	v4 =	vperm.xlane v3, v0;
	_ =	sdelay $0x1  }
0x411: {  	v4 =	vadd.s32 v1, v4;
	_ =	sdelay $0x3  }
0x412: {  	s22 =	simm.s32 $0x10000;
	v3 =	vperm.xlane v3, v2  }
0x413: {  	[tilespmem:s22], [sflag:$0x3] =	stream.indirect_vreg.gather [hbm4b:s1+s3], $0x80, v4, vm0, $0xb8;
	[tilespmem:$0x1F000] =	vst v63  }
0x414: {  	v3 =	vadd.s32 v1, v3;
	s22 =	simm.s32 $0x10800  }
0x415: {  	[tilespmem:s22], [sflag:$0x3] =	stream.indirect_vreg.gather [hbm4b:s5+s3], $0x80, v4, vm0, $0xb8;
	[tilespmem:$0x1F000] =	vst v63  }
0x416: {  	s22 =	simm.s32 $0x11000  }
0x417: {  	[tilespmem:s22], [sflag:$0x3] =	stream.indirect_vreg.gather [hbm4b:s6+s3], $0x80, v4, vm0, $0xb8;
	[tilespmem:$0x1F000] =	vst v63  }
0x418: {  	s22 =	simm.s32 $0x11800  }
0x419: {  	[tilespmem:s22], [sflag:$0x3] =	stream.indirect_vreg.gather [hbm4b:s1+s3], $0x80, v3, vm0, $0xb8;
	[tilespmem:$0x1F000] =	vst v63  }
0x41a: {  	s22 =	simm.s32 $0x12000  }
0x41b: {  	[tilespmem:s22], [sflag:$0x3] =	stream.indirect_vreg.gather [hbm4b:s5+s3], $0x80, v3, vm0, $0xb8;
	[tilespmem:$0x1F000] =	vst v63  }
0x41c: {  	s22 =	simm.s32 $0x12800  }
0x41d: {  	[tilespmem:s22], [sflag:$0x3] =	stream.indirect_vreg.gather [hbm4b:s6+s3], $0x80, v3, vm0, $0xb8;
	[tilespmem:$0x1F000] =	vst v63  }
0x41e: {  	_ =	swait.ge [sflag:s18], $0x6000  }
0x41f: {  	[sflag:s18] =	ssyncset.done $0x0  }
0x420: {  	s7 =	simm.s32 $0x19000;
	s4 =	rddreg [dreg:$0x17];
	[sflag:s18] =	ssyncadd.s32 $0xFFFFA000  }
0x421: {  	[hbm4b:s4+s3] =	stream.linear.scatter [tilespmem:s7], [sflag:$0xA], $0x6000, $0x38;
	[tilespmem:$0x1F000] =	vst v63  }
0x422: {  	_ =	swait.ge [sflag:s19], $0x6000  }
0x423: {  	[sflag:s19] =	ssyncset.done $0x0  }
0x424: {  	[sflag:s19] =	ssyncadd.s32 $0xFFFFA000  }
0x425: {  	v3 =	vld [tilespmem:$0xB80];
	_ =	sdelay $0x4  }
0x426: {  	v46 =	vshrl.u32 v3, $0x3  }
0x427: {  	v4 =	vmul.u32 $0x30, v46  }
0x428: {  	v3 =	vand.u32 $0x7, v3  }
0x429: {  	v3 =	vor.u32 v3, v4  }
0x42a: {  	v4 =	vperm.xlane v3, v0;
	_ =	sdelay $0x1  }
0x42b: {  	v4 =	vadd.s32 v1, v4;
	_ =	sdelay $0x3  }
0x42c: {  	v3 =	vperm.xlane v3, v2  }
0x42d: {  	[tilespmem:s0], [sflag:$0x4] =	stream.indirect_vreg.gather [hbm4b:s1+s3], $0x80, v4, vm0, $0xb8;
	[tilespmem:$0x1F000] =	vst v63  }
0x42e: {  	s4 =	simm.s32 $0x13800;
	v3 =	vadd.s32 v1, v3  }
0x42f: {  	[tilespmem:s4], [sflag:$0x4] =	stream.indirect_vreg.gather [hbm4b:s5+s3], $0x80, v4, vm0, $0xb8;
	[tilespmem:$0x1F000] =	vst v63  }
0x430: {  	s22 =	simm.s32 $0x14000  }
0x431: {  	[tilespmem:s22], [sflag:$0x4] =	stream.indirect_vreg.gather [hbm4b:s6+s3], $0x80, v4, vm0, $0xb8;
	[tilespmem:$0x1F000] =	vst v63  }
0x432: {  	_ = 	snop  }
0x433: {  	[tilespmem:s9], [sflag:$0x4] =	stream.indirect_vreg.gather [hbm4b:s1+s3], $0x80, v3, vm0, $0xb8;
	[tilespmem:$0x1F000] =	vst v63  }
0x434: {  	s0 =	simm.s32 $0x15000  }
0x435: {  	[tilespmem:s0], [sflag:$0x4] =	stream.indirect_vreg.gather [hbm4b:s5+s3], $0x80, v3, vm0, $0xb8;
	[tilespmem:$0x1F000] =	vst v63  }
0x436: {  	s4 =	simm.s32 $0x15800  }
0x437: {  	[tilespmem:s4], [sflag:$0x4] =	stream.indirect_vreg.gather [hbm4b:s6+s3], $0x80, v3, vm0, $0xb8;
	[tilespmem:$0x1F000] =	vst v63  }
0x438: {  	v3 =	vld [tilespmem:$0xB90];
	_ =	sdelay $0x4  }
0x439: {  	v47 =	vshrl.u32 v3, $0x3  }
0x43a: {  	v4 =	vmul.u32 $0x30, v47  }
0x43b: {  	v3 =	vand.u32 $0x7, v3  }
0x43c: {  	v3 =	vor.u32 v3, v4  }
0x43d: {  	v4 =	vperm.xlane v3, v0;
	_ =	sdelay $0x1  }
0x43e: {  	v4 =	vadd.s32 v1, v4;
	_ =	sdelay $0x3  }
0x43f: {  	s22 =	simm.s32 $0x16000;
	v3 =	vperm.xlane v3, v2  }
0x440: {  	[tilespmem:s22], [sflag:$0x4] =	stream.indirect_vreg.gather [hbm4b:s1+s3], $0x80, v4, vm0, $0xb8;
	[tilespmem:$0x1F000] =	vst v63  }
0x441: {  	s0 =	simm.s32 $0x16800;
	v3 =	vadd.s32 v1, v3  }
0x442: {  	[tilespmem:s0], [sflag:$0x4] =	stream.indirect_vreg.gather [hbm4b:s5+s3], $0x80, v4, vm0, $0xb8;
	[tilespmem:$0x1F000] =	vst v63  }
0x443: {  	s4 =	simm.s32 $0x17000  }
0x444: {  	[tilespmem:s4], [sflag:$0x4] =	stream.indirect_vreg.gather [hbm4b:s6+s3], $0x80, v4, vm0, $0xb8;
	[tilespmem:$0x1F000] =	vst v63  }
0x445: {  	s22 =	simm.s32 $0x17800  }
0x446: {  	[tilespmem:s22], [sflag:$0x4] =	stream.indirect_vreg.gather [hbm4b:s1+s3], $0x80, v3, vm0, $0xb8;
	[tilespmem:$0x1F000] =	vst v63  }
0x447: {  	s0 =	simm.s32 $0x18000  }
0x448: {  	[tilespmem:s0], [sflag:$0x4] =	stream.indirect_vreg.gather [hbm4b:s5+s3], $0x80, v3, vm0, $0xb8;
	[tilespmem:$0x1F000] =	vst v63  }
0x449: {  	s4 =	simm.s32 $0x18800  }
0x44a: {  	[tilespmem:s4], [sflag:$0x4] =	stream.indirect_vreg.gather [hbm4b:s6+s3], $0x80, v3, vm0, $0xb8;
	[tilespmem:$0x1F000] =	vst v63  }
0x44b: {  	_ =	swait.ge [sflag:s10], $0x6000  }
0x44c: {  	[sflag:s10] =	ssyncset.done $0x0  }
0x44d: {  	s11 =	simm.s32 $0x1000;
	s9 =	rddreg [dreg:$0x18];
	[sflag:s10] =	ssyncadd.s32 $0xFFFFA000  }
0x44e: {  	[hbm4b:s9+s3] =	stream.linear.scatter [tilespmem:s11], [sflag:$0x6], $0x6000, $0x38;
	[tilespmem:$0x1F000] =	vst v63  }
0x44f: {  	_ =	swait.ge [sflag:s20], $0x6000  }
0x450: {  	[sflag:s20] =	ssyncset.done $0x0  }
0x451: {  	[sflag:s20] =	ssyncadd.s32 $0xFFFFA000  }
0x452: {  	v3 =	vld [tilespmem:$0xC00];
	_ =	sdelay $0x4  }
0x453: {  	v48 =	vshrl.u32 v3, $0x3  }
0x454: {  	v4 =	vmul.u32 $0x30, v48  }
0x455: {  	v3 =	vand.u32 $0x7, v3  }
0x456: {  	v3 =	vor.u32 v3, v4  }
0x457: {  	v4 =	vperm.xlane v3, v0;
	_ =	sdelay $0x1  }
0x458: {  	v4 =	vadd.s32 v1, v4;
	_ =	sdelay $0x3  }
0x459: {  	v3 =	vperm.xlane v3, v2  }
0x45a: {  	[tilespmem:s7], [sflag:$0x5] =	stream.indirect_vreg.gather [hbm4b:s1+s3], $0x80, v4, vm0, $0xb8;
	[tilespmem:$0x1F000] =	vst v63  }
0x45b: {  	s0 =	simm.s32 $0x19800;
	v3 =	vadd.s32 v1, v3  }
0x45c: {  	[tilespmem:s0], [sflag:$0x5] =	stream.indirect_vreg.gather [hbm4b:s5+s3], $0x80, v4, vm0, $0xb8;
	[tilespmem:$0x1F000] =	vst v63  }
0x45d: {  	s4 =	simm.s32 $0x1A000  }
0x45e: {  	[tilespmem:s4], [sflag:$0x5] =	stream.indirect_vreg.gather [hbm4b:s6+s3], $0x80, v4, vm0, $0xb8;
	[tilespmem:$0x1F000] =	vst v63  }
0x45f: {  	_ = 	snop  }
0x460: {  	[tilespmem:s24], [sflag:$0x5] =	stream.indirect_vreg.gather [hbm4b:s1+s3], $0x80, v3, vm0, $0xb8;
	[tilespmem:$0x1F000] =	vst v63  }
0x461: {  	_ = 	snop  }
0x462: {  	[tilespmem:s25], [sflag:$0x5] =	stream.indirect_vreg.gather [hbm4b:s5+s3], $0x80, v3, vm0, $0xb8;
	[tilespmem:$0x1F000] =	vst v63  }
0x463: {  	s7 =	simm.s32 $0x1B800  }
0x464: {  	[tilespmem:s7], [sflag:$0x5] =	stream.indirect_vreg.gather [hbm4b:s6+s3], $0x80, v3, vm0, $0xb8;
	[tilespmem:$0x1F000] =	vst v63  }
0x465: {  	v3 =	vld [tilespmem:$0xC10];
	_ =	sdelay $0x4  }
0x466: {  	v49 =	vshrl.u32 v3, $0x3  }
0x467: {  	v4 =	vmul.u32 $0x30, v49  }
0x468: {  	v3 =	vand.u32 $0x7, v3  }
0x469: {  	v3 =	vor.u32 v3, v4  }
0x46a: {  	v4 =	vperm.xlane v3, v0;
	_ =	sdelay $0x1  }
0x46b: {  	v4 =	vadd.s32 v1, v4;
	_ =	sdelay $0x3  }
0x46c: {  	s9 =	simm.s32 $0x1C000;
	v3 =	vperm.xlane v3, v2  }
0x46d: {  	[tilespmem:s9], [sflag:$0x5] =	stream.indirect_vreg.gather [hbm4b:s1+s3], $0x80, v4, vm0, $0xb8;
	[tilespmem:$0x1F000] =	vst v63  }
0x46e: {  	s25 =	simm.s32 $0x1C800;
	v3 =	vadd.s32 v1, v3  }
0x46f: {  	[tilespmem:s25], [sflag:$0x5] =	stream.indirect_vreg.gather [hbm4b:s5+s3], $0x80, v4, vm0, $0xb8;
	[tilespmem:$0x1F000] =	vst v63  }
0x470: {  	s7 =	simm.s32 $0x1D000  }
0x471: {  	[tilespmem:s7], [sflag:$0x5] =	stream.indirect_vreg.gather [hbm4b:s6+s3], $0x80, v4, vm0, $0xb8;
	[tilespmem:$0x1F000] =	vst v63  }
0x472: {  	s9 =	simm.s32 $0x1D800  }
0x473: {  	[tilespmem:s9], [sflag:$0x5] =	stream.indirect_vreg.gather [hbm4b:s1+s3], $0x80, v3, vm0, $0xb8;
	[tilespmem:$0x1F000] =	vst v63  }
0x474: {  	s4 =	simm.s32 $0x1E000  }
0x475: {  	[tilespmem:s4], [sflag:$0x5] =	stream.indirect_vreg.gather [hbm4b:s5+s3], $0x80, v3, vm0, $0xb8;
	[tilespmem:$0x1F000] =	vst v63  }
0x476: {  	_ = 	snop  }
0x477: {  	[tilespmem:s21], [sflag:$0x5] =	stream.indirect_vreg.gather [hbm4b:s6+s3], $0x80, v3, vm0, $0xb8;
	[tilespmem:$0x1F000] =	vst v63  }
0x478: {  	_ =	swait.ge [sflag:s12], $0x6000  }
0x479: {  	[sflag:s12] =	ssyncset.done $0x0  }
0x47a: {  	s0 =	simm.s32 $0x7000;
	s21 =	rddreg [dreg:$0x19];
	[sflag:s12] =	ssyncadd.s32 $0xFFFFA000  }
0x47b: {  	[hbm4b:s21+s3] =	stream.linear.scatter [tilespmem:s0], [sflag:$0x7], $0x6000, $0x38;
	[tilespmem:$0x1F000] =	vst v63  }
0x47c: {  	_ =	swait.ge [sflag:s13], $0x6000  }
0x47d: {  	[sflag:s13] =	ssyncset.done $0x0  }
0x47e: {  	[sflag:s13] =	ssyncadd.s32 $0xFFFFA000  }
0x47f: {  	v3 =	vld [tilespmem:$0xC80];
	_ =	sdelay $0x4  }
0x480: {  	v50 =	vshrl.u32 v3, $0x3  }
0x481: {  	v4 =	vmul.u32 $0x30, v50  }
0x482: {  	v3 =	vand.u32 $0x7, v3  }
0x483: {  	v3 =	vor.u32 v3, v4  }
0x484: {  	v4 =	vperm.xlane v3, v0;
	_ =	sdelay $0x1  }
0x485: {  	v4 =	vadd.s32 v1, v4;
	_ =	sdelay $0x3  }
0x486: {  	v3 =	vperm.xlane v3, v2  }
0x487: {  	[tilespmem:s11], [sflag:$0x1] =	stream.indirect_vreg.gather [hbm4b:s1+s3], $0x80, v4, vm0, $0xb8;
	[tilespmem:$0x1F000] =	vst v63  }
0x488: {  	s25 =	simm.s32 $0x1800;
	v3 =	vadd.s32 v1, v3  }
0x489: {  	[tilespmem:s25], [sflag:$0x1] =	stream.indirect_vreg.gather [hbm4b:s5+s3], $0x80, v4, vm0, $0xb8;
	[tilespmem:$0x1F000] =	vst v63  }
0x48a: {  	s11 =	simm.s32 $0x2000  }
0x48b: {  	[tilespmem:s11], [sflag:$0x1] =	stream.indirect_vreg.gather [hbm4b:s6+s3], $0x80, v4, vm0, $0xb8;
	[tilespmem:$0x1F000] =	vst v63  }
0x48c: {  	s21 =	simm.s32 $0x2800  }
0x48d: {  	[tilespmem:s21], [sflag:$0x1] =	stream.indirect_vreg.gather [hbm4b:s1+s3], $0x80, v3, vm0, $0xb8;
	[tilespmem:$0x1F000] =	vst v63  }
0x48e: {  	s22 =	simm.s32 $0x3000  }
0x48f: {  	[tilespmem:s22], [sflag:$0x1] =	stream.indirect_vreg.gather [hbm4b:s5+s3], $0x80, v3, vm0, $0xb8;
	[tilespmem:$0x1F000] =	vst v63  }
0x490: {  	_ = 	snop  }
0x491: {  	[tilespmem:s23], [sflag:$0x1] =	stream.indirect_vreg.gather [hbm4b:s6+s3], $0x80, v3, vm0, $0xb8;
	[tilespmem:$0x1F000] =	vst v63  }
0x492: {  	v3 =	vld [tilespmem:$0xC90];
	_ =	sdelay $0x4  }
0x493: {  	v51 =	vshrl.u32 v3, $0x3  }
0x494: {  	v4 =	vmul.u32 $0x30, v51  }
0x495: {  	v3 =	vand.u32 $0x7, v3  }
0x496: {  	v3 =	vor.u32 v3, v4  }
0x497: {  	v4 =	vperm.xlane v3, v0;
	_ =	sdelay $0x1  }
0x498: {  	v4 =	vadd.s32 v1, v4;
	_ =	sdelay $0x3  }
0x499: {  	s25 =	simm.s32 $0x4000;
	v3 =	vperm.xlane v3, v2  }
0x49a: {  	[tilespmem:s25], [sflag:$0x1] =	stream.indirect_vreg.gather [hbm4b:s1+s3], $0x80, v4, vm0, $0xb8;
	[tilespmem:$0x1F000] =	vst v63  }
0x49b: {  	s11 =	simm.s32 $0x4800;
	v3 =	vadd.s32 v1, v3  }
0x49c: {  	[tilespmem:s11], [sflag:$0x1] =	stream.indirect_vreg.gather [hbm4b:s5+s3], $0x80, v4, vm0, $0xb8;
	[tilespmem:$0x1F000] =	vst v63  }
0x49d: {  	s21 =	simm.s32 $0x5000  }
0x49e: {  	[tilespmem:s21], [sflag:$0x1] =	stream.indirect_vreg.gather [hbm4b:s6+s3], $0x80, v4, vm0, $0xb8;
	[tilespmem:$0x1F000] =	vst v63  }
0x49f: {  	s22 =	simm.s32 $0x5800  }
0x4a0: {  	[tilespmem:s22], [sflag:$0x1] =	stream.indirect_vreg.gather [hbm4b:s1+s3], $0x80, v3, vm0, $0xb8;
	[tilespmem:$0x1F000] =	vst v63  }
0x4a1: {  	s23 =	simm.s32 $0x6000  }
0x4a2: {  	[tilespmem:s23], [sflag:$0x1] =	stream.indirect_vreg.gather [hbm4b:s5+s3], $0x80, v3, vm0, $0xb8;
	[tilespmem:$0x1F000] =	vst v63  }
0x4a3: {  	s25 =	simm.s32 $0x6800  }
0x4a4: {  	[tilespmem:s25], [sflag:$0x1] =	stream.indirect_vreg.gather [hbm4b:s6+s3], $0x80, v3, vm0, $0xb8;
	[tilespmem:$0x1F000] =	vst v63  }
0x4a5: {  	_ =	swait.ge [sflag:s14], $0x6000  }
0x4a6: {  	[sflag:s14] =	ssyncset.done $0x0  }
0x4a7: {  	s11 =	simm.s32 $0xD000;
	s4 =	rddreg [dreg:$0x1a];
	[sflag:s14] =	ssyncadd.s32 $0xFFFFA000  }
0x4a8: {  	[hbm4b:s4+s3] =	stream.linear.scatter [tilespmem:s11], [sflag:$0x8], $0x6000, $0x38;
	[tilespmem:$0x1F000] =	vst v63  }
0x4a9: {  	_ =	swait.ge [sflag:s15], $0x6000  }
0x4aa: {  	[sflag:s15] =	ssyncset.done $0x0  }
0x4ab: {  	[sflag:s15] =	ssyncadd.s32 $0xFFFFA000  }
0x4ac: {  	v3 =	vld [tilespmem:$0xD00];
	_ =	sdelay $0x4  }
0x4ad: {  	v52 =	vshrl.u32 v3, $0x3  }
0x4ae: {  	v4 =	vmul.u32 $0x30, v52  }
0x4af: {  	v3 =	vand.u32 $0x7, v3  }
0x4b0: {  	v3 =	vor.u32 v3, v4  }
0x4b1: {  	v4 =	vperm.xlane v3, v0;
	_ =	sdelay $0x1  }
0x4b2: {  	v4 =	vadd.s32 v1, v4;
	_ =	sdelay $0x3  }
0x4b3: {  	v3 =	vperm.xlane v3, v2  }
0x4b4: {  	[tilespmem:s0], [sflag:$0x2] =	stream.indirect_vreg.gather [hbm4b:s1+s3], $0x80, v4, vm0, $0xb8;
	[tilespmem:$0x1F000] =	vst v63  }
0x4b5: {  	s21 =	simm.s32 $0x7800;
	v3 =	vadd.s32 v1, v3  }
0x4b6: {  	[tilespmem:s21], [sflag:$0x2] =	stream.indirect_vreg.gather [hbm4b:s5+s3], $0x80, v4, vm0, $0xb8;
	[tilespmem:$0x1F000] =	vst v63  }
0x4b7: {  	_ = 	snop  }
0x4b8: {  	[tilespmem:s2], [sflag:$0x2] =	stream.indirect_vreg.gather [hbm4b:s6+s3], $0x80, v4, vm0, $0xb8;
	[tilespmem:$0x1F000] =	vst v63  }
0x4b9: {  	s22 =	simm.s32 $0x8800  }
0x4ba: {  	[tilespmem:s22], [sflag:$0x2] =	stream.indirect_vreg.gather [hbm4b:s1+s3], $0x80, v3, vm0, $0xb8;
	[tilespmem:$0x1F000] =	vst v63  }
0x4bb: {  	_ = 	snop  }
0x4bc: {  	[tilespmem:s31], [sflag:$0x2] =	stream.indirect_vreg.gather [hbm4b:s5+s3], $0x80, v3, vm0, $0xb8;
	[tilespmem:$0x1F000] =	vst v63  }
0x4bd: {  	_ = 	snop  }
0x4be: {  	[tilespmem:s28], [sflag:$0x2] =	stream.indirect_vreg.gather [hbm4b:s6+s3], $0x80, v3, vm0, $0xb8;
	[tilespmem:$0x1F000] =	vst v63  }
0x4bf: {  	v3 =	vld [tilespmem:$0xD10];
	_ =	sdelay $0x4  }
0x4c0: {  	v53 =	vshrl.u32 v3, $0x3  }
0x4c1: {  	v4 =	vmul.u32 $0x30, v53  }
0x4c2: {  	v3 =	vand.u32 $0x7, v3  }
0x4c3: {  	v3 =	vor.u32 v3, v4  }
0x4c4: {  	v4 =	vperm.xlane v3, v0;
	_ =	sdelay $0x1  }
0x4c5: {  	v4 =	vadd.s32 v1, v4;
	_ =	sdelay $0x3  }
0x4c6: {  	v3 =	vperm.xlane v3, v2  }
0x4c7: {  	[tilespmem:s29], [sflag:$0x2] =	stream.indirect_vreg.gather [hbm4b:s1+s3], $0x80, v4, vm0, $0xb8;
	[tilespmem:$0x1F000] =	vst v63  }
0x4c8: {  	s23 =	simm.s32 $0xA800;
	v3 =	vadd.s32 v1, v3  }
0x4c9: {  	[tilespmem:s23], [sflag:$0x2] =	stream.indirect_vreg.gather [hbm4b:s5+s3], $0x80, v4, vm0, $0xb8;
	[tilespmem:$0x1F000] =	vst v63  }
0x4ca: {  	_ = 	snop  }
0x4cb: {  	[tilespmem:s8], [sflag:$0x2] =	stream.indirect_vreg.gather [hbm4b:s6+s3], $0x80, v4, vm0, $0xb8;
	[tilespmem:$0x1F000] =	vst v63  }
0x4cc: {  	s31 =	simm.s32 $0xB800  }
0x4cd: {  	[tilespmem:s31], [sflag:$0x2] =	stream.indirect_vreg.gather [hbm4b:s1+s3], $0x80, v3, vm0, $0xb8;
	[tilespmem:$0x1F000] =	vst v63  }
0x4ce: {  	_ = 	snop  }
0x4cf: {  	[tilespmem:s26], [sflag:$0x2] =	stream.indirect_vreg.gather [hbm4b:s5+s3], $0x80, v3, vm0, $0xb8;
	[tilespmem:$0x1F000] =	vst v63  }
0x4d0: {  	_ = 	snop  }
0x4d1: {  	[tilespmem:s30], [sflag:$0x2] =	stream.indirect_vreg.gather [hbm4b:s6+s3], $0x80, v3, vm0, $0xb8;
	[tilespmem:$0x1F000] =	vst v63  }
0x4d2: {  	_ =	swait.ge [sflag:s16], $0x6000  }
0x4d3: {  	[sflag:s16] =	ssyncset.done $0x0  }
0x4d4: {  	s0 =	simm.s32 $0x13000;
	s2 =	rddreg [dreg:$0x1b];
	[sflag:s16] =	ssyncadd.s32 $0xFFFFA000  }
0x4d5: {  	[hbm4b:s2+s3] =	stream.linear.scatter [tilespmem:s0], [sflag:$0x9], $0x6000, $0x38;
	[tilespmem:$0x1F000] =	vst v63  }
0x4d6: {  	_ =	swait.ge [sflag:s17], $0x6000  }
0x4d7: {  	[sflag:s17] =	ssyncset.done $0x0  }
0x4d8: {  	[sflag:s17] =	ssyncadd.s32 $0xFFFFA000  }
0x4d9: {  	v3 =	vld [tilespmem:$0xD80];
	_ =	sdelay $0x4  }
0x4da: {  	v54 =	vshrl.u32 v3, $0x3  }
0x4db: {  	v4 =	vmul.u32 $0x30, v54  }
0x4dc: {  	v3 =	vand.u32 $0x7, v3  }
0x4dd: {  	v3 =	vor.u32 v3, v4  }
0x4de: {  	v4 =	vperm.xlane v3, v0;
	_ =	sdelay $0x1  }
0x4df: {  	v4 =	vadd.s32 v1, v4;
	_ =	sdelay $0x3  }
0x4e0: {  	v3 =	vperm.xlane v3, v2  }
0x4e1: {  	[tilespmem:s11], [sflag:$0x3] =	stream.indirect_vreg.gather [hbm4b:s1+s3], $0x80, v4, vm0, $0xb8;
	[tilespmem:$0x1F000] =	vst v63  }
0x4e2: {  	s22 =	simm.s32 $0xD800;
	v3 =	vadd.s32 v1, v3  }
0x4e3: {  	[tilespmem:s22], [sflag:$0x3] =	stream.indirect_vreg.gather [hbm4b:s5+s3], $0x80, v4, vm0, $0xb8;
	[tilespmem:$0x1F000] =	vst v63  }
0x4e4: {  	s23 =	simm.s32 $0xE000  }
0x4e5: {  	[tilespmem:s23], [sflag:$0x3] =	stream.indirect_vreg.gather [hbm4b:s6+s3], $0x80, v4, vm0, $0xb8;
	[tilespmem:$0x1F000] =	vst v63  }
0x4e6: {  	s31 =	simm.s32 $0xE800  }
0x4e7: {  	[tilespmem:s31], [sflag:$0x3] =	stream.indirect_vreg.gather [hbm4b:s1+s3], $0x80, v3, vm0, $0xb8;
	[tilespmem:$0x1F000] =	vst v63  }
0x4e8: {  	s22 =	simm.s32 $0xF000  }
0x4e9: {  	[tilespmem:s22], [sflag:$0x3] =	stream.indirect_vreg.gather [hbm4b:s5+s3], $0x80, v3, vm0, $0xb8;
	[tilespmem:$0x1F000] =	vst v63  }
0x4ea: {  	s23 =	simm.s32 $0xF800  }
0x4eb: {  	[tilespmem:s23], [sflag:$0x3] =	stream.indirect_vreg.gather [hbm4b:s6+s3], $0x80, v3, vm0, $0xb8;
	[tilespmem:$0x1F000] =	vst v63  }
0x4ec: {  	v3 =	vld [tilespmem:$0xD90];
	_ =	sdelay $0x4  }
0x4ed: {  	v55 =	vshrl.u32 v3, $0x3  }
0x4ee: {  	v4 =	vmul.u32 $0x30, v55  }
0x4ef: {  	v3 =	vand.u32 $0x7, v3  }
0x4f0: {  	v3 =	vor.u32 v3, v4  }
0x4f1: {  	v4 =	vperm.xlane v3, v0;
	_ =	sdelay $0x1  }
0x4f2: {  	v4 =	vadd.s32 v1, v4;
	_ =	sdelay $0x3  }
0x4f3: {  	s31 =	simm.s32 $0x10000;
	v3 =	vperm.xlane v3, v2  }
0x4f4: {  	[tilespmem:s31], [sflag:$0x3] =	stream.indirect_vreg.gather [hbm4b:s1+s3], $0x80, v4, vm0, $0xb8;
	[tilespmem:$0x1F000] =	vst v63  }
0x4f5: {  	s22 =	simm.s32 $0x10800;
	v3 =	vadd.s32 v1, v3  }
0x4f6: {  	[tilespmem:s22], [sflag:$0x3] =	stream.indirect_vreg.gather [hbm4b:s5+s3], $0x80, v4, vm0, $0xb8;
	[tilespmem:$0x1F000] =	vst v63  }
0x4f7: {  	s23 =	simm.s32 $0x11000  }
0x4f8: {  	[tilespmem:s23], [sflag:$0x3] =	stream.indirect_vreg.gather [hbm4b:s6+s3], $0x80, v4, vm0, $0xb8;
	[tilespmem:$0x1F000] =	vst v63  }
0x4f9: {  	s31 =	simm.s32 $0x11800  }
0x4fa: {  	[tilespmem:s31], [sflag:$0x3] =	stream.indirect_vreg.gather [hbm4b:s1+s3], $0x80, v3, vm0, $0xb8;
	[tilespmem:$0x1F000] =	vst v63  }
0x4fb: {  	s22 =	simm.s32 $0x12000  }
0x4fc: {  	[tilespmem:s22], [sflag:$0x3] =	stream.indirect_vreg.gather [hbm4b:s5+s3], $0x80, v3, vm0, $0xb8;
	[tilespmem:$0x1F000] =	vst v63  }
0x4fd: {  	s23 =	simm.s32 $0x12800  }
0x4fe: {  	[tilespmem:s23], [sflag:$0x3] =	stream.indirect_vreg.gather [hbm4b:s6+s3], $0x80, v3, vm0, $0xb8;
	[tilespmem:$0x1F000] =	vst v63  }
0x4ff: {  	_ =	swait.ge [sflag:s18], $0x6000  }
0x500: {  	[sflag:s18] =	ssyncset.done $0x0  }
0x501: {  	s2 =	simm.s32 $0x19000;
	s31 =	rddreg [dreg:$0x1c];
	[sflag:s18] =	ssyncadd.s32 $0xFFFFA000  }
0x502: {  	[hbm4b:s31+s3] =	stream.linear.scatter [tilespmem:s2], [sflag:$0xA], $0x6000, $0x38;
	[tilespmem:$0x1F000] =	vst v63  }
0x503: {  	_ =	swait.ge [sflag:s19], $0x6000  }
0x504: {  	[sflag:s19] =	ssyncset.done $0x0  }
0x505: {  	[sflag:s19] =	ssyncadd.s32 $0xFFFFA000  }
0x506: {  	v3 =	vld [tilespmem:$0xE00];
	_ =	sdelay $0x4  }
0x507: {  	v56 =	vshrl.u32 v3, $0x3  }
0x508: {  	v4 =	vmul.u32 $0x30, v56  }
0x509: {  	v3 =	vand.u32 $0x7, v3  }
0x50a: {  	v3 =	vor.u32 v3, v4  }
0x50b: {  	v4 =	vperm.xlane v3, v0;
	_ =	sdelay $0x1  }
0x50c: {  	v4 =	vadd.s32 v1, v4;
	_ =	sdelay $0x3  }
0x50d: {  	v3 =	vperm.xlane v3, v2  }
0x50e: {  	[tilespmem:s0], [sflag:$0x4] =	stream.indirect_vreg.gather [hbm4b:s1+s3], $0x80, v4, vm0, $0xb8;
	[tilespmem:$0x1F000] =	vst v63  }
0x50f: {  	s23 =	simm.s32 $0x13800;
	v3 =	vadd.s32 v1, v3  }
0x510: {  	[tilespmem:s23], [sflag:$0x4] =	stream.indirect_vreg.gather [hbm4b:s5+s3], $0x80, v4, vm0, $0xb8;
	[tilespmem:$0x1F000] =	vst v63  }
0x511: {  	s22 =	simm.s32 $0x14000  }
0x512: {  	[tilespmem:s22], [sflag:$0x4] =	stream.indirect_vreg.gather [hbm4b:s6+s3], $0x80, v4, vm0, $0xb8;
	[tilespmem:$0x1F000] =	vst v63  }
0x513: {  	s23 =	simm.s32 $0x14800  }
0x514: {  	[tilespmem:s23], [sflag:$0x4] =	stream.indirect_vreg.gather [hbm4b:s1+s3], $0x80, v3, vm0, $0xb8;
	[tilespmem:$0x1F000] =	vst v63  }
0x515: {  	s22 =	simm.s32 $0x15000  }
0x516: {  	[tilespmem:s22], [sflag:$0x4] =	stream.indirect_vreg.gather [hbm4b:s5+s3], $0x80, v3, vm0, $0xb8;
	[tilespmem:$0x1F000] =	vst v63  }
0x517: {  	s23 =	simm.s32 $0x15800  }
0x518: {  	[tilespmem:s23], [sflag:$0x4] =	stream.indirect_vreg.gather [hbm4b:s6+s3], $0x80, v3, vm0, $0xb8;
	[tilespmem:$0x1F000] =	vst v63  }
0x519: {  	v3 =	vld [tilespmem:$0xE10];
	_ =	sdelay $0x4  }
0x51a: {  	v57 =	vshrl.u32 v3, $0x3  }
0x51b: {  	v4 =	vmul.u32 $0x30, v57  }
0x51c: {  	v3 =	vand.u32 $0x7, v3  }
0x51d: {  	v3 =	vor.u32 v3, v4  }
0x51e: {  	v4 =	vperm.xlane v3, v0;
	_ =	sdelay $0x1  }
0x51f: {  	v4 =	vadd.s32 v1, v4;
	_ =	sdelay $0x3  }
0x520: {  	s22 =	simm.s32 $0x16000;
	v3 =	vperm.xlane v3, v2  }
0x521: {  	[tilespmem:s22], [sflag:$0x4] =	stream.indirect_vreg.gather [hbm4b:s1+s3], $0x80, v4, vm0, $0xb8;
	[tilespmem:$0x1F000] =	vst v63  }
0x522: {  	s23 =	simm.s32 $0x16800;
	v3 =	vadd.s32 v1, v3  }
0x523: {  	[tilespmem:s23], [sflag:$0x4] =	stream.indirect_vreg.gather [hbm4b:s5+s3], $0x80, v4, vm0, $0xb8;
	[tilespmem:$0x1F000] =	vst v63  }
0x524: {  	s22 =	simm.s32 $0x17000  }
0x525: {  	[tilespmem:s22], [sflag:$0x4] =	stream.indirect_vreg.gather [hbm4b:s6+s3], $0x80, v4, vm0, $0xb8;
	[tilespmem:$0x1F000] =	vst v63  }
0x526: {  	s23 =	simm.s32 $0x17800  }
0x527: {  	[tilespmem:s23], [sflag:$0x4] =	stream.indirect_vreg.gather [hbm4b:s1+s3], $0x80, v3, vm0, $0xb8;
	[tilespmem:$0x1F000] =	vst v63  }
0x528: {  	s22 =	simm.s32 $0x18000  }
0x529: {  	[tilespmem:s22], [sflag:$0x4] =	stream.indirect_vreg.gather [hbm4b:s5+s3], $0x80, v3, vm0, $0xb8;
	[tilespmem:$0x1F000] =	vst v63  }
0x52a: {  	s23 =	simm.s32 $0x18800  }
0x52b: {  	[tilespmem:s23], [sflag:$0x4] =	stream.indirect_vreg.gather [hbm4b:s6+s3], $0x80, v3, vm0, $0xb8;
	[tilespmem:$0x1F000] =	vst v63  }
0x52c: {  	_ =	swait.ge [sflag:s10], $0x6000  }
0x52d: {  	[sflag:s10] =	ssyncset.done $0x0  }
0x52e: {  	s23 =	simm.s32 $0x1000;
	s0 =	rddreg [dreg:$0x1d];
	[sflag:s10] =	ssyncadd.s32 $0xFFFFA000  }
0x52f: {  	[hbm4b:s0+s3] =	stream.linear.scatter [tilespmem:s23], [sflag:$0x6], $0x6000, $0x38;
	[tilespmem:$0x1F000] =	vst v63  }
0x530: {  	_ =	swait.ge [sflag:s20], $0x6000  }
0x531: {  	[sflag:s20] =	ssyncset.done $0x0  }
0x532: {  	[sflag:s20] =	ssyncadd.s32 $0xFFFFA000  }
0x533: {  	v3 =	vld [tilespmem:$0xE80];
	_ =	sdelay $0x4  }
0x534: {  	v58 =	vshrl.u32 v3, $0x3  }
0x535: {  	v4 =	vmul.u32 $0x30, v58  }
0x536: {  	v3 =	vand.u32 $0x7, v3  }
0x537: {  	v3 =	vor.u32 v3, v4  }
0x538: {  	v4 =	vperm.xlane v3, v0;
	_ =	sdelay $0x1  }
0x539: {  	v4 =	vadd.s32 v1, v4;
	_ =	sdelay $0x3  }
0x53a: {  	v3 =	vperm.xlane v3, v2  }
0x53b: {  	[tilespmem:s2], [sflag:$0x5] =	stream.indirect_vreg.gather [hbm4b:s1+s3], $0x80, v4, vm0, $0xb8;
	[tilespmem:$0x1F000] =	vst v63  }
0x53c: {  	s22 =	simm.s32 $0x19800;
	v3 =	vadd.s32 v1, v3  }
0x53d: {  	[tilespmem:s22], [sflag:$0x5] =	stream.indirect_vreg.gather [hbm4b:s5+s3], $0x80, v4, vm0, $0xb8;
	[tilespmem:$0x1F000] =	vst v63  }
0x53e: {  	s22 =	simm.s32 $0x1A000  }
0x53f: {  	[tilespmem:s22], [sflag:$0x5] =	stream.indirect_vreg.gather [hbm4b:s6+s3], $0x80, v4, vm0, $0xb8;
	[tilespmem:$0x1F000] =	vst v63  }
0x540: {  	s22 =	simm.s32 $0x1A800  }
0x541: {  	[tilespmem:s22], [sflag:$0x5] =	stream.indirect_vreg.gather [hbm4b:s1+s3], $0x80, v3, vm0, $0xb8;
	[tilespmem:$0x1F000] =	vst v63  }
0x542: {  	s24 =	simm.s32 $0x1B000  }
0x543: {  	[tilespmem:s24], [sflag:$0x5] =	stream.indirect_vreg.gather [hbm4b:s5+s3], $0x80, v3, vm0, $0xb8;
	[tilespmem:$0x1F000] =	vst v63  }
0x544: {  	s24 =	simm.s32 $0x1B800  }
0x545: {  	[tilespmem:s24], [sflag:$0x5] =	stream.indirect_vreg.gather [hbm4b:s6+s3], $0x80, v3, vm0, $0xb8;
	[tilespmem:$0x1F000] =	vst v63  }
0x546: {  	v3 =	vld [tilespmem:$0xE90];
	_ =	sdelay $0x4  }
0x547: {  	v59 =	vshrl.u32 v3, $0x3  }
0x548: {  	v4 =	vmul.u32 $0x30, v59  }
0x549: {  	v3 =	vand.u32 $0x7, v3  }
0x54a: {  	v3 =	vor.u32 v3, v4  }
0x54b: {  	v4 =	vperm.xlane v3, v0;
	_ =	sdelay $0x1  }
0x54c: {  	v4 =	vadd.s32 v1, v4;
	_ =	sdelay $0x3  }
0x54d: {  	s24 =	simm.s32 $0x1C000;
	v3 =	vperm.xlane v3, v2  }
0x54e: {  	[tilespmem:s24], [sflag:$0x5] =	stream.indirect_vreg.gather [hbm4b:s1+s3], $0x80, v4, vm0, $0xb8;
	[tilespmem:$0x1F000] =	vst v63  }
0x54f: {  	v3 =	vadd.s32 v1, v3;
	s24 =	simm.s32 $0x1C800  }
0x550: {  	[tilespmem:s24], [sflag:$0x5] =	stream.indirect_vreg.gather [hbm4b:s5+s3], $0x80, v4, vm0, $0xb8;
	[tilespmem:$0x1F000] =	vst v63  }
0x551: {  	_ = 	snop  }
0x552: {  	[tilespmem:s7], [sflag:$0x5] =	stream.indirect_vreg.gather [hbm4b:s6+s3], $0x80, v4, vm0, $0xb8;
	[tilespmem:$0x1F000] =	vst v63  }
0x553: {  	_ = 	snop  }
0x554: {  	[tilespmem:s9], [sflag:$0x5] =	stream.indirect_vreg.gather [hbm4b:s1+s3], $0x80, v3, vm0, $0xb8;
	[tilespmem:$0x1F000] =	vst v63  }
0x555: {  	s22 =	simm.s32 $0x1E000  }
0x556: {  	[tilespmem:s22], [sflag:$0x5] =	stream.indirect_vreg.gather [hbm4b:s5+s3], $0x80, v3, vm0, $0xb8;
	[tilespmem:$0x1F000] =	vst v63  }
0x557: {  	s24 =	simm.s32 $0x1E800  }
0x558: {  	[tilespmem:s24], [sflag:$0x5] =	stream.indirect_vreg.gather [hbm4b:s6+s3], $0x80, v3, vm0, $0xb8;
	[tilespmem:$0x1F000] =	vst v63  }
0x559: {  	s0 =	sld [smem:$0x7F8];
	_ =	swait.ge [sflag:s12], $0x6000  }
0x55a: {  	[sflag:s12] =	ssyncset.done $0x0  }
0x55b: {  	s4 =	simm.s32 $0x7000;
	s9 =	rddreg [dreg:$0x1e];
	[sflag:s12] =	ssyncadd.s32 $0xFFFFA000  }
0x55c: {  	[hbm4b:s9+s3] =	stream.linear.scatter [tilespmem:s4], [sflag:$0x7], $0x6000, $0x38;
	[tilespmem:$0x1F000] =	vst v63  }
0x55d: {  	_ =	swait.ge [sflag:s13], $0x6000  }
0x55e: {  	[sflag:s13] =	ssyncset.done $0x0  }
0x55f: {  	[sflag:s13] =	ssyncadd.s32 $0xFFFFA000  }
0x560: {  	v3 =	vld [tilespmem:$0xF00];
	_ =	sdelay $0x4  }
0x561: {  	v60 =	vshrl.u32 v3, $0x3  }
0x562: {  	v4 =	vmul.u32 $0x30, v60  }
0x563: {  	v3 =	vand.u32 $0x7, v3  }
0x564: {  	v3 =	vor.u32 v3, v4  }
0x565: {  	v4 =	vperm.xlane v3, v0;
	_ =	sdelay $0x1  }
0x566: {  	v4 =	vadd.s32 v1, v4;
	_ =	sdelay $0x3  }
0x567: {  	v3 =	vperm.xlane v3, v2  }
0x568: {  	[tilespmem:s23], [sflag:$0x1] =	stream.indirect_vreg.gather [hbm4b:s1+s3], $0x80, v4, vm0, $0xb8;
	[tilespmem:$0x1F000] =	vst v63  }
0x569: {  	v3 =	vadd.s32 v1, v3;
	s23 =	simm.s32 $0x1800  }
0x56a: {  	[tilespmem:s23], [sflag:$0x1] =	stream.indirect_vreg.gather [hbm4b:s5+s3], $0x80, v4, vm0, $0xb8;
	[tilespmem:$0x1F000] =	vst v63  }
0x56b: {  	s24 =	simm.s32 $0x2000  }
0x56c: {  	[tilespmem:s24], [sflag:$0x1] =	stream.indirect_vreg.gather [hbm4b:s6+s3], $0x80, v4, vm0, $0xb8;
	[tilespmem:$0x1F000] =	vst v63  }
0x56d: {  	s22 =	simm.s32 $0x2800  }
0x56e: {  	[tilespmem:s22], [sflag:$0x1] =	stream.indirect_vreg.gather [hbm4b:s1+s3], $0x80, v3, vm0, $0xb8;
	[tilespmem:$0x1F000] =	vst v63  }
0x56f: {  	s23 =	simm.s32 $0x3000  }
0x570: {  	[tilespmem:s23], [sflag:$0x1] =	stream.indirect_vreg.gather [hbm4b:s5+s3], $0x80, v3, vm0, $0xb8;
	[tilespmem:$0x1F000] =	vst v63  }
0x571: {  	s24 =	simm.s32 $0x3800  }
0x572: {  	[tilespmem:s24], [sflag:$0x1] =	stream.indirect_vreg.gather [hbm4b:s6+s3], $0x80, v3, vm0, $0xb8;
	[tilespmem:$0x1F000] =	vst v63  }
0x573: {  	v3 =	vld [tilespmem:$0xF10];
	_ =	sdelay $0x4  }
0x574: {  	v61 =	vshrl.u32 v3, $0x3  }
0x575: {  	v4 =	vmul.u32 $0x30, v61  }
0x576: {  	v3 =	vand.u32 $0x7, v3  }
0x577: {  	v3 =	vor.u32 v3, v4  }
0x578: {  	v4 =	vperm.xlane v3, v0;
	_ =	sdelay $0x1  }
0x579: {  	v4 =	vadd.s32 v1, v4;
	_ =	sdelay $0x3  }
0x57a: {  	s22 =	simm.s32 $0x4000;
	v3 =	vperm.xlane v3, v2  }
0x57b: {  	[tilespmem:s22], [sflag:$0x1] =	stream.indirect_vreg.gather [hbm4b:s1+s3], $0x80, v4, vm0, $0xb8;
	[tilespmem:$0x1F000] =	vst v63  }
0x57c: {  	s23 =	simm.s32 $0x4800;
	v3 =	vadd.s32 v1, v3  }
0x57d: {  	[tilespmem:s23], [sflag:$0x1] =	stream.indirect_vreg.gather [hbm4b:s5+s3], $0x80, v4, vm0, $0xb8;
	[tilespmem:$0x1F000] =	vst v63  }
0x57e: {  	s24 =	simm.s32 $0x5000  }
0x57f: {  	[tilespmem:s24], [sflag:$0x1] =	stream.indirect_vreg.gather [hbm4b:s6+s3], $0x80, v4, vm0, $0xb8;
	[tilespmem:$0x1F000] =	vst v63  }
0x580: {  	s22 =	simm.s32 $0x5800  }
0x581: {  	[tilespmem:s22], [sflag:$0x1] =	stream.indirect_vreg.gather [hbm4b:s1+s3], $0x80, v3, vm0, $0xb8;
	[tilespmem:$0x1F000] =	vst v63  }
0x582: {  	s23 =	simm.s32 $0x6000  }
0x583: {  	[tilespmem:s23], [sflag:$0x1] =	stream.indirect_vreg.gather [hbm4b:s5+s3], $0x80, v3, vm0, $0xb8;
	[tilespmem:$0x1F000] =	vst v63  }
0x584: {  	s24 =	simm.s32 $0x6800  }
0x585: {  	[tilespmem:s24], [sflag:$0x1] =	stream.indirect_vreg.gather [hbm4b:s6+s3], $0x80, v3, vm0, $0xb8;
	[tilespmem:$0x1F000] =	vst v63  }
0x586: {  	_ =	swait.ge [sflag:s14], $0x6000  }
0x587: {  	[sflag:s14] =	ssyncset.done $0x0  }
0x588: {  	s11 =	simm.s32 $0xD000;
	s7 =	rddreg [dreg:$0x1f];
	[sflag:s14] =	ssyncadd.s32 $0xFFFFA000  }
0x589: {  	[hbm4b:s7+s3] =	stream.linear.scatter [tilespmem:s11], [sflag:$0x8], $0x6000, $0x38;
	[tilespmem:$0x1F000] =	vst v63  }
0x58a: {  	_ =	swait.ge [sflag:s15], $0x6000  }
0x58b: {  	[sflag:s15] =	ssyncset.done $0x0  }
0x58c: {  	[sflag:s15] =	ssyncadd.s32 $0xFFFFA000  }
0x58d: {  	v3 =	vld [tilespmem:$0xF80];
	_ =	sdelay $0x4  }
0x58e: {  	v62 =	vshrl.u32 v3, $0x3  }
0x58f: {  	v4 =	vmul.u32 $0x30, v62  }
0x590: {  	v3 =	vand.u32 $0x7, v3  }
0x591: {  	v3 =	vor.u32 v3, v4  }
0x592: {  	v4 =	vperm.xlane v3, v0;
	_ =	sdelay $0x1  }
0x593: {  	v4 =	vadd.s32 v1, v4;
	_ =	sdelay $0x3  }
0x594: {  	v3 =	vperm.xlane v3, v2  }
0x595: {  	[tilespmem:s4], [sflag:$0x2] =	stream.indirect_vreg.gather [hbm4b:s1+s3], $0x80, v4, vm0, $0xb8;
	[tilespmem:$0x1F000] =	vst v63  }
0x596: {  	s22 =	simm.s32 $0x7800;
	v3 =	vadd.s32 v1, v3  }
0x597: {  	[tilespmem:s22], [sflag:$0x2] =	stream.indirect_vreg.gather [hbm4b:s5+s3], $0x80, v4, vm0, $0xb8;
	[tilespmem:$0x1F000] =	vst v63  }
0x598: {  	s25 =	simm.s32 $0x8000  }
0x599: {  	[tilespmem:s25], [sflag:$0x2] =	stream.indirect_vreg.gather [hbm4b:s6+s3], $0x80, v4, vm0, $0xb8;
	[tilespmem:$0x1F000] =	vst v63  }
0x59a: {  	s23 =	simm.s32 $0x8800  }
0x59b: {  	[tilespmem:s23], [sflag:$0x2] =	stream.indirect_vreg.gather [hbm4b:s1+s3], $0x80, v3, vm0, $0xb8;
	[tilespmem:$0x1F000] =	vst v63  }
0x59c: {  	s24 =	simm.s32 $0x9000  }
0x59d: {  	[tilespmem:s24], [sflag:$0x2] =	stream.indirect_vreg.gather [hbm4b:s5+s3], $0x80, v3, vm0, $0xb8;
	[tilespmem:$0x1F000] =	vst v63  }
0x59e: {  	s28 =	simm.s32 $0x9800  }
0x59f: {  	[tilespmem:s28], [sflag:$0x2] =	stream.indirect_vreg.gather [hbm4b:s6+s3], $0x80, v3, vm0, $0xb8;
	[tilespmem:$0x1F000] =	vst v63  }
0x5a0: {  	v3 =	vld [tilespmem:$0xF90];
	_ =	sdelay $0x4  }
0x5a1: {  	v63 =	vshrl.u32 v3, $0x3  }
0x5a2: {  	v4 =	vmul.u32 $0x30, v63  }
0x5a3: {  	v3 =	vand.u32 $0x7, v3  }
0x5a4: {  	v3 =	vor.u32 v3, v4  }
0x5a5: {  	v4 =	vperm.xlane v3, v0;
	_ =	sdelay $0x1  }
0x5a6: {  	v4 =	vadd.s32 v1, v4;
	_ =	sdelay $0x3  }
0x5a7: {  	s29 =	simm.s32 $0xA000;
	v3 =	vperm.xlane v3, v2  }
0x5a8: {  	[tilespmem:s29], [sflag:$0x2] =	stream.indirect_vreg.gather [hbm4b:s1+s3], $0x80, v4, vm0, $0xb8;
	[tilespmem:$0x1F000] =	vst v63  }
0x5a9: {  	s25 =	simm.s32 $0xA800;
	v3 =	vadd.s32 v1, v3  }
0x5aa: {  	[tilespmem:s25], [sflag:$0x2] =	stream.indirect_vreg.gather [hbm4b:s5+s3], $0x80, v4, vm0, $0xb8;
	[tilespmem:$0x1F000] =	vst v63  }
0x5ab: {  	s8 =	simm.s32 $0xB000  }
0x5ac: {  	[tilespmem:s8], [sflag:$0x2] =	stream.indirect_vreg.gather [hbm4b:s6+s3], $0x80, v4, vm0, $0xb8;
	[tilespmem:$0x1F000] =	vst v63  }
0x5ad: {  	s21 =	simm.s32 $0xB800  }
0x5ae: {  	[tilespmem:s21], [sflag:$0x2] =	stream.indirect_vreg.gather [hbm4b:s1+s3], $0x80, v3, vm0, $0xb8;
	[tilespmem:$0x1F000] =	vst v63  }
0x5af: {  	s26 =	simm.s32 $0xC000  }
0x5b0: {  	[tilespmem:s26], [sflag:$0x2] =	stream.indirect_vreg.gather [hbm4b:s5+s3], $0x80, v3, vm0, $0xb8;
	[tilespmem:$0x1F000] =	vst v63  }
0x5b1: {  	s30 =	simm.s32 $0xC800  }
0x5b2: {  	[tilespmem:s30], [sflag:$0x2] =	stream.indirect_vreg.gather [hbm4b:s6+s3], $0x80, v3, vm0, $0xb8;
	[tilespmem:$0x1F000] =	vst v63  }
0x5b3: {  	_ =	swait.ge [sflag:s16], $0x6000  }
0x5b4: {  	s28 =	sld [smem:$0x7FA]  }
0x5b5: {  	[sflag:s16] =	ssyncset.done $0x0  }
0x5b6: {  	s31 =	simm.s32 $0x13000;
	[sflag:s16] =	ssyncadd.s32 $0xFFFFA000  }
0x5b7: {  	[hbm4b:s28+s3] =	stream.linear.scatter [tilespmem:s31], [sflag:$0x9], $0x6000, $0x38;
	[tilespmem:$0x1F000] =	vst v63  }
0x5b8: {  	_ =	swait.ge [sflag:s18], $0x6000  }
0x5b9: {  	s29 =	sld [smem:$0x7FB]  }
0x5ba: {  	[sflag:s18] =	ssyncset.done $0x0  }
0x5bb: {  	s2 =	simm.s32 $0x19000;
	[sflag:s18] =	ssyncadd.s32 $0xFFFFA000  }
0x5bc: {  	[hbm4b:s29+s3] =	stream.linear.scatter [tilespmem:s2], [sflag:$0xA], $0x6000, $0x38;
	[tilespmem:$0x1F000] =	vst v63  }
0x5bd: {  	_ =	swait.ge [sflag:s10], $0x6000  }
0x5be: {  	s30 =	sld [smem:$0x7FC]  }
0x5bf: {  	[sflag:s10] =	ssyncset.done $0x0  }
0x5c0: {  	s9 =	simm.s32 $0x1000;
	[sflag:s10] =	ssyncadd.s32 $0xFFFFA000  }
0x5c1: {  	[hbm4b:s30+s3] =	stream.linear.scatter [tilespmem:s9], [sflag:$0x6], $0x6000, $0x38;
	[tilespmem:$0x1F000] =	vst v63  }
0x5c2: {  	_ =	swait.ge [sflag:s12], $0x6000  }
0x5c3: {  	s31 =	sld [smem:$0x7FD]  }
0x5c4: {  	[sflag:s12] =	ssyncset.done $0x0  }
0x5c5: {  	[sflag:s12] =	ssyncadd.s32 $0xFFFFA000  }
0x5c6: {  	[hbm4b:s31+s3] =	stream.linear.scatter [tilespmem:s4], [sflag:$0x7], $0x6000, $0x38;
	[tilespmem:$0x1F000] =	vst v63  }
0x5c7: {  	_ =	swait.ge [sflag:s17], $0x6000  }
0x5c8: {  	[sflag:s17] =	ssyncset.done $0x0  }
0x5c9: {  	[sflag:s17] =	ssyncadd.s32 $0xFFFFA000  }
0x5ca: {  	_ =	swait.ge [sflag:s19], $0x6000  }
0x5cb: {  	[sflag:s19] =	ssyncset.done $0x0  }
0x5cc: {  	[sflag:s19] =	ssyncadd.s32 $0xFFFFA000  }
0x5cd: {  	_ =	swait.ge [sflag:s20], $0x6000  }
0x5ce: {  	[sflag:s20] =	ssyncset.done $0x0  }
0x5cf: {  	[sflag:s20] =	ssyncadd.s32 $0xFFFFA000  }
0x5d0: {  	p0 =	sne.s32 s0, $0x1;
	_ =	swait.ge [sflag:s13], $0x6000  }
.Ltmp0:
0x5d1: {  	[sflag:s13] =	ssyncset.done $0x0;
	(pc) =	sbr.rel @p0 .LBB2_1-.Ltmp0, $4  }
0x5d2: {  	[sflag:s13] =	ssyncadd.s32 $0xFFFFA000  }
0x5d3: {  	_ =	swait.ge [sflag:s15], $0x6000  }
0x5d4: {  	[sflag:s15] =	ssyncset.done $0x0  }
0x5d5: {  	s0 =	sadd.s32 $0xFFFFFFFF, s0;
	[sflag:s15] =	ssyncadd.s32 $0xFFFFA000  }
0x5d6: {  	_ =	sfence.sel $0x180000  }
0x5d7: {  	[bflag:$0x0] =	sbarrier.arrive $0xFFFF  }
0x5d8: {  	_ =	strace $0x90000047  }
0x5d9: {  	s0 =	stileid.u32;
	[bflag:$0x2] =	sbarrier.arrive $0xFFFF  }
0x5da: {  	p0 =	sne.s32 s0, $0x0;
	s0 =	rddreg [dreg:$0x3]  }
0x5db: {  	s0 =	sadd.s32 @!p0 $0x100000, s0  }
0x5dc: {  	[sflag:s0] =	ssyncadd.tile.s32 @!p0 $0x1;
	_ =	shalt  }
.Lfunc_end2:
_tile_overlayer_lowered:
.L_overlay_start_2:
0x5dd: {  	(tag) =	ssettag $0x2  }
0x5de: {  	s0 =	rddreg [dreg:$0x0];
	s2 =	stileid.u32  }
0x5df: {  	s1 =	rddreg [dreg:$0x1];
	p0 =	sne.s32 s2, $0x0  }
0x5e0: {  	s3 =	rddreg [dreg:$0x2];
	[bflag:$0x3] =	sbarrier.arrive $0xFFFF;
	s2 =	simm.s32 @!p0 $0x1C0B  }
0x5e1: {  	[timem:s3], [sflag:s2] =	dma.local @!p0 [hbm:s0], s1  }
0x5e2: {  	s0 =	simm.s32 @!p0 $0xB  }
0x5e3: {  	_ =	swait.ge @!p0 [sflag:s0], s1  }
0x5e4: {  	s1 =	ssub.s32 @!p0 $0x0, s1;
	[sflag:s0] =	ssyncset.done @!p0 $0x0  }
0x5e5: {  	[sflag:s0] =	ssyncadd.s32 @!p0 s1  }
0x5e6: {  	[bflag:$0x3] =	sbarrier.arrive $0xFFFF  }
0x5e7: {  	_ =	shalt  }

</sc_bundles>
